<compile_context>
chip_gen: v7x
topology: tpu7x:2x2x1
jax: 0.10.2.dev20260603
libtpu: 0.0.44.dev20260713+nightly
codegen_flags: <defaults>
</compile_context>

<pallas_src>
import functools

import jax
import jax.numpy as jnp
from jax import lax
from jax.experimental import pallas as pl
from jax.experimental.pallas import tpu as pltpu
from jax.experimental.pallas import tpu_sc as plsc

INPUT_DIM = 1024
LATENT_DIM = 64
NUM_EMBEDDINGS = 1024
BATCH = 16384

TILE = 512
NSEG = 4
SEG = BATCH // NSEG

_SC_INFO = plsc.get_sparse_core_info()
NW = _SC_INFO.num_cores * _SC_INFO.num_subcores
B_PER_W = SEG // NW
CHUNK = 32
NCH = B_PER_W // CHUNK


def _idx_body(x_ref, we_ref, be_ref, emb_ref, e2_ref, idx_ref):
    x = x_ref[...]
    z = jnp.dot(x, we_ref[...], preferred_element_type=jnp.float32) + be_ref[...]
    sim = jnp.dot(z, emb_ref[...], preferred_element_type=jnp.float32)
    d = jnp.sum(z * z, axis=1, keepdims=True) + e2_ref[...] - 2.0 * sim
    idx_ref[0] = jnp.argmin(d, axis=1)[None, :]


def _table_body(embt_ref, wd_ref, bd_ref, emb_ref, cb_ref, e2_ref):
    cb_ref[...] = (jnp.dot(embt_ref[...], wd_ref[...],
                           preferred_element_type=jnp.float32) + bd_ref[...])
    e2_ref[...] = jnp.sum(emb_ref[...] ** 2, axis=0, keepdims=True)


def _gather_segment(cb_hbm, idx_hbm, out_hbm, seg_base, idx_v, bufs, gsems, ssems):
    wid = lax.axis_index("s") * _SC_INFO.num_cores + lax.axis_index("c")
    wbase = wid * B_PER_W
    pltpu.sync_copy(idx_hbm.at[pl.ds(wbase, B_PER_W)], idx_v)

    def start_gather(c, b):
        return pltpu.async_copy(
            cb_hbm.at[idx_v.at[pl.ds(c * CHUNK, CHUNK)]], bufs[b], gsems[b])

    def start_store(c, b):
        return pltpu.async_copy(
            bufs[b], out_hbm.at[pl.ds(seg_base + wbase + c * CHUNK, CHUNK)],
            ssems[b])

    hs = [None, None]
    hg = [None, None]
    hg[0] = start_gather(0, 0)
    for c in range(NCH):
        b = c & 1
        nb = (c + 1) & 1
        if c + 1 < NCH:
            if hs[nb] is not None:
                hs[nb].wait()
            hg[nb] = start_gather(c + 1, nb)
        hg[b].wait()
        hs[b] = start_store(c, b)
    for b in (0, 1):
        if hs[b] is not None:
            hs[b].wait()


_SC_SCRATCH = [
    pltpu.VMEM((B_PER_W,), jnp.int32),
    pltpu.VMEM((CHUNK, INPUT_DIM), jnp.float32),
    pltpu.VMEM((CHUNK, INPUT_DIM), jnp.float32),
    pltpu.SemaphoreType.DMA,
    pltpu.SemaphoreType.DMA,
    pltpu.SemaphoreType.DMA,
    pltpu.SemaphoreType.DMA,
]

_MESH = plsc.VectorSubcoreMesh(core_axis_name="c", subcore_axis_name="s")


@functools.partial(
    pl.kernel, mesh=_MESH,
    out_type=jax.ShapeDtypeStruct((BATCH, INPUT_DIM), jnp.float32),
    scratch_types=_SC_SCRATCH,
)
def _sc_gather_seed(cb_hbm, idx_hbm, out_hbm, idx_v, b0, b1, g0, g1, s0, s1):
    _gather_segment(cb_hbm, idx_hbm, out_hbm, 0, idx_v,
                    (b0, b1), (g0, g1), (s0, s1))


def _make_sc_gather_inplace(seg_base):
    @functools.partial(pl.kernel, mesh=_MESH, out_type=(),
                       scratch_types=_SC_SCRATCH)
    def f(cb_hbm, idx_hbm, out_hbm, idx_v, b0, b1, g0, g1, s0, s1):
        _gather_segment(cb_hbm, idx_hbm, out_hbm, seg_base, idx_v,
                        (b0, b1), (g0, g1), (s0, s1))
    return f


_sc_gather_inplace = [_make_sc_gather_inplace(k * SEG) for k in range(1, NSEG)]


@jax.jit
def kernel(x, W_enc, b_enc, W_emb, W_dec, b_dec):
    full = lambda shape: pl.BlockSpec(shape, lambda i: (0,) * len(shape))
    nbs = SEG // TILE

    cb, e2 = pl.pallas_call(
        _table_body,
        in_specs=[
            pl.BlockSpec((NUM_EMBEDDINGS, LATENT_DIM), lambda: (0, 0)),
            pl.BlockSpec((LATENT_DIM, INPUT_DIM), lambda: (0, 0)),
            pl.BlockSpec((1, INPUT_DIM), lambda: (0, 0)),
            pl.BlockSpec((LATENT_DIM, NUM_EMBEDDINGS), lambda: (0, 0)),
        ],
        out_specs=[
            pl.BlockSpec((NUM_EMBEDDINGS, INPUT_DIM), lambda: (0, 0)),
            pl.BlockSpec((1, NUM_EMBEDDINGS), lambda: (0, 0)),
        ],
        out_shape=[
            jax.ShapeDtypeStruct((NUM_EMBEDDINGS, INPUT_DIM), jnp.float32),
            jax.ShapeDtypeStruct((1, NUM_EMBEDDINGS), jnp.float32),
        ],
    )(W_emb.T, W_dec, b_dec.reshape(1, -1), W_emb)

    def idx_call(k):
        base = k * nbs
        return pl.pallas_call(
            _idx_body,
            grid=(nbs,),
            in_specs=[
                pl.BlockSpec((TILE, INPUT_DIM), lambda i: (base + i, 0)),
                full((INPUT_DIM, LATENT_DIM)),
                full((1, LATENT_DIM)),
                full((LATENT_DIM, NUM_EMBEDDINGS)),
                full((1, NUM_EMBEDDINGS)),
            ],
            out_specs=pl.BlockSpec((1, 1, TILE), lambda i: (i, 0, 0)),
            out_shape=jax.ShapeDtypeStruct((nbs, 1, TILE), jnp.int32),
        )
    be = b_enc.reshape(1, -1)

    idx = [idx_call(k)(x, W_enc, be, W_emb, e2).reshape(SEG) for k in range(NSEG)]

    out0 = _sc_gather_seed(cb, idx[0])
    oref = jax.new_ref(out0)
    for k in range(1, NSEG):
        _sc_gather_inplace[k - 1](cb, idx[k], oref)
    return oref[...]

# --- scband reference (transcript-rebuilt; emitter-appended) ---
"""Pipeline reference for scband-vqvaetrainer-19069654794347 (READ-ONLY COPY).

The authoritative reference and input builder live on the scoring server;
editing this copy changes nothing except your own understanding.
"""

import jax, jax.numpy as jnp
import numpy as np

INPUT_DIM = 1024
LATENT_DIM = 64
NUM_EMBEDDINGS = 1024
BATCH = 16384


def setup_inputs(seed: int = 0) -> dict:
    key = jax.random.key(seed)
    k_x, k_we, k_be, k_emb, k_wd, k_bd = jax.random.split(key, 6)
    x = jax.random.normal(k_x, (BATCH, INPUT_DIM), dtype=jnp.float32)
    # dense encoder: input_dim -> latent_dim
    W_enc = jax.random.normal(k_we, (INPUT_DIM, LATENT_DIM), dtype=jnp.float32) * (1.0 / np.sqrt(INPUT_DIM))
    b_enc = jnp.zeros((LATENT_DIM,), dtype=jnp.float32)
    # VQ codebook: (embedding_dim, num_embeddings) as in the TF layer
    W_emb = jax.random.uniform(k_emb, (LATENT_DIM, NUM_EMBEDDINGS), dtype=jnp.float32, minval=-1.0, maxval=1.0)
    # dense decoder: latent_dim -> output_dim (== input_dim)
    W_dec = jax.random.normal(k_wd, (LATENT_DIM, INPUT_DIM), dtype=jnp.float32) * (1.0 / np.sqrt(LATENT_DIM))
    b_dec = jnp.zeros((INPUT_DIM,), dtype=jnp.float32)
    return {"x": x, "W_enc": W_enc, "b_enc": b_enc, "W_emb": W_emb, "W_dec": W_dec, "b_dec": b_dec}


def _get_code_indices(flattened, embeddings):
    similarity = flattened @ embeddings  # [B, K]
    distances = (
        jnp.sum(flattened ** 2, axis=1, keepdims=True)
        + jnp.sum(embeddings ** 2, axis=0)
        - 2.0 * similarity
    )
    return jnp.argmin(distances, axis=1)


def reference(x, W_enc, b_enc, W_emb, W_dec, b_dec):
    # encoder (dense)
    z = x @ W_enc + b_enc  # [B, latent_dim]
    # VectorQuantizer.call
    flattened = jnp.reshape(z, (-1, LATENT_DIM))
    encoding_indices = _get_code_indices(flattened, W_emb)
    encodings = jax.nn.one_hot(encoding_indices, NUM_EMBEDDINGS, dtype=jnp.float32)
    quantized = encodings @ W_emb.T  # [B, latent_dim]
    quantized = jnp.reshape(quantized, z.shape)
    # straight-through estimator
    quantized = z + jax.lax.stop_gradient(quantized - z)
    # decoder (dense)
    reconstructions = quantized @ W_dec + b_dec  # [B, input_dim]
    return reconstructions

if __name__ == "__main__":
    import jax
    _d = setup_inputs()
    print(jax.jit(kernel)(*tuple(_d.values())))

</pallas_src>

<mosaic_0001>
#map = affine_map<(d0, d1) -> (0, 0)>
#map1 = affine_map<(d0, d1) -> (0)>
module attributes {stable_mosaic.version = 14 : i64} {
  func.func @new_body(%arg0: i32, %arg1: i32, %arg2: memref<1024x1024xf32, #tpu.memory_space<hbm>>, %arg3: memref<4096xi32, #tpu.memory_space<hbm>>, %arg4: memref<16384x1024xf32, #tpu.memory_space<hbm>>, %arg5: memref<16384x1024xf32, #tpu.memory_space<hbm>>, %arg6: memref<128xi32, #tpu.memory_space<vmem>>, %arg7: memref<32x1024xf32, #tpu.memory_space<vmem>>, %arg8: memref<32x1024xf32, #tpu.memory_space<vmem>>, %arg9: memref<!tpu.dma_semaphore, #tpu.memory_space<semaphore_mem>>, %arg10: memref<!tpu.dma_semaphore, #tpu.memory_space<semaphore_mem>>, %arg11: memref<!tpu.dma_semaphore, #tpu.memory_space<semaphore_mem>>, %arg12: memref<!tpu.dma_semaphore, #tpu.memory_space<semaphore_mem>>) attributes {dimension_semantics = [#tpu.dimension_semantics<core_parallel>, #tpu.dimension_semantics<subcore_parallel>], iteration_bounds = array<i64: 2, 16>, scalar_prefetch = 0 : i64, scratch_operands = 7 : i64, tpu.core_type = #tpu.core_type<sc_vector_subcore>, window_params = [{transform_indices = #map}, {transform_indices = #map1}, {transform_indices = #map}, {transform_indices = #map}]} {
    %mul3A = arith.constant 2 : i32
    %mul3A_0 = arith.muli %arg1, %mul3A : i32
    %add3A = arith.addi %mul3A_0, %arg0 : i32
    %mul3A_1 = arith.constant 128 : i32
    %mul3A_2 = arith.muli %add3A, %mul3A_1 : i32
    "tpu.region"() ({
      %run_scoped3A = tpu.sem_alloc : memref<!tpu.dma_semaphore, #tpu.memory_space<semaphore_mem>>
      %dma_start3A_89 = tpu.memref_slice %arg3[%mul3A_2] : memref<4096xi32, #tpu.memory_space<hbm>> -> memref<128xi32, #tpu.memory_space<hbm>>
      %dma_start3A_90 = tpu.memref_slice %arg3[%mul3A_2] : memref<4096xi32, #tpu.memory_space<hbm>> -> memref<128xi32, #tpu.memory_space<hbm>>
      tpu.enqueue_dma source(%dma_start3A_90 : memref<128xi32, #tpu.memory_space<hbm>>) target(%arg6 : memref<128xi32, #tpu.memory_space<vmem>>) target_semaphore(%run_scoped3A : memref<!tpu.dma_semaphore, #tpu.memory_space<semaphore_mem>>)
      %dma_wait3A_91 = tpu.memref_slice %arg3[%mul3A_2] : memref<4096xi32, #tpu.memory_space<hbm>> -> memref<128xi32, #tpu.memory_space<hbm>>
      %dma_wait3A_92 = tpu.memref_slice %arg3[%mul3A_2] : memref<4096xi32, #tpu.memory_space<hbm>> -> memref<128xi32, #tpu.memory_space<hbm>>
      tpu.wait_dma2 semaphore(%run_scoped3A : memref<!tpu.dma_semaphore, #tpu.memory_space<semaphore_mem>>) src(%dma_wait3A_92 : memref<128xi32, #tpu.memory_space<hbm>>) dst(%arg6 : memref<128xi32, #tpu.memory_space<vmem>>)
      tpu.yield
    }) : () -> ()
    %dma_start3A = arith.constant 0 : i32
    %dma_start3A_3 = tpu.memref_slice %arg6[%dma_start3A] : memref<128xi32, #tpu.memory_space<vmem>> -> memref<32xi32, #tpu.memory_space<vmem>>
    %dma_start3A_4 = arith.constant 0 : i32
    %dma_start3A_5 = arith.constant 0 : i32
    %dma_start3A_6 = tpu.memref_slice %arg2[%dma_start3A_4, %dma_start3A_5] : memref<1024x1024xf32, #tpu.memory_space<hbm>> -> memref<1024x1024xf32, #tpu.memory_space<hbm>>
    tpu.enqueue_indirect_dma source(%dma_start3A_6 : memref<1024x1024xf32, #tpu.memory_space<hbm>>) target(%arg7 : memref<32x1024xf32, #tpu.memory_space<vmem>>) offsets(%dma_start3A_3 : memref<32xi32, #tpu.memory_space<vmem>>) semaphore(%arg9 : memref<!tpu.dma_semaphore, #tpu.memory_space<semaphore_mem>>)
    %dma_start3A_7 = arith.constant 32 : i32
    %dma_start3A_8 = tpu.memref_slice %arg6[%dma_start3A_7] : memref<128xi32, #tpu.memory_space<vmem>> -> memref<32xi32, #tpu.memory_space<vmem>>
    %dma_start3A_9 = arith.constant 0 : i32
    %dma_start3A_10 = arith.constant 0 : i32
    %dma_start3A_11 = tpu.memref_slice %arg2[%dma_start3A_9, %dma_start3A_10] : memref<1024x1024xf32, #tpu.memory_space<hbm>> -> memref<1024x1024xf32, #tpu.memory_space<hbm>>
    tpu.enqueue_indirect_dma source(%dma_start3A_11 : memref<1024x1024xf32, #tpu.memory_space<hbm>>) target(%arg8 : memref<32x1024xf32, #tpu.memory_space<vmem>>) offsets(%dma_start3A_8 : memref<32xi32, #tpu.memory_space<vmem>>) semaphore(%arg10 : memref<!tpu.dma_semaphore, #tpu.memory_space<semaphore_mem>>)
    %dma_wait3A = arith.constant 0 : i32
    %dma_wait3A_12 = tpu.memref_slice %arg6[%dma_wait3A] : memref<128xi32, #tpu.memory_space<vmem>> -> memref<32xi32, #tpu.memory_space<vmem>>
    %dma_wait3A_13 = arith.constant 0 : i32
    %dma_wait3A_14 = arith.constant 0 : i32
    %dma_wait3A_15 = tpu.memref_slice %arg2[%dma_wait3A_13, %dma_wait3A_14] : memref<1024x1024xf32, #tpu.memory_space<hbm>> -> memref<1024x1024xf32, #tpu.memory_space<hbm>>
    tpu.wait_indirect_dma semaphore(%arg9 : memref<!tpu.dma_semaphore, #tpu.memory_space<semaphore_mem>>) src(%dma_wait3A_15 : memref<1024x1024xf32, #tpu.memory_space<hbm>>) dst(%arg7 : memref<32x1024xf32, #tpu.memory_space<vmem>>)
    %add3A_16 = arith.constant 12288 : i32
    %add3A_17 = arith.addi %add3A_16, %mul3A_2 : i32
    %add3A_18 = arith.constant 0 : i32
    %add3A_19 = arith.addi %add3A_17, %add3A_18 : i32
    %dma_start3A_20 = arith.constant 0 : i32
    %dma_start3A_21 = tpu.memref_slice %arg4[%add3A_19, %dma_start3A_20] : memref<16384x1024xf32, #tpu.memory_space<hbm>> -> memref<32x1024xf32, #tpu.memory_space<hbm>>
    %dma_start3A_22 = arith.constant 0 : i32
    %dma_start3A_23 = tpu.memref_slice %arg4[%add3A_19, %dma_start3A_22] : memref<16384x1024xf32, #tpu.memory_space<hbm>> -> memref<32x1024xf32, #tpu.memory_space<hbm>>
    tpu.enqueue_dma source(%arg7 : memref<32x1024xf32, #tpu.memory_space<vmem>>) target(%dma_start3A_23 : memref<32x1024xf32, #tpu.memory_space<hbm>>) target_semaphore(%arg11 : memref<!tpu.dma_semaphore, #tpu.memory_space<semaphore_mem>>)
    %dma_wait3A_24 = arith.constant 0 : i32
    %dma_wait3A_25 = tpu.memref_slice %arg4[%add3A_19, %dma_wait3A_24] : memref<16384x1024xf32, #tpu.memory_space<hbm>> -> memref<32x1024xf32, #tpu.memory_space<hbm>>
    %dma_wait3A_26 = arith.constant 0 : i32
    %dma_wait3A_27 = tpu.memref_slice %arg4[%add3A_19, %dma_wait3A_26] : memref<16384x1024xf32, #tpu.memory_space<hbm>> -> memref<32x1024xf32, #tpu.memory_space<hbm>>
    tpu.wait_dma2 semaphore(%arg11 : memref<!tpu.dma_semaphore, #tpu.memory_space<semaphore_mem>>) src(%arg7 : memref<32x1024xf32, #tpu.memory_space<vmem>>) dst(%dma_wait3A_27 : memref<32x1024xf32, #tpu.memory_space<hbm>>)
    %dma_start3A_28 = arith.constant 64 : i32
    %dma_start3A_29 = tpu.memref_slice %arg6[%dma_start3A_28] : memref<128xi32, #tpu.memory_space<vmem>> -> memref<32xi32, #tpu.memory_space<vmem>>
    %dma_start3A_30 = arith.constant 0 : i32
    %dma_start3A_31 = arith.constant 0 : i32
    %dma_start3A_32 = tpu.memref_slice %arg2[%dma_start3A_30, %dma_start3A_31] : memref<1024x1024xf32, #tpu.memory_space<hbm>> -> memref<1024x1024xf32, #tpu.memory_space<hbm>>
    tpu.enqueue_indirect_dma source(%dma_start3A_32 : memref<1024x1024xf32, #tpu.memory_space<hbm>>) target(%arg7 : memref<32x1024xf32, #tpu.memory_space<vmem>>) offsets(%dma_start3A_29 : memref<32xi32, #tpu.memory_space<vmem>>) semaphore(%arg9 : memref<!tpu.dma_semaphore, #tpu.memory_space<semaphore_mem>>)
    %dma_wait3A_33 = arith.constant 32 : i32
    %dma_wait3A_34 = tpu.memref_slice %arg6[%dma_wait3A_33] : memref<128xi32, #tpu.memory_space<vmem>> -> memref<32xi32, #tpu.memory_space<vmem>>
    %dma_wait3A_35 = arith.constant 0 : i32
    %dma_wait3A_36 = arith.constant 0 : i32
    %dma_wait3A_37 = tpu.memref_slice %arg2[%dma_wait3A_35, %dma_wait3A_36] : memref<1024x1024xf32, #tpu.memory_space<hbm>> -> memref<1024x1024xf32, #tpu.memory_space<hbm>>
    tpu.wait_indirect_dma semaphore(%arg10 : memref<!tpu.dma_semaphore, #tpu.memory_space<semaphore_mem>>) src(%dma_wait3A_37 : memref<1024x1024xf32, #tpu.memory_space<hbm>>) dst(%arg8 : memref<32x1024xf32, #tpu.memory_space<vmem>>)
    %add3A_38 = arith.constant 12288 : i32
    %add3A_39 = arith.addi %add3A_38, %mul3A_2 : i32
    %add3A_40 = arith.constant 32 : i32
    %add3A_41 = arith.addi %add3A_39, %add3A_40 : i32
    %dma_start3A_42 = arith.constant 0 : i32
    %dma_start3A_43 = tpu.memref_slice %arg4[%add3A_41, %dma_start3A_42] : memref<16384x1024xf32, #tpu.memory_space<hbm>> -> memref<32x1024xf32, #tpu.memory_space<hbm>>
    %dma_start3A_44 = arith.constant 0 : i32
    %dma_start3A_45 = tpu.memref_slice %arg4[%add3A_41, %dma_start3A_44] : memref<16384x1024xf32, #tpu.memory_space<hbm>> -> memref<32x1024xf32, #tpu.memory_space<hbm>>
    tpu.enqueue_dma source(%arg8 : memref<32x1024xf32, #tpu.memory_space<vmem>>) target(%dma_start3A_45 : memref<32x1024xf32, #tpu.memory_space<hbm>>) target_semaphore(%arg12 : memref<!tpu.dma_semaphore, #tpu.memory_space<semaphore_mem>>)
    %dma_wait3A_46 = arith.constant 0 : i32
    %dma_wait3A_47 = tpu.memref_slice %arg4[%add3A_41, %dma_wait3A_46] : memref<16384x1024xf32, #tpu.memory_space<hbm>> -> memref<32x1024xf32, #tpu.memory_space<hbm>>
    %dma_wait3A_48 = arith.constant 0 : i32
    %dma_wait3A_49 = tpu.memref_slice %arg4[%add3A_41, %dma_wait3A_48] : memref<16384x1024xf32, #tpu.memory_space<hbm>> -> memref<32x1024xf32, #tpu.memory_space<hbm>>
    tpu.wait_dma2 semaphore(%arg12 : memref<!tpu.dma_semaphore, #tpu.memory_space<semaphore_mem>>) src(%arg8 : memref<32x1024xf32, #tpu.memory_space<vmem>>) dst(%dma_wait3A_49 : memref<32x1024xf32, #tpu.memory_space<hbm>>)
    %dma_start3A_50 = arith.constant 96 : i32
    %dma_start3A_51 = tpu.memref_slice %arg6[%dma_start3A_50] : memref<128xi32, #tpu.memory_space<vmem>> -> memref<32xi32, #tpu.memory_space<vmem>>
    %dma_start3A_52 = arith.constant 0 : i32
    %dma_start3A_53 = arith.constant 0 : i32
    %dma_start3A_54 = tpu.memref_slice %arg2[%dma_start3A_52, %dma_start3A_53] : memref<1024x1024xf32, #tpu.memory_space<hbm>> -> memref<1024x1024xf32, #tpu.memory_space<hbm>>
    tpu.enqueue_indirect_dma source(%dma_start3A_54 : memref<1024x1024xf32, #tpu.memory_space<hbm>>) target(%arg8 : memref<32x1024xf32, #tpu.memory_space<vmem>>) offsets(%dma_start3A_51 : memref<32xi32, #tpu.memory_space<vmem>>) semaphore(%arg10 : memref<!tpu.dma_semaphore, #tpu.memory_space<semaphore_mem>>)
    %dma_wait3A_55 = arith.constant 64 : i32
    %dma_wait3A_56 = tpu.memref_slice %arg6[%dma_wait3A_55] : memref<128xi32, #tpu.memory_space<vmem>> -> memref<32xi32, #tpu.memory_space<vmem>>
    %dma_wait3A_57 = arith.constant 0 : i32
    %dma_wait3A_58 = arith.constant 0 : i32
    %dma_wait3A_59 = tpu.memref_slice %arg2[%dma_wait3A_57, %dma_wait3A_58] : memref<1024x1024xf32, #tpu.memory_space<hbm>> -> memref<1024x1024xf32, #tpu.memory_space<hbm>>
    tpu.wait_indirect_dma semaphore(%arg9 : memref<!tpu.dma_semaphore, #tpu.memory_space<semaphore_mem>>) src(%dma_wait3A_59 : memref<1024x1024xf32, #tpu.memory_space<hbm>>) dst(%arg7 : memref<32x1024xf32, #tpu.memory_space<vmem>>)
    %add3A_60 = arith.constant 12288 : i32
    %add3A_61 = arith.addi %add3A_60, %mul3A_2 : i32
    %add3A_62 = arith.constant 64 : i32
    %add3A_63 = arith.addi %add3A_61, %add3A_62 : i32
    %dma_start3A_64 = arith.constant 0 : i32
    %dma_start3A_65 = tpu.memref_slice %arg4[%add3A_63, %dma_start3A_64] : memref<16384x1024xf32, #tpu.memory_space<hbm>> -> memref<32x1024xf32, #tpu.memory_space<hbm>>
    %dma_start3A_66 = arith.constant 0 : i32
    %dma_start3A_67 = tpu.memref_slice %arg4[%add3A_63, %dma_start3A_66] : memref<16384x1024xf32, #tpu.memory_space<hbm>> -> memref<32x1024xf32, #tpu.memory_space<hbm>>
    tpu.enqueue_dma source(%arg7 : memref<32x1024xf32, #tpu.memory_space<vmem>>) target(%dma_start3A_67 : memref<32x1024xf32, #tpu.memory_space<hbm>>) target_semaphore(%arg11 : memref<!tpu.dma_semaphore, #tpu.memory_space<semaphore_mem>>)
    %dma_wait3A_68 = arith.constant 96 : i32
    %dma_wait3A_69 = tpu.memref_slice %arg6[%dma_wait3A_68] : memref<128xi32, #tpu.memory_space<vmem>> -> memref<32xi32, #tpu.memory_space<vmem>>
    %dma_wait3A_70 = arith.constant 0 : i32
    %dma_wait3A_71 = arith.constant 0 : i32
    %dma_wait3A_72 = tpu.memref_slice %arg2[%dma_wait3A_70, %dma_wait3A_71] : memref<1024x1024xf32, #tpu.memory_space<hbm>> -> memref<1024x1024xf32, #tpu.memory_space<hbm>>
    tpu.wait_indirect_dma semaphore(%arg10 : memref<!tpu.dma_semaphore, #tpu.memory_space<semaphore_mem>>) src(%dma_wait3A_72 : memref<1024x1024xf32, #tpu.memory_space<hbm>>) dst(%arg8 : memref<32x1024xf32, #tpu.memory_space<vmem>>)
    %add3A_73 = arith.constant 12288 : i32
    %add3A_74 = arith.addi %add3A_73, %mul3A_2 : i32
    %add3A_75 = arith.constant 96 : i32
    %add3A_76 = arith.addi %add3A_74, %add3A_75 : i32
    %dma_start3A_77 = arith.constant 0 : i32
    %dma_start3A_78 = tpu.memref_slice %arg4[%add3A_76, %dma_start3A_77] : memref<16384x1024xf32, #tpu.memory_space<hbm>> -> memref<32x1024xf32, #tpu.memory_space<hbm>>
    %dma_start3A_79 = arith.constant 0 : i32
    %dma_start3A_80 = tpu.memref_slice %arg4[%add3A_76, %dma_start3A_79] : memref<16384x1024xf32, #tpu.memory_space<hbm>> -> memref<32x1024xf32, #tpu.memory_space<hbm>>
    tpu.enqueue_dma source(%arg8 : memref<32x1024xf32, #tpu.memory_space<vmem>>) target(%dma_start3A_80 : memref<32x1024xf32, #tpu.memory_space<hbm>>) target_semaphore(%arg12 : memref<!tpu.dma_semaphore, #tpu.memory_space<semaphore_mem>>)
    %dma_wait3A_81 = arith.constant 0 : i32
    %dma_wait3A_82 = tpu.memref_slice %arg4[%add3A_63, %dma_wait3A_81] : memref<16384x1024xf32, #tpu.memory_space<hbm>> -> memref<32x1024xf32, #tpu.memory_space<hbm>>
    %dma_wait3A_83 = arith.constant 0 : i32
    %dma_wait3A_84 = tpu.memref_slice %arg4[%add3A_63, %dma_wait3A_83] : memref<16384x1024xf32, #tpu.memory_space<hbm>> -> memref<32x1024xf32, #tpu.memory_space<hbm>>
    tpu.wait_dma2 semaphore(%arg11 : memref<!tpu.dma_semaphore, #tpu.memory_space<semaphore_mem>>) src(%arg7 : memref<32x1024xf32, #tpu.memory_space<vmem>>) dst(%dma_wait3A_84 : memref<32x1024xf32, #tpu.memory_space<hbm>>)
    %dma_wait3A_85 = arith.constant 0 : i32
    %dma_wait3A_86 = tpu.memref_slice %arg4[%add3A_76, %dma_wait3A_85] : memref<16384x1024xf32, #tpu.memory_space<hbm>> -> memref<32x1024xf32, #tpu.memory_space<hbm>>
    %dma_wait3A_87 = arith.constant 0 : i32
    %dma_wait3A_88 = tpu.memref_slice %arg4[%add3A_76, %dma_wait3A_87] : memref<16384x1024xf32, #tpu.memory_space<hbm>> -> memref<32x1024xf32, #tpu.memory_space<hbm>>
    tpu.wait_dma2 semaphore(%arg12 : memref<!tpu.dma_semaphore, #tpu.memory_space<semaphore_mem>>) src(%arg8 : memref<32x1024xf32, #tpu.memory_space<vmem>>) dst(%dma_wait3A_88 : memref<32x1024xf32, #tpu.memory_space<hbm>>)
    return
  }
}

#map = affine_map<(d0, d1) -> (0, 0)>
#map1 = affine_map<(d0, d1) -> (0)>
module attributes {stable_mosaic.version = 14 : i64} {
  func.func @_sc_gather_seed(%arg0: i32, %arg1: i32, %arg2: memref<1024x1024xf32, #tpu.memory_space<hbm>>, %arg3: memref<4096xi32, #tpu.memory_space<hbm>>, %arg4: memref<16384x1024xf32, #tpu.memory_space<hbm>>, %arg5: memref<128xi32, #tpu.memory_space<vmem>>, %arg6: memref<32x1024xf32, #tpu.memory_space<vmem>>, %arg7: memref<32x1024xf32, #tpu.memory_space<vmem>>, %arg8: memref<!tpu.dma_semaphore, #tpu.memory_space<semaphore_mem>>, %arg9: memref<!tpu.dma_semaphore, #tpu.memory_space<semaphore_mem>>, %arg10: memref<!tpu.dma_semaphore, #tpu.memory_space<semaphore_mem>>, %arg11: memref<!tpu.dma_semaphore, #tpu.memory_space<semaphore_mem>>) attributes {dimension_semantics = [#tpu.dimension_semantics<core_parallel>, #tpu.dimension_semantics<subcore_parallel>], iteration_bounds = array<i64: 2, 16>, scalar_prefetch = 0 : i64, scratch_operands = 7 : i64, tpu.core_type = #tpu.core_type<sc_vector_subcore>, window_params = [{transform_indices = #map}, {transform_indices = #map1}, {transform_indices = #map}]} {
    %mul3A = arith.constant 2 : i32
    %mul3A_0 = arith.muli %arg1, %mul3A : i32
    %add3A = arith.addi %mul3A_0, %arg0 : i32
    %mul3A_1 = arith.constant 128 : i32
    %mul3A_2 = arith.muli %add3A, %mul3A_1 : i32
    "tpu.region"() ({
      %run_scoped3A = tpu.sem_alloc : memref<!tpu.dma_semaphore, #tpu.memory_space<semaphore_mem>>
      %dma_start3A_89 = tpu.memref_slice %arg3[%mul3A_2] : memref<4096xi32, #tpu.memory_space<hbm>> -> memref<128xi32, #tpu.memory_space<hbm>>
      %dma_start3A_90 = tpu.memref_slice %arg3[%mul3A_2] : memref<4096xi32, #tpu.memory_space<hbm>> -> memref<128xi32, #tpu.memory_space<hbm>>
      tpu.enqueue_dma source(%dma_start3A_90 : memref<128xi32, #tpu.memory_space<hbm>>) target(%arg5 : memref<128xi32, #tpu.memory_space<vmem>>) target_semaphore(%run_scoped3A : memref<!tpu.dma_semaphore, #tpu.memory_space<semaphore_mem>>)
      %dma_wait3A_91 = tpu.memref_slice %arg3[%mul3A_2] : memref<4096xi32, #tpu.memory_space<hbm>> -> memref<128xi32, #tpu.memory_space<hbm>>
      %dma_wait3A_92 = tpu.memref_slice %arg3[%mul3A_2] : memref<4096xi32, #tpu.memory_space<hbm>> -> memref<128xi32, #tpu.memory_space<hbm>>
      tpu.wait_dma2 semaphore(%run_scoped3A : memref<!tpu.dma_semaphore, #tpu.memory_space<semaphore_mem>>) src(%dma_wait3A_92 : memref<128xi32, #tpu.memory_space<hbm>>) dst(%arg5 : memref<128xi32, #tpu.memory_space<vmem>>)
      tpu.yield
    }) : () -> ()
    %dma_start3A = arith.constant 0 : i32
    %dma_start3A_3 = tpu.memref_slice %arg5[%dma_start3A] : memref<128xi32, #tpu.memory_space<vmem>> -> memref<32xi32, #tpu.memory_space<vmem>>
    %dma_start3A_4 = arith.constant 0 : i32
    %dma_start3A_5 = arith.constant 0 : i32
    %dma_start3A_6 = tpu.memref_slice %arg2[%dma_start3A_4, %dma_start3A_5] : memref<1024x1024xf32, #tpu.memory_space<hbm>> -> memref<1024x1024xf32, #tpu.memory_space<hbm>>
    tpu.enqueue_indirect_dma source(%dma_start3A_6 : memref<1024x1024xf32, #tpu.memory_space<hbm>>) target(%arg6 : memref<32x1024xf32, #tpu.memory_space<vmem>>) offsets(%dma_start3A_3 : memref<32xi32, #tpu.memory_space<vmem>>) semaphore(%arg8 : memref<!tpu.dma_semaphore, #tpu.memory_space<semaphore_mem>>)
    %dma_start3A_7 = arith.constant 32 : i32
    %dma_start3A_8 = tpu.memref_slice %arg5[%dma_start3A_7] : memref<128xi32, #tpu.memory_space<vmem>> -> memref<32xi32, #tpu.memory_space<vmem>>
    %dma_start3A_9 = arith.constant 0 : i32
    %dma_start3A_10 = arith.constant 0 : i32
    %dma_start3A_11 = tpu.memref_slice %arg2[%dma_start3A_9, %dma_start3A_10] : memref<1024x1024xf32, #tpu.memory_space<hbm>> -> memref<1024x1024xf32, #tpu.memory_space<hbm>>
    tpu.enqueue_indirect_dma source(%dma_start3A_11 : memref<1024x1024xf32, #tpu.memory_space<hbm>>) target(%arg7 : memref<32x1024xf32, #tpu.memory_space<vmem>>) offsets(%dma_start3A_8 : memref<32xi32, #tpu.memory_space<vmem>>) semaphore(%arg9 : memref<!tpu.dma_semaphore, #tpu.memory_space<semaphore_mem>>)
    %dma_wait3A = arith.constant 0 : i32
    %dma_wait3A_12 = tpu.memref_slice %arg5[%dma_wait3A] : memref<128xi32, #tpu.memory_space<vmem>> -> memref<32xi32, #tpu.memory_space<vmem>>
    %dma_wait3A_13 = arith.constant 0 : i32
    %dma_wait3A_14 = arith.constant 0 : i32
    %dma_wait3A_15 = tpu.memref_slice %arg2[%dma_wait3A_13, %dma_wait3A_14] : memref<1024x1024xf32, #tpu.memory_space<hbm>> -> memref<1024x1024xf32, #tpu.memory_space<hbm>>
    tpu.wait_indirect_dma semaphore(%arg8 : memref<!tpu.dma_semaphore, #tpu.memory_space<semaphore_mem>>) src(%dma_wait3A_15 : memref<1024x1024xf32, #tpu.memory_space<hbm>>) dst(%arg6 : memref<32x1024xf32, #tpu.memory_space<vmem>>)
    %add3A_16 = arith.constant 0 : i32
    %add3A_17 = arith.addi %add3A_16, %mul3A_2 : i32
    %add3A_18 = arith.constant 0 : i32
    %add3A_19 = arith.addi %add3A_17, %add3A_18 : i32
    %dma_start3A_20 = arith.constant 0 : i32
    %dma_start3A_21 = tpu.memref_slice %arg4[%add3A_19, %dma_start3A_20] : memref<16384x1024xf32, #tpu.memory_space<hbm>> -> memref<32x1024xf32, #tpu.memory_space<hbm>>
    %dma_start3A_22 = arith.constant 0 : i32
    %dma_start3A_23 = tpu.memref_slice %arg4[%add3A_19, %dma_start3A_22] : memref<16384x1024xf32, #tpu.memory_space<hbm>> -> memref<32x1024xf32, #tpu.memory_space<hbm>>
    tpu.enqueue_dma source(%arg6 : memref<32x1024xf32, #tpu.memory_space<vmem>>) target(%dma_start3A_23 : memref<32x1024xf32, #tpu.memory_space<hbm>>) target_semaphore(%arg10 : memref<!tpu.dma_semaphore, #tpu.memory_space<semaphore_mem>>)
    %dma_wait3A_24 = arith.constant 0 : i32
    %dma_wait3A_25 = tpu.memref_slice %arg4[%add3A_19, %dma_wait3A_24] : memref<16384x1024xf32, #tpu.memory_space<hbm>> -> memref<32x1024xf32, #tpu.memory_space<hbm>>
    %dma_wait3A_26 = arith.constant 0 : i32
    %dma_wait3A_27 = tpu.memref_slice %arg4[%add3A_19, %dma_wait3A_26] : memref<16384x1024xf32, #tpu.memory_space<hbm>> -> memref<32x1024xf32, #tpu.memory_space<hbm>>
    tpu.wait_dma2 semaphore(%arg10 : memref<!tpu.dma_semaphore, #tpu.memory_space<semaphore_mem>>) src(%arg6 : memref<32x1024xf32, #tpu.memory_space<vmem>>) dst(%dma_wait3A_27 : memref<32x1024xf32, #tpu.memory_space<hbm>>)
    %dma_start3A_28 = arith.constant 64 : i32
    %dma_start3A_29 = tpu.memref_slice %arg5[%dma_start3A_28] : memref<128xi32, #tpu.memory_space<vmem>> -> memref<32xi32, #tpu.memory_space<vmem>>
    %dma_start3A_30 = arith.constant 0 : i32
    %dma_start3A_31 = arith.constant 0 : i32
    %dma_start3A_32 = tpu.memref_slice %arg2[%dma_start3A_30, %dma_start3A_31] : memref<1024x1024xf32, #tpu.memory_space<hbm>> -> memref<1024x1024xf32, #tpu.memory_space<hbm>>
    tpu.enqueue_indirect_dma source(%dma_start3A_32 : memref<1024x1024xf32, #tpu.memory_space<hbm>>) target(%arg6 : memref<32x1024xf32, #tpu.memory_space<vmem>>) offsets(%dma_start3A_29 : memref<32xi32, #tpu.memory_space<vmem>>) semaphore(%arg8 : memref<!tpu.dma_semaphore, #tpu.memory_space<semaphore_mem>>)
    %dma_wait3A_33 = arith.constant 32 : i32
    %dma_wait3A_34 = tpu.memref_slice %arg5[%dma_wait3A_33] : memref<128xi32, #tpu.memory_space<vmem>> -> memref<32xi32, #tpu.memory_space<vmem>>
    %dma_wait3A_35 = arith.constant 0 : i32
    %dma_wait3A_36 = arith.constant 0 : i32
    %dma_wait3A_37 = tpu.memref_slice %arg2[%dma_wait3A_35, %dma_wait3A_36] : memref<1024x1024xf32, #tpu.memory_space<hbm>> -> memref<1024x1024xf32, #tpu.memory_space<hbm>>
    tpu.wait_indirect_dma semaphore(%arg9 : memref<!tpu.dma_semaphore, #tpu.memory_space<semaphore_mem>>) src(%dma_wait3A_37 : memref<1024x1024xf32, #tpu.memory_space<hbm>>) dst(%arg7 : memref<32x1024xf32, #tpu.memory_space<vmem>>)
    %add3A_38 = arith.constant 0 : i32
    %add3A_39 = arith.addi %add3A_38, %mul3A_2 : i32
    %add3A_40 = arith.constant 32 : i32
    %add3A_41 = arith.addi %add3A_39, %add3A_40 : i32
    %dma_start3A_42 = arith.constant 0 : i32
    %dma_start3A_43 = tpu.memref_slice %arg4[%add3A_41, %dma_start3A_42] : memref<16384x1024xf32, #tpu.memory_space<hbm>> -> memref<32x1024xf32, #tpu.memory_space<hbm>>
    %dma_start3A_44 = arith.constant 0 : i32
    %dma_start3A_45 = tpu.memref_slice %arg4[%add3A_41, %dma_start3A_44] : memref<16384x1024xf32, #tpu.memory_space<hbm>> -> memref<32x1024xf32, #tpu.memory_space<hbm>>
    tpu.enqueue_dma source(%arg7 : memref<32x1024xf32, #tpu.memory_space<vmem>>) target(%dma_start3A_45 : memref<32x1024xf32, #tpu.memory_space<hbm>>) target_semaphore(%arg11 : memref<!tpu.dma_semaphore, #tpu.memory_space<semaphore_mem>>)
    %dma_wait3A_46 = arith.constant 0 : i32
    %dma_wait3A_47 = tpu.memref_slice %arg4[%add3A_41, %dma_wait3A_46] : memref<16384x1024xf32, #tpu.memory_space<hbm>> -> memref<32x1024xf32, #tpu.memory_space<hbm>>
    %dma_wait3A_48 = arith.constant 0 : i32
    %dma_wait3A_49 = tpu.memref_slice %arg4[%add3A_41, %dma_wait3A_48] : memref<16384x1024xf32, #tpu.memory_space<hbm>> -> memref<32x1024xf32, #tpu.memory_space<hbm>>
    tpu.wait_dma2 semaphore(%arg11 : memref<!tpu.dma_semaphore, #tpu.memory_space<semaphore_mem>>) src(%arg7 : memref<32x1024xf32, #tpu.memory_space<vmem>>) dst(%dma_wait3A_49 : memref<32x1024xf32, #tpu.memory_space<hbm>>)
    %dma_start3A_50 = arith.constant 96 : i32
    %dma_start3A_51 = tpu.memref_slice %arg5[%dma_start3A_50] : memref<128xi32, #tpu.memory_space<vmem>> -> memref<32xi32, #tpu.memory_space<vmem>>
    %dma_start3A_52 = arith.constant 0 : i32
    %dma_start3A_53 = arith.constant 0 : i32
    %dma_start3A_54 = tpu.memref_slice %arg2[%dma_start3A_52, %dma_start3A_53] : memref<1024x1024xf32, #tpu.memory_space<hbm>> -> memref<1024x1024xf32, #tpu.memory_space<hbm>>
    tpu.enqueue_indirect_dma source(%dma_start3A_54 : memref<1024x1024xf32, #tpu.memory_space<hbm>>) target(%arg7 : memref<32x1024xf32, #tpu.memory_space<vmem>>) offsets(%dma_start3A_51 : memref<32xi32, #tpu.memory_space<vmem>>) semaphore(%arg9 : memref<!tpu.dma_semaphore, #tpu.memory_space<semaphore_mem>>)
    %dma_wait3A_55 = arith.constant 64 : i32
    %dma_wait3A_56 = tpu.memref_slice %arg5[%dma_wait3A_55] : memref<128xi32, #tpu.memory_space<vmem>> -> memref<32xi32, #tpu.memory_space<vmem>>
    %dma_wait3A_57 = arith.constant 0 : i32
    %dma_wait3A_58 = arith.constant 0 : i32
    %dma_wait3A_59 = tpu.memref_slice %arg2[%dma_wait3A_57, %dma_wait3A_58] : memref<1024x1024xf32, #tpu.memory_space<hbm>> -> memref<1024x1024xf32, #tpu.memory_space<hbm>>
    tpu.wait_indirect_dma semaphore(%arg8 : memref<!tpu.dma_semaphore, #tpu.memory_space<semaphore_mem>>) src(%dma_wait3A_59 : memref<1024x1024xf32, #tpu.memory_space<hbm>>) dst(%arg6 : memref<32x1024xf32, #tpu.memory_space<vmem>>)
    %add3A_60 = arith.constant 0 : i32
    %add3A_61 = arith.addi %add3A_60, %mul3A_2 : i32
    %add3A_62 = arith.constant 64 : i32
    %add3A_63 = arith.addi %add3A_61, %add3A_62 : i32
    %dma_start3A_64 = arith.constant 0 : i32
    %dma_start3A_65 = tpu.memref_slice %arg4[%add3A_63, %dma_start3A_64] : memref<16384x1024xf32, #tpu.memory_space<hbm>> -> memref<32x1024xf32, #tpu.memory_space<hbm>>
    %dma_start3A_66 = arith.constant 0 : i32
    %dma_start3A_67 = tpu.memref_slice %arg4[%add3A_63, %dma_start3A_66] : memref<16384x1024xf32, #tpu.memory_space<hbm>> -> memref<32x1024xf32, #tpu.memory_space<hbm>>
    tpu.enqueue_dma source(%arg6 : memref<32x1024xf32, #tpu.memory_space<vmem>>) target(%dma_start3A_67 : memref<32x1024xf32, #tpu.memory_space<hbm>>) target_semaphore(%arg10 : memref<!tpu.dma_semaphore, #tpu.memory_space<semaphore_mem>>)
    %dma_wait3A_68 = arith.constant 96 : i32
    %dma_wait3A_69 = tpu.memref_slice %arg5[%dma_wait3A_68] : memref<128xi32, #tpu.memory_space<vmem>> -> memref<32xi32, #tpu.memory_space<vmem>>
    %dma_wait3A_70 = arith.constant 0 : i32
    %dma_wait3A_71 = arith.constant 0 : i32
    %dma_wait3A_72 = tpu.memref_slice %arg2[%dma_wait3A_70, %dma_wait3A_71] : memref<1024x1024xf32, #tpu.memory_space<hbm>> -> memref<1024x1024xf32, #tpu.memory_space<hbm>>
    tpu.wait_indirect_dma semaphore(%arg9 : memref<!tpu.dma_semaphore, #tpu.memory_space<semaphore_mem>>) src(%dma_wait3A_72 : memref<1024x1024xf32, #tpu.memory_space<hbm>>) dst(%arg7 : memref<32x1024xf32, #tpu.memory_space<vmem>>)
    %add3A_73 = arith.constant 0 : i32
    %add3A_74 = arith.addi %add3A_73, %mul3A_2 : i32
    %add3A_75 = arith.constant 96 : i32
    %add3A_76 = arith.addi %add3A_74, %add3A_75 : i32
    %dma_start3A_77 = arith.constant 0 : i32
    %dma_start3A_78 = tpu.memref_slice %arg4[%add3A_76, %dma_start3A_77] : memref<16384x1024xf32, #tpu.memory_space<hbm>> -> memref<32x1024xf32, #tpu.memory_space<hbm>>
    %dma_start3A_79 = arith.constant 0 : i32
    %dma_start3A_80 = tpu.memref_slice %arg4[%add3A_76, %dma_start3A_79] : memref<16384x1024xf32, #tpu.memory_space<hbm>> -> memref<32x1024xf32, #tpu.memory_space<hbm>>
    tpu.enqueue_dma source(%arg7 : memref<32x1024xf32, #tpu.memory_space<vmem>>) target(%dma_start3A_80 : memref<32x1024xf32, #tpu.memory_space<hbm>>) target_semaphore(%arg11 : memref<!tpu.dma_semaphore, #tpu.memory_space<semaphore_mem>>)
    %dma_wait3A_81 = arith.constant 0 : i32
    %dma_wait3A_82 = tpu.memref_slice %arg4[%add3A_63, %dma_wait3A_81] : memref<16384x1024xf32, #tpu.memory_space<hbm>> -> memref<32x1024xf32, #tpu.memory_space<hbm>>
    %dma_wait3A_83 = arith.constant 0 : i32
    %dma_wait3A_84 = tpu.memref_slice %arg4[%add3A_63, %dma_wait3A_83] : memref<16384x1024xf32, #tpu.memory_space<hbm>> -> memref<32x1024xf32, #tpu.memory_space<hbm>>
    tpu.wait_dma2 semaphore(%arg10 : memref<!tpu.dma_semaphore, #tpu.memory_space<semaphore_mem>>) src(%arg6 : memref<32x1024xf32, #tpu.memory_space<vmem>>) dst(%dma_wait3A_84 : memref<32x1024xf32, #tpu.memory_space<hbm>>)
    %dma_wait3A_85 = arith.constant 0 : i32
    %dma_wait3A_86 = tpu.memref_slice %arg4[%add3A_76, %dma_wait3A_85] : memref<16384x1024xf32, #tpu.memory_space<hbm>> -> memref<32x1024xf32, #tpu.memory_space<hbm>>
    %dma_wait3A_87 = arith.constant 0 : i32
    %dma_wait3A_88 = tpu.memref_slice %arg4[%add3A_76, %dma_wait3A_87] : memref<16384x1024xf32, #tpu.memory_space<hbm>> -> memref<32x1024xf32, #tpu.memory_space<hbm>>
    tpu.wait_dma2 semaphore(%arg11 : memref<!tpu.dma_semaphore, #tpu.memory_space<semaphore_mem>>) src(%arg7 : memref<32x1024xf32, #tpu.memory_space<vmem>>) dst(%dma_wait3A_88 : memref<32x1024xf32, #tpu.memory_space<hbm>>)
    return
  }
}

#map = affine_map<(d0, d1) -> (0, 0)>
#map1 = affine_map<(d0, d1) -> (0)>
module attributes {stable_mosaic.version = 14 : i64} {
  func.func @new_body(%arg0: i32, %arg1: i32, %arg2: memref<1024x1024xf32, #tpu.memory_space<hbm>>, %arg3: memref<4096xi32, #tpu.memory_space<hbm>>, %arg4: memref<16384x1024xf32, #tpu.memory_space<hbm>>, %arg5: memref<16384x1024xf32, #tpu.memory_space<hbm>>, %arg6: memref<128xi32, #tpu.memory_space<vmem>>, %arg7: memref<32x1024xf32, #tpu.memory_space<vmem>>, %arg8: memref<32x1024xf32, #tpu.memory_space<vmem>>, %arg9: memref<!tpu.dma_semaphore, #tpu.memory_space<semaphore_mem>>, %arg10: memref<!tpu.dma_semaphore, #tpu.memory_space<semaphore_mem>>, %arg11: memref<!tpu.dma_semaphore, #tpu.memory_space<semaphore_mem>>, %arg12: memref<!tpu.dma_semaphore, #tpu.memory_space<semaphore_mem>>) attributes {dimension_semantics = [#tpu.dimension_semantics<core_parallel>, #tpu.dimension_semantics<subcore_parallel>], iteration_bounds = array<i64: 2, 16>, scalar_prefetch = 0 : i64, scratch_operands = 7 : i64, tpu.core_type = #tpu.core_type<sc_vector_subcore>, window_params = [{transform_indices = #map}, {transform_indices = #map1}, {transform_indices = #map}, {transform_indices = #map}]} {
    %mul3A = arith.constant 2 : i32
    %mul3A_0 = arith.muli %arg1, %mul3A : i32
    %add3A = arith.addi %mul3A_0, %arg0 : i32
    %mul3A_1 = arith.constant 128 : i32
    %mul3A_2 = arith.muli %add3A, %mul3A_1 : i32
    "tpu.region"() ({
      %run_scoped3A = tpu.sem_alloc : memref<!tpu.dma_semaphore, #tpu.memory_space<semaphore_mem>>
      %dma_start3A_89 = tpu.memref_slice %arg3[%mul3A_2] : memref<4096xi32, #tpu.memory_space<hbm>> -> memref<128xi32, #tpu.memory_space<hbm>>
      %dma_start3A_90 = tpu.memref_slice %arg3[%mul3A_2] : memref<4096xi32, #tpu.memory_space<hbm>> -> memref<128xi32, #tpu.memory_space<hbm>>
      tpu.enqueue_dma source(%dma_start3A_90 : memref<128xi32, #tpu.memory_space<hbm>>) target(%arg6 : memref<128xi32, #tpu.memory_space<vmem>>) target_semaphore(%run_scoped3A : memref<!tpu.dma_semaphore, #tpu.memory_space<semaphore_mem>>)
      %dma_wait3A_91 = tpu.memref_slice %arg3[%mul3A_2] : memref<4096xi32, #tpu.memory_space<hbm>> -> memref<128xi32, #tpu.memory_space<hbm>>
      %dma_wait3A_92 = tpu.memref_slice %arg3[%mul3A_2] : memref<4096xi32, #tpu.memory_space<hbm>> -> memref<128xi32, #tpu.memory_space<hbm>>
      tpu.wait_dma2 semaphore(%run_scoped3A : memref<!tpu.dma_semaphore, #tpu.memory_space<semaphore_mem>>) src(%dma_wait3A_92 : memref<128xi32, #tpu.memory_space<hbm>>) dst(%arg6 : memref<128xi32, #tpu.memory_space<vmem>>)
      tpu.yield
    }) : () -> ()
    %dma_start3A = arith.constant 0 : i32
    %dma_start3A_3 = tpu.memref_slice %arg6[%dma_start3A] : memref<128xi32, #tpu.memory_space<vmem>> -> memref<32xi32, #tpu.memory_space<vmem>>
    %dma_start3A_4 = arith.constant 0 : i32
    %dma_start3A_5 = arith.constant 0 : i32
    %dma_start3A_6 = tpu.memref_slice %arg2[%dma_start3A_4, %dma_start3A_5] : memref<1024x1024xf32, #tpu.memory_space<hbm>> -> memref<1024x1024xf32, #tpu.memory_space<hbm>>
    tpu.enqueue_indirect_dma source(%dma_start3A_6 : memref<1024x1024xf32, #tpu.memory_space<hbm>>) target(%arg7 : memref<32x1024xf32, #tpu.memory_space<vmem>>) offsets(%dma_start3A_3 : memref<32xi32, #tpu.memory_space<vmem>>) semaphore(%arg9 : memref<!tpu.dma_semaphore, #tpu.memory_space<semaphore_mem>>)
    %dma_start3A_7 = arith.constant 32 : i32
    %dma_start3A_8 = tpu.memref_slice %arg6[%dma_start3A_7] : memref<128xi32, #tpu.memory_space<vmem>> -> memref<32xi32, #tpu.memory_space<vmem>>
    %dma_start3A_9 = arith.constant 0 : i32
    %dma_start3A_10 = arith.constant 0 : i32
    %dma_start3A_11 = tpu.memref_slice %arg2[%dma_start3A_9, %dma_start3A_10] : memref<1024x1024xf32, #tpu.memory_space<hbm>> -> memref<1024x1024xf32, #tpu.memory_space<hbm>>
    tpu.enqueue_indirect_dma source(%dma_start3A_11 : memref<1024x1024xf32, #tpu.memory_space<hbm>>) target(%arg8 : memref<32x1024xf32, #tpu.memory_space<vmem>>) offsets(%dma_start3A_8 : memref<32xi32, #tpu.memory_space<vmem>>) semaphore(%arg10 : memref<!tpu.dma_semaphore, #tpu.memory_space<semaphore_mem>>)
    %dma_wait3A = arith.constant 0 : i32
    %dma_wait3A_12 = tpu.memref_slice %arg6[%dma_wait3A] : memref<128xi32, #tpu.memory_space<vmem>> -> memref<32xi32, #tpu.memory_space<vmem>>
    %dma_wait3A_13 = arith.constant 0 : i32
    %dma_wait3A_14 = arith.constant 0 : i32
    %dma_wait3A_15 = tpu.memref_slice %arg2[%dma_wait3A_13, %dma_wait3A_14] : memref<1024x1024xf32, #tpu.memory_space<hbm>> -> memref<1024x1024xf32, #tpu.memory_space<hbm>>
    tpu.wait_indirect_dma semaphore(%arg9 : memref<!tpu.dma_semaphore, #tpu.memory_space<semaphore_mem>>) src(%dma_wait3A_15 : memref<1024x1024xf32, #tpu.memory_space<hbm>>) dst(%arg7 : memref<32x1024xf32, #tpu.memory_space<vmem>>)
    %add3A_16 = arith.constant 4096 : i32
    %add3A_17 = arith.addi %add3A_16, %mul3A_2 : i32
    %add3A_18 = arith.constant 0 : i32
    %add3A_19 = arith.addi %add3A_17, %add3A_18 : i32
    %dma_start3A_20 = arith.constant 0 : i32
    %dma_start3A_21 = tpu.memref_slice %arg4[%add3A_19, %dma_start3A_20] : memref<16384x1024xf32, #tpu.memory_space<hbm>> -> memref<32x1024xf32, #tpu.memory_space<hbm>>
    %dma_start3A_22 = arith.constant 0 : i32
    %dma_start3A_23 = tpu.memref_slice %arg4[%add3A_19, %dma_start3A_22] : memref<16384x1024xf32, #tpu.memory_space<hbm>> -> memref<32x1024xf32, #tpu.memory_space<hbm>>
    tpu.enqueue_dma source(%arg7 : memref<32x1024xf32, #tpu.memory_space<vmem>>) target(%dma_start3A_23 : memref<32x1024xf32, #tpu.memory_space<hbm>>) target_semaphore(%arg11 : memref<!tpu.dma_semaphore, #tpu.memory_space<semaphore_mem>>)
    %dma_wait3A_24 = arith.constant 0 : i32
    %dma_wait3A_25 = tpu.memref_slice %arg4[%add3A_19, %dma_wait3A_24] : memref<16384x1024xf32, #tpu.memory_space<hbm>> -> memref<32x1024xf32, #tpu.memory_space<hbm>>
    %dma_wait3A_26 = arith.constant 0 : i32
    %dma_wait3A_27 = tpu.memref_slice %arg4[%add3A_19, %dma_wait3A_26] : memref<16384x1024xf32, #tpu.memory_space<hbm>> -> memref<32x1024xf32, #tpu.memory_space<hbm>>
    tpu.wait_dma2 semaphore(%arg11 : memref<!tpu.dma_semaphore, #tpu.memory_space<semaphore_mem>>) src(%arg7 : memref<32x1024xf32, #tpu.memory_space<vmem>>) dst(%dma_wait3A_27 : memref<32x1024xf32, #tpu.memory_space<hbm>>)
    %dma_start3A_28 = arith.constant 64 : i32
    %dma_start3A_29 = tpu.memref_slice %arg6[%dma_start3A_28] : memref<128xi32, #tpu.memory_space<vmem>> -> memref<32xi32, #tpu.memory_space<vmem>>
    %dma_start3A_30 = arith.constant 0 : i32
    %dma_start3A_31 = arith.constant 0 : i32
    %dma_start3A_32 = tpu.memref_slice %arg2[%dma_start3A_30, %dma_start3A_31] : memref<1024x1024xf32, #tpu.memory_space<hbm>> -> memref<1024x1024xf32, #tpu.memory_space<hbm>>
    tpu.enqueue_indirect_dma source(%dma_start3A_32 : memref<1024x1024xf32, #tpu.memory_space<hbm>>) target(%arg7 : memref<32x1024xf32, #tpu.memory_space<vmem>>) offsets(%dma_start3A_29 : memref<32xi32, #tpu.memory_space<vmem>>) semaphore(%arg9 : memref<!tpu.dma_semaphore, #tpu.memory_space<semaphore_mem>>)
    %dma_wait3A_33 = arith.constant 32 : i32
    %dma_wait3A_34 = tpu.memref_slice %arg6[%dma_wait3A_33] : memref<128xi32, #tpu.memory_space<vmem>> -> memref<32xi32, #tpu.memory_space<vmem>>
    %dma_wait3A_35 = arith.constant 0 : i32
    %dma_wait3A_36 = arith.constant 0 : i32
    %dma_wait3A_37 = tpu.memref_slice %arg2[%dma_wait3A_35, %dma_wait3A_36] : memref<1024x1024xf32, #tpu.memory_space<hbm>> -> memref<1024x1024xf32, #tpu.memory_space<hbm>>
    tpu.wait_indirect_dma semaphore(%arg10 : memref<!tpu.dma_semaphore, #tpu.memory_space<semaphore_mem>>) src(%dma_wait3A_37 : memref<1024x1024xf32, #tpu.memory_space<hbm>>) dst(%arg8 : memref<32x1024xf32, #tpu.memory_space<vmem>>)
    %add3A_38 = arith.constant 4096 : i32
    %add3A_39 = arith.addi %add3A_38, %mul3A_2 : i32
    %add3A_40 = arith.constant 32 : i32
    %add3A_41 = arith.addi %add3A_39, %add3A_40 : i32
    %dma_start3A_42 = arith.constant 0 : i32
    %dma_start3A_43 = tpu.memref_slice %arg4[%add3A_41, %dma_start3A_42] : memref<16384x1024xf32, #tpu.memory_space<hbm>> -> memref<32x1024xf32, #tpu.memory_space<hbm>>
    %dma_start3A_44 = arith.constant 0 : i32
    %dma_start3A_45 = tpu.memref_slice %arg4[%add3A_41, %dma_start3A_44] : memref<16384x1024xf32, #tpu.memory_space<hbm>> -> memref<32x1024xf32, #tpu.memory_space<hbm>>
    tpu.enqueue_dma source(%arg8 : memref<32x1024xf32, #tpu.memory_space<vmem>>) target(%dma_start3A_45 : memref<32x1024xf32, #tpu.memory_space<hbm>>) target_semaphore(%arg12 : memref<!tpu.dma_semaphore, #tpu.memory_space<semaphore_mem>>)
    %dma_wait3A_46 = arith.constant 0 : i32
    %dma_wait3A_47 = tpu.memref_slice %arg4[%add3A_41, %dma_wait3A_46] : memref<16384x1024xf32, #tpu.memory_space<hbm>> -> memref<32x1024xf32, #tpu.memory_space<hbm>>
    %dma_wait3A_48 = arith.constant 0 : i32
    %dma_wait3A_49 = tpu.memref_slice %arg4[%add3A_41, %dma_wait3A_48] : memref<16384x1024xf32, #tpu.memory_space<hbm>> -> memref<32x1024xf32, #tpu.memory_space<hbm>>
    tpu.wait_dma2 semaphore(%arg12 : memref<!tpu.dma_semaphore, #tpu.memory_space<semaphore_mem>>) src(%arg8 : memref<32x1024xf32, #tpu.memory_space<vmem>>) dst(%dma_wait3A_49 : memref<32x1024xf32, #tpu.memory_space<hbm>>)
    %dma_start3A_50 = arith.constant 96 : i32
    %dma_start3A_51 = tpu.memref_slice %arg6[%dma_start3A_50] : memref<128xi32, #tpu.memory_space<vmem>> -> memref<32xi32, #tpu.memory_space<vmem>>
    %dma_start3A_52 = arith.constant 0 : i32
    %dma_start3A_53 = arith.constant 0 : i32
    %dma_start3A_54 = tpu.memref_slice %arg2[%dma_start3A_52, %dma_start3A_53] : memref<1024x1024xf32, #tpu.memory_space<hbm>> -> memref<1024x1024xf32, #tpu.memory_space<hbm>>
    tpu.enqueue_indirect_dma source(%dma_start3A_54 : memref<1024x1024xf32, #tpu.memory_space<hbm>>) target(%arg8 : memref<32x1024xf32, #tpu.memory_space<vmem>>) offsets(%dma_start3A_51 : memref<32xi32, #tpu.memory_space<vmem>>) semaphore(%arg10 : memref<!tpu.dma_semaphore, #tpu.memory_space<semaphore_mem>>)
    %dma_wait3A_55 = arith.constant 64 : i32
    %dma_wait3A_56 = tpu.memref_slice %arg6[%dma_wait3A_55] : memref<128xi32, #tpu.memory_space<vmem>> -> memref<32xi32, #tpu.memory_space<vmem>>
    %dma_wait3A_57 = arith.constant 0 : i32
    %dma_wait3A_58 = arith.constant 0 : i32
    %dma_wait3A_59 = tpu.memref_slice %arg2[%dma_wait3A_57, %dma_wait3A_58] : memref<1024x1024xf32, #tpu.memory_space<hbm>> -> memref<1024x1024xf32, #tpu.memory_space<hbm>>
    tpu.wait_indirect_dma semaphore(%arg9 : memref<!tpu.dma_semaphore, #tpu.memory_space<semaphore_mem>>) src(%dma_wait3A_59 : memref<1024x1024xf32, #tpu.memory_space<hbm>>) dst(%arg7 : memref<32x1024xf32, #tpu.memory_space<vmem>>)
    %add3A_60 = arith.constant 4096 : i32
    %add3A_61 = arith.addi %add3A_60, %mul3A_2 : i32
    %add3A_62 = arith.constant 64 : i32
    %add3A_63 = arith.addi %add3A_61, %add3A_62 : i32
    %dma_start3A_64 = arith.constant 0 : i32
    %dma_start3A_65 = tpu.memref_slice %arg4[%add3A_63, %dma_start3A_64] : memref<16384x1024xf32, #tpu.memory_space<hbm>> -> memref<32x1024xf32, #tpu.memory_space<hbm>>
    %dma_start3A_66 = arith.constant 0 : i32
    %dma_start3A_67 = tpu.memref_slice %arg4[%add3A_63, %dma_start3A_66] : memref<16384x1024xf32, #tpu.memory_space<hbm>> -> memref<32x1024xf32, #tpu.memory_space<hbm>>
    tpu.enqueue_dma source(%arg7 : memref<32x1024xf32, #tpu.memory_space<vmem>>) target(%dma_start3A_67 : memref<32x1024xf32, #tpu.memory_space<hbm>>) target_semaphore(%arg11 : memref<!tpu.dma_semaphore, #tpu.memory_space<semaphore_mem>>)
    %dma_wait3A_68 = arith.constant 96 : i32
    %dma_wait3A_69 = tpu.memref_slice %arg6[%dma_wait3A_68] : memref<128xi32, #tpu.memory_space<vmem>> -> memref<32xi32, #tpu.memory_space<vmem>>
    %dma_wait3A_70 = arith.constant 0 : i32
    %dma_wait3A_71 = arith.constant 0 : i32
    %dma_wait3A_72 = tpu.memref_slice %arg2[%dma_wait3A_70, %dma_wait3A_71] : memref<1024x1024xf32, #tpu.memory_space<hbm>> -> memref<1024x1024xf32, #tpu.memory_space<hbm>>
    tpu.wait_indirect_dma semaphore(%arg10 : memref<!tpu.dma_semaphore, #tpu.memory_space<semaphore_mem>>) src(%dma_wait3A_72 : memref<1024x1024xf32, #tpu.memory_space<hbm>>) dst(%arg8 : memref<32x1024xf32, #tpu.memory_space<vmem>>)
    %add3A_73 = arith.constant 4096 : i32
    %add3A_74 = arith.addi %add3A_73, %mul3A_2 : i32
    %add3A_75 = arith.constant 96 : i32
    %add3A_76 = arith.addi %add3A_74, %add3A_75 : i32
    %dma_start3A_77 = arith.constant 0 : i32
    %dma_start3A_78 = tpu.memref_slice %arg4[%add3A_76, %dma_start3A_77] : memref<16384x1024xf32, #tpu.memory_space<hbm>> -> memref<32x1024xf32, #tpu.memory_space<hbm>>
    %dma_start3A_79 = arith.constant 0 : i32
    %dma_start3A_80 = tpu.memref_slice %arg4[%add3A_76, %dma_start3A_79] : memref<16384x1024xf32, #tpu.memory_space<hbm>> -> memref<32x1024xf32, #tpu.memory_space<hbm>>
    tpu.enqueue_dma source(%arg8 : memref<32x1024xf32, #tpu.memory_space<vmem>>) target(%dma_start3A_80 : memref<32x1024xf32, #tpu.memory_space<hbm>>) target_semaphore(%arg12 : memref<!tpu.dma_semaphore, #tpu.memory_space<semaphore_mem>>)
    %dma_wait3A_81 = arith.constant 0 : i32
    %dma_wait3A_82 = tpu.memref_slice %arg4[%add3A_63, %dma_wait3A_81] : memref<16384x1024xf32, #tpu.memory_space<hbm>> -> memref<32x1024xf32, #tpu.memory_space<hbm>>
    %dma_wait3A_83 = arith.constant 0 : i32
    %dma_wait3A_84 = tpu.memref_slice %arg4[%add3A_63, %dma_wait3A_83] : memref<16384x1024xf32, #tpu.memory_space<hbm>> -> memref<32x1024xf32, #tpu.memory_space<hbm>>
    tpu.wait_dma2 semaphore(%arg11 : memref<!tpu.dma_semaphore, #tpu.memory_space<semaphore_mem>>) src(%arg7 : memref<32x1024xf32, #tpu.memory_space<vmem>>) dst(%dma_wait3A_84 : memref<32x1024xf32, #tpu.memory_space<hbm>>)
    %dma_wait3A_85 = arith.constant 0 : i32
    %dma_wait3A_86 = tpu.memref_slice %arg4[%add3A_76, %dma_wait3A_85] : memref<16384x1024xf32, #tpu.memory_space<hbm>> -> memref<32x1024xf32, #tpu.memory_space<hbm>>
    %dma_wait3A_87 = arith.constant 0 : i32
    %dma_wait3A_88 = tpu.memref_slice %arg4[%add3A_76, %dma_wait3A_87] : memref<16384x1024xf32, #tpu.memory_space<hbm>> -> memref<32x1024xf32, #tpu.memory_space<hbm>>
    tpu.wait_dma2 semaphore(%arg12 : memref<!tpu.dma_semaphore, #tpu.memory_space<semaphore_mem>>) src(%arg8 : memref<32x1024xf32, #tpu.memory_space<vmem>>) dst(%dma_wait3A_88 : memref<32x1024xf32, #tpu.memory_space<hbm>>)
    return
  }
}

#map = affine_map<(d0, d1) -> (0, 0)>
#map1 = affine_map<(d0, d1) -> (0)>
module attributes {stable_mosaic.version = 14 : i64} {
  func.func @new_body(%arg0: i32, %arg1: i32, %arg2: memref<1024x1024xf32, #tpu.memory_space<hbm>>, %arg3: memref<4096xi32, #tpu.memory_space<hbm>>, %arg4: memref<16384x1024xf32, #tpu.memory_space<hbm>>, %arg5: memref<16384x1024xf32, #tpu.memory_space<hbm>>, %arg6: memref<128xi32, #tpu.memory_space<vmem>>, %arg7: memref<32x1024xf32, #tpu.memory_space<vmem>>, %arg8: memref<32x1024xf32, #tpu.memory_space<vmem>>, %arg9: memref<!tpu.dma_semaphore, #tpu.memory_space<semaphore_mem>>, %arg10: memref<!tpu.dma_semaphore, #tpu.memory_space<semaphore_mem>>, %arg11: memref<!tpu.dma_semaphore, #tpu.memory_space<semaphore_mem>>, %arg12: memref<!tpu.dma_semaphore, #tpu.memory_space<semaphore_mem>>) attributes {dimension_semantics = [#tpu.dimension_semantics<core_parallel>, #tpu.dimension_semantics<subcore_parallel>], iteration_bounds = array<i64: 2, 16>, scalar_prefetch = 0 : i64, scratch_operands = 7 : i64, tpu.core_type = #tpu.core_type<sc_vector_subcore>, window_params = [{transform_indices = #map}, {transform_indices = #map1}, {transform_indices = #map}, {transform_indices = #map}]} {
    %mul3A = arith.constant 2 : i32
    %mul3A_0 = arith.muli %arg1, %mul3A : i32
    %add3A = arith.addi %mul3A_0, %arg0 : i32
    %mul3A_1 = arith.constant 128 : i32
    %mul3A_2 = arith.muli %add3A, %mul3A_1 : i32
    "tpu.region"() ({
      %run_scoped3A = tpu.sem_alloc : memref<!tpu.dma_semaphore, #tpu.memory_space<semaphore_mem>>
      %dma_start3A_89 = tpu.memref_slice %arg3[%mul3A_2] : memref<4096xi32, #tpu.memory_space<hbm>> -> memref<128xi32, #tpu.memory_space<hbm>>
      %dma_start3A_90 = tpu.memref_slice %arg3[%mul3A_2] : memref<4096xi32, #tpu.memory_space<hbm>> -> memref<128xi32, #tpu.memory_space<hbm>>
      tpu.enqueue_dma source(%dma_start3A_90 : memref<128xi32, #tpu.memory_space<hbm>>) target(%arg6 : memref<128xi32, #tpu.memory_space<vmem>>) target_semaphore(%run_scoped3A : memref<!tpu.dma_semaphore, #tpu.memory_space<semaphore_mem>>)
      %dma_wait3A_91 = tpu.memref_slice %arg3[%mul3A_2] : memref<4096xi32, #tpu.memory_space<hbm>> -> memref<128xi32, #tpu.memory_space<hbm>>
      %dma_wait3A_92 = tpu.memref_slice %arg3[%mul3A_2] : memref<4096xi32, #tpu.memory_space<hbm>> -> memref<128xi32, #tpu.memory_space<hbm>>
      tpu.wait_dma2 semaphore(%run_scoped3A : memref<!tpu.dma_semaphore, #tpu.memory_space<semaphore_mem>>) src(%dma_wait3A_92 : memref<128xi32, #tpu.memory_space<hbm>>) dst(%arg6 : memref<128xi32, #tpu.memory_space<vmem>>)
      tpu.yield
    }) : () -> ()
    %dma_start3A = arith.constant 0 : i32
    %dma_start3A_3 = tpu.memref_slice %arg6[%dma_start3A] : memref<128xi32, #tpu.memory_space<vmem>> -> memref<32xi32, #tpu.memory_space<vmem>>
    %dma_start3A_4 = arith.constant 0 : i32
    %dma_start3A_5 = arith.constant 0 : i32
    %dma_start3A_6 = tpu.memref_slice %arg2[%dma_start3A_4, %dma_start3A_5] : memref<1024x1024xf32, #tpu.memory_space<hbm>> -> memref<1024x1024xf32, #tpu.memory_space<hbm>>
    tpu.enqueue_indirect_dma source(%dma_start3A_6 : memref<1024x1024xf32, #tpu.memory_space<hbm>>) target(%arg7 : memref<32x1024xf32, #tpu.memory_space<vmem>>) offsets(%dma_start3A_3 : memref<32xi32, #tpu.memory_space<vmem>>) semaphore(%arg9 : memref<!tpu.dma_semaphore, #tpu.memory_space<semaphore_mem>>)
    %dma_start3A_7 = arith.constant 32 : i32
    %dma_start3A_8 = tpu.memref_slice %arg6[%dma_start3A_7] : memref<128xi32, #tpu.memory_space<vmem>> -> memref<32xi32, #tpu.memory_space<vmem>>
    %dma_start3A_9 = arith.constant 0 : i32
    %dma_start3A_10 = arith.constant 0 : i32
    %dma_start3A_11 = tpu.memref_slice %arg2[%dma_start3A_9, %dma_start3A_10] : memref<1024x1024xf32, #tpu.memory_space<hbm>> -> memref<1024x1024xf32, #tpu.memory_space<hbm>>
    tpu.enqueue_indirect_dma source(%dma_start3A_11 : memref<1024x1024xf32, #tpu.memory_space<hbm>>) target(%arg8 : memref<32x1024xf32, #tpu.memory_space<vmem>>) offsets(%dma_start3A_8 : memref<32xi32, #tpu.memory_space<vmem>>) semaphore(%arg10 : memref<!tpu.dma_semaphore, #tpu.memory_space<semaphore_mem>>)
    %dma_wait3A = arith.constant 0 : i32
    %dma_wait3A_12 = tpu.memref_slice %arg6[%dma_wait3A] : memref<128xi32, #tpu.memory_space<vmem>> -> memref<32xi32, #tpu.memory_space<vmem>>
    %dma_wait3A_13 = arith.constant 0 : i32
    %dma_wait3A_14 = arith.constant 0 : i32
    %dma_wait3A_15 = tpu.memref_slice %arg2[%dma_wait3A_13, %dma_wait3A_14] : memref<1024x1024xf32, #tpu.memory_space<hbm>> -> memref<1024x1024xf32, #tpu.memory_space<hbm>>
    tpu.wait_indirect_dma semaphore(%arg9 : memref<!tpu.dma_semaphore, #tpu.memory_space<semaphore_mem>>) src(%dma_wait3A_15 : memref<1024x1024xf32, #tpu.memory_space<hbm>>) dst(%arg7 : memref<32x1024xf32, #tpu.memory_space<vmem>>)
    %add3A_16 = arith.constant 8192 : i32
    %add3A_17 = arith.addi %add3A_16, %mul3A_2 : i32
    %add3A_18 = arith.constant 0 : i32
    %add3A_19 = arith.addi %add3A_17, %add3A_18 : i32
    %dma_start3A_20 = arith.constant 0 : i32
    %dma_start3A_21 = tpu.memref_slice %arg4[%add3A_19, %dma_start3A_20] : memref<16384x1024xf32, #tpu.memory_space<hbm>> -> memref<32x1024xf32, #tpu.memory_space<hbm>>
    %dma_start3A_22 = arith.constant 0 : i32
    %dma_start3A_23 = tpu.memref_slice %arg4[%add3A_19, %dma_start3A_22] : memref<16384x1024xf32, #tpu.memory_space<hbm>> -> memref<32x1024xf32, #tpu.memory_space<hbm>>
    tpu.enqueue_dma source(%arg7 : memref<32x1024xf32, #tpu.memory_space<vmem>>) target(%dma_start3A_23 : memref<32x1024xf32, #tpu.memory_space<hbm>>) target_semaphore(%arg11 : memref<!tpu.dma_semaphore, #tpu.memory_space<semaphore_mem>>)
    %dma_wait3A_24 = arith.constant 0 : i32
    %dma_wait3A_25 = tpu.memref_slice %arg4[%add3A_19, %dma_wait3A_24] : memref<16384x1024xf32, #tpu.memory_space<hbm>> -> memref<32x1024xf32, #tpu.memory_space<hbm>>
    %dma_wait3A_26 = arith.constant 0 : i32
    %dma_wait3A_27 = tpu.memref_slice %arg4[%add3A_19, %dma_wait3A_26] : memref<16384x1024xf32, #tpu.memory_space<hbm>> -> memref<32x1024xf32, #tpu.memory_space<hbm>>
    tpu.wait_dma2 semaphore(%arg11 : memref<!tpu.dma_semaphore, #tpu.memory_space<semaphore_mem>>) src(%arg7 : memref<32x1024xf32, #tpu.memory_space<vmem>>) dst(%dma_wait3A_27 : memref<32x1024xf32, #tpu.memory_space<hbm>>)
    %dma_start3A_28 = arith.constant 64 : i32
    %dma_start3A_29 = tpu.memref_slice %arg6[%dma_start3A_28] : memref<128xi32, #tpu.memory_space<vmem>> -> memref<32xi32, #tpu.memory_space<vmem>>
    %dma_start3A_30 = arith.constant 0 : i32
    %dma_start3A_31 = arith.constant 0 : i32
    %dma_start3A_32 = tpu.memref_slice %arg2[%dma_start3A_30, %dma_start3A_31] : memref<1024x1024xf32, #tpu.memory_space<hbm>> -> memref<1024x1024xf32, #tpu.memory_space<hbm>>
    tpu.enqueue_indirect_dma source(%dma_start3A_32 : memref<1024x1024xf32, #tpu.memory_space<hbm>>) target(%arg7 : memref<32x1024xf32, #tpu.memory_space<vmem>>) offsets(%dma_start3A_29 : memref<32xi32, #tpu.memory_space<vmem>>) semaphore(%arg9 : memref<!tpu.dma_semaphore, #tpu.memory_space<semaphore_mem>>)
    %dma_wait3A_33 = arith.constant 32 : i32
    %dma_wait3A_34 = tpu.memref_slice %arg6[%dma_wait3A_33] : memref<128xi32, #tpu.memory_space<vmem>> -> memref<32xi32, #tpu.memory_space<vmem>>
    %dma_wait3A_35 = arith.constant 0 : i32
    %dma_wait3A_36 = arith.constant 0 : i32
    %dma_wait3A_37 = tpu.memref_slice %arg2[%dma_wait3A_35, %dma_wait3A_36] : memref<1024x1024xf32, #tpu.memory_space<hbm>> -> memref<1024x1024xf32, #tpu.memory_space<hbm>>
    tpu.wait_indirect_dma semaphore(%arg10 : memref<!tpu.dma_semaphore, #tpu.memory_space<semaphore_mem>>) src(%dma_wait3A_37 : memref<1024x1024xf32, #tpu.memory_space<hbm>>) dst(%arg8 : memref<32x1024xf32, #tpu.memory_space<vmem>>)
    %add3A_38 = arith.constant 8192 : i32
    %add3A_39 = arith.addi %add3A_38, %mul3A_2 : i32
    %add3A_40 = arith.constant 32 : i32
    %add3A_41 = arith.addi %add3A_39, %add3A_40 : i32
    %dma_start3A_42 = arith.constant 0 : i32
    %dma_start3A_43 = tpu.memref_slice %arg4[%add3A_41, %dma_start3A_42] : memref<16384x1024xf32, #tpu.memory_space<hbm>> -> memref<32x1024xf32, #tpu.memory_space<hbm>>
    %dma_start3A_44 = arith.constant 0 : i32
    %dma_start3A_45 = tpu.memref_slice %arg4[%add3A_41, %dma_start3A_44] : memref<16384x1024xf32, #tpu.memory_space<hbm>> -> memref<32x1024xf32, #tpu.memory_space<hbm>>
    tpu.enqueue_dma source(%arg8 : memref<32x1024xf32, #tpu.memory_space<vmem>>) target(%dma_start3A_45 : memref<32x1024xf32, #tpu.memory_space<hbm>>) target_semaphore(%arg12 : memref<!tpu.dma_semaphore, #tpu.memory_space<semaphore_mem>>)
    %dma_wait3A_46 = arith.constant 0 : i32
    %dma_wait3A_47 = tpu.memref_slice %arg4[%add3A_41, %dma_wait3A_46] : memref<16384x1024xf32, #tpu.memory_space<hbm>> -> memref<32x1024xf32, #tpu.memory_space<hbm>>
    %dma_wait3A_48 = arith.constant 0 : i32
    %dma_wait3A_49 = tpu.memref_slice %arg4[%add3A_41, %dma_wait3A_48] : memref<16384x1024xf32, #tpu.memory_space<hbm>> -> memref<32x1024xf32, #tpu.memory_space<hbm>>
    tpu.wait_dma2 semaphore(%arg12 : memref<!tpu.dma_semaphore, #tpu.memory_space<semaphore_mem>>) src(%arg8 : memref<32x1024xf32, #tpu.memory_space<vmem>>) dst(%dma_wait3A_49 : memref<32x1024xf32, #tpu.memory_space<hbm>>)
    %dma_start3A_50 = arith.constant 96 : i32
    %dma_start3A_51 = tpu.memref_slice %arg6[%dma_start3A_50] : memref<128xi32, #tpu.memory_space<vmem>> -> memref<32xi32, #tpu.memory_space<vmem>>
    %dma_start3A_52 = arith.constant 0 : i32
    %dma_start3A_53 = arith.constant 0 : i32
    %dma_start3A_54 = tpu.memref_slice %arg2[%dma_start3A_52, %dma_start3A_53] : memref<1024x1024xf32, #tpu.memory_space<hbm>> -> memref<1024x1024xf32, #tpu.memory_space<hbm>>
    tpu.enqueue_indirect_dma source(%dma_start3A_54 : memref<1024x1024xf32, #tpu.memory_space<hbm>>) target(%arg8 : memref<32x1024xf32, #tpu.memory_space<vmem>>) offsets(%dma_start3A_51 : memref<32xi32, #tpu.memory_space<vmem>>) semaphore(%arg10 : memref<!tpu.dma_semaphore, #tpu.memory_space<semaphore_mem>>)
    %dma_wait3A_55 = arith.constant 64 : i32
    %dma_wait3A_56 = tpu.memref_slice %arg6[%dma_wait3A_55] : memref<128xi32, #tpu.memory_space<vmem>> -> memref<32xi32, #tpu.memory_space<vmem>>
    %dma_wait3A_57 = arith.constant 0 : i32
    %dma_wait3A_58 = arith.constant 0 : i32
    %dma_wait3A_59 = tpu.memref_slice %arg2[%dma_wait3A_57, %dma_wait3A_58] : memref<1024x1024xf32, #tpu.memory_space<hbm>> -> memref<1024x1024xf32, #tpu.memory_space<hbm>>
    tpu.wait_indirect_dma semaphore(%arg9 : memref<!tpu.dma_semaphore, #tpu.memory_space<semaphore_mem>>) src(%dma_wait3A_59 : memref<1024x1024xf32, #tpu.memory_space<hbm>>) dst(%arg7 : memref<32x1024xf32, #tpu.memory_space<vmem>>)
    %add3A_60 = arith.constant 8192 : i32
    %add3A_61 = arith.addi %add3A_60, %mul3A_2 : i32
    %add3A_62 = arith.constant 64 : i32
    %add3A_63 = arith.addi %add3A_61, %add3A_62 : i32
    %dma_start3A_64 = arith.constant 0 : i32
    %dma_start3A_65 = tpu.memref_slice %arg4[%add3A_63, %dma_start3A_64] : memref<16384x1024xf32, #tpu.memory_space<hbm>> -> memref<32x1024xf32, #tpu.memory_space<hbm>>
    %dma_start3A_66 = arith.constant 0 : i32
    %dma_start3A_67 = tpu.memref_slice %arg4[%add3A_63, %dma_start3A_66] : memref<16384x1024xf32, #tpu.memory_space<hbm>> -> memref<32x1024xf32, #tpu.memory_space<hbm>>
    tpu.enqueue_dma source(%arg7 : memref<32x1024xf32, #tpu.memory_space<vmem>>) target(%dma_start3A_67 : memref<32x1024xf32, #tpu.memory_space<hbm>>) target_semaphore(%arg11 : memref<!tpu.dma_semaphore, #tpu.memory_space<semaphore_mem>>)
    %dma_wait3A_68 = arith.constant 96 : i32
    %dma_wait3A_69 = tpu.memref_slice %arg6[%dma_wait3A_68] : memref<128xi32, #tpu.memory_space<vmem>> -> memref<32xi32, #tpu.memory_space<vmem>>
    %dma_wait3A_70 = arith.constant 0 : i32
    %dma_wait3A_71 = arith.constant 0 : i32
    %dma_wait3A_72 = tpu.memref_slice %arg2[%dma_wait3A_70, %dma_wait3A_71] : memref<1024x1024xf32, #tpu.memory_space<hbm>> -> memref<1024x1024xf32, #tpu.memory_space<hbm>>
    tpu.wait_indirect_dma semaphore(%arg10 : memref<!tpu.dma_semaphore, #tpu.memory_space<semaphore_mem>>) src(%dma_wait3A_72 : memref<1024x1024xf32, #tpu.memory_space<hbm>>) dst(%arg8 : memref<32x1024xf32, #tpu.memory_space<vmem>>)
    %add3A_73 = arith.constant 8192 : i32
    %add3A_74 = arith.addi %add3A_73, %mul3A_2 : i32
    %add3A_75 = arith.constant 96 : i32
    %add3A_76 = arith.addi %add3A_74, %add3A_75 : i32
    %dma_start3A_77 = arith.constant 0 : i32
    %dma_start3A_78 = tpu.memref_slice %arg4[%add3A_76, %dma_start3A_77] : memref<16384x1024xf32, #tpu.memory_space<hbm>> -> memref<32x1024xf32, #tpu.memory_space<hbm>>
    %dma_start3A_79 = arith.constant 0 : i32
    %dma_start3A_80 = tpu.memref_slice %arg4[%add3A_76, %dma_start3A_79] : memref<16384x1024xf32, #tpu.memory_space<hbm>> -> memref<32x1024xf32, #tpu.memory_space<hbm>>
    tpu.enqueue_dma source(%arg8 : memref<32x1024xf32, #tpu.memory_space<vmem>>) target(%dma_start3A_80 : memref<32x1024xf32, #tpu.memory_space<hbm>>) target_semaphore(%arg12 : memref<!tpu.dma_semaphore, #tpu.memory_space<semaphore_mem>>)
    %dma_wait3A_81 = arith.constant 0 : i32
    %dma_wait3A_82 = tpu.memref_slice %arg4[%add3A_63, %dma_wait3A_81] : memref<16384x1024xf32, #tpu.memory_space<hbm>> -> memref<32x1024xf32, #tpu.memory_space<hbm>>
    %dma_wait3A_83 = arith.constant 0 : i32
    %dma_wait3A_84 = tpu.memref_slice %arg4[%add3A_63, %dma_wait3A_83] : memref<16384x1024xf32, #tpu.memory_space<hbm>> -> memref<32x1024xf32, #tpu.memory_space<hbm>>
    tpu.wait_dma2 semaphore(%arg11 : memref<!tpu.dma_semaphore, #tpu.memory_space<semaphore_mem>>) src(%arg7 : memref<32x1024xf32, #tpu.memory_space<vmem>>) dst(%dma_wait3A_84 : memref<32x1024xf32, #tpu.memory_space<hbm>>)
    %dma_wait3A_85 = arith.constant 0 : i32
    %dma_wait3A_86 = tpu.memref_slice %arg4[%add3A_76, %dma_wait3A_85] : memref<16384x1024xf32, #tpu.memory_space<hbm>> -> memref<32x1024xf32, #tpu.memory_space<hbm>>
    %dma_wait3A_87 = arith.constant 0 : i32
    %dma_wait3A_88 = tpu.memref_slice %arg4[%add3A_76, %dma_wait3A_87] : memref<16384x1024xf32, #tpu.memory_space<hbm>> -> memref<32x1024xf32, #tpu.memory_space<hbm>>
    tpu.wait_dma2 semaphore(%arg12 : memref<!tpu.dma_semaphore, #tpu.memory_space<semaphore_mem>>) src(%arg8 : memref<32x1024xf32, #tpu.memory_space<vmem>>) dst(%dma_wait3A_88 : memref<32x1024xf32, #tpu.memory_space<hbm>>)
    return
  }
}

module attributes {stable_mosaic.version = 14 : i64} {
  func.func @_table_body(%arg0: memref<1024x64xf32, #tpu.memory_space<vmem>>, %arg1: memref<64x1024xf32, #tpu.memory_space<vmem>>, %arg2: memref<1x1024xf32, #tpu.memory_space<vmem>>, %arg3: memref<64x1024xf32, #tpu.memory_space<vmem>>, %arg4: memref<1024x1024xf32, #tpu.memory_space<vmem>>, %arg5: memref<1x1024xf32, #tpu.memory_space<vmem>>) attributes {dimension_semantics = [], scalar_prefetch = 0 : i64, scratch_operands = 0 : i64, tpu.core_type = #tpu.core_type<tc>} {
    %get3A = arith.constant 0 : index
    %get3A_0 = arith.constant 0 : index
    %get3A_1 = vector.load %arg0[%get3A, %get3A_0] : memref<1024x64xf32, #tpu.memory_space<vmem>>, vector<1024x64xf32>
    %get3A_2 = arith.constant 0 : index
    %get3A_3 = arith.constant 0 : index
    %get3A_4 = vector.load %arg1[%get3A_2, %get3A_3] : memref<64x1024xf32, #tpu.memory_space<vmem>>, vector<64x1024xf32>
    %dot_general3A = arith.constant dense<0.000000e+00> : vector<1024x1024xf32>
    %dot_general3A_5 = tpu.matmul %get3A_1, %get3A_4, %dot_general3A {dimension_numbers = #tpu.dot_dimension_numbers<[1], [0], [0], [1], [0, 0, 1, 1], [], []>, transpose_lhs_hint = false} : vector<1024x64xf32>, vector<64x1024xf32>, vector<1024x1024xf32> -> vector<1024x1024xf32>
    %get3A_6 = arith.constant 0 : index
    %get3A_7 = arith.constant 0 : index
    %get3A_8 = vector.load %arg2[%get3A_6, %get3A_7] : memref<1x1024xf32, #tpu.memory_space<vmem>>, vector<1x1024xf32>
    %add3A = vector.broadcast %get3A_8 : vector<1x1024xf32> to vector<1024x1024xf32>
    %add3A_9 = arith.addf %dot_general3A_5, %add3A : vector<1024x1024xf32>
    %swap3A = arith.constant 0 : index
    %swap3A_10 = arith.constant 0 : index
    %swap3A_11 = vector.load %arg4[%swap3A, %swap3A_10] : memref<1024x1024xf32, #tpu.memory_space<vmem>>, vector<1024x1024xf32>
    tpu.vector_store %arg4[%swap3A, %swap3A_10], %add3A_9 {strides = array<i32>} : memref<1024x1024xf32, #tpu.memory_space<vmem>>, vector<1024x1024xf32>,
    %get3A_12 = arith.constant 0 : index
    %get3A_13 = arith.constant 0 : index
    %get3A_14 = vector.load %arg3[%get3A_12, %get3A_13] : memref<64x1024xf32, #tpu.memory_space<vmem>>, vector<64x1024xf32>
    %integer_pow3A = arith.mulf %get3A_14, %get3A_14 : vector<64x1024xf32>
    %reduce_sum3A = arith.constant dense<0.000000e+00> : vector<1024xf32>
    %reduce_sum3A_15 = vector.multi_reduction <add>, %integer_pow3A, %reduce_sum3A [0] : vector<64x1024xf32> to vector<1024xf32>
    %broadcast_in_dim3A = vector.shape_cast %reduce_sum3A_15 : vector<1024xf32> to vector<1x1024xf32>
    %swap3A_16 = arith.constant 0 : index
    %swap3A_17 = arith.constant 0 : index
    %swap3A_18 = vector.load %arg5[%swap3A_16, %swap3A_17] : memref<1x1024xf32, #tpu.memory_space<vmem>>, vector<1x1024xf32>
    tpu.vector_store %arg5[%swap3A_16, %swap3A_17], %broadcast_in_dim3A {strides = array<i32>} : memref<1x1024xf32, #tpu.memory_space<vmem>>, vector<1x1024xf32>,
    return
  }
}

module attributes {stable_mosaic.version = 14 : i64} {
  func.func @_idx_body(%arg0: i32, %arg1: memref<512x1024xf32, #tpu.memory_space<vmem>>, %arg2: memref<1024x64xf32, #tpu.memory_space<vmem>>, %arg3: memref<1x64xf32, #tpu.memory_space<vmem>>, %arg4: memref<64x1024xf32, #tpu.memory_space<vmem>>, %arg5: memref<1x1024xf32, #tpu.memory_space<vmem>>, %arg6: memref<1x1x512xi32, #tpu.memory_space<vmem>>) attributes {dimension_semantics = [#tpu.dimension_semantics<arbitrary>], iteration_bounds = array<i64: 8>, scalar_prefetch = 0 : i64, scratch_operands = 0 : i64, tpu.core_type = #tpu.core_type<tc>, window_params = [{transform_indices = @transform_0, window_bounds = array<i64: 512, 1024>}, {pipeline_mode = #tpu.pipeline_mode<synchronous>, transform_indices = @transform_1, window_bounds = array<i64: 1024, 64>}, {pipeline_mode = #tpu.pipeline_mode<synchronous>, transform_indices = @transform_2, window_bounds = array<i64: 1, 64>}, {pipeline_mode = #tpu.pipeline_mode<synchronous>, transform_indices = @transform_3, window_bounds = array<i64: 64, 1024>}, {pipeline_mode = #tpu.pipeline_mode<synchronous>, transform_indices = @transform_4, window_bounds = array<i64: 1, 1024>}, {transform_indices = @transform_5, window_bounds = array<i64: 1, 1, 512>}]} {
    %get3A = arith.constant 0 : index
    %get3A_0 = arith.constant 0 : index
    %get3A_1 = vector.load %arg1[%get3A, %get3A_0] : memref<512x1024xf32, #tpu.memory_space<vmem>>, vector<512x1024xf32>
    %get3A_2 = arith.constant 0 : index
    %get3A_3 = arith.constant 0 : index
    %get3A_4 = vector.load %arg2[%get3A_2, %get3A_3] : memref<1024x64xf32, #tpu.memory_space<vmem>>, vector<1024x64xf32>
    %dot_general3A = arith.constant dense<0.000000e+00> : vector<512x64xf32>
    %dot_general3A_5 = tpu.matmul %get3A_1, %get3A_4, %dot_general3A {dimension_numbers = #tpu.dot_dimension_numbers<[1], [0], [0], [1], [0, 0, 1, 1], [], []>, transpose_lhs_hint = false} : vector<512x1024xf32>, vector<1024x64xf32>, vector<512x64xf32> -> vector<512x64xf32>
    %get3A_6 = arith.constant 0 : index
    %get3A_7 = arith.constant 0 : index
    %get3A_8 = vector.load %arg3[%get3A_6, %get3A_7] : memref<1x64xf32, #tpu.memory_space<vmem>>, vector<1x64xf32>
    %add3A = vector.broadcast %get3A_8 : vector<1x64xf32> to vector<512x64xf32>
    %add3A_9 = arith.addf %dot_general3A_5, %add3A : vector<512x64xf32>
    %get3A_10 = arith.constant 0 : index
    %get3A_11 = arith.constant 0 : index
    %get3A_12 = vector.load %arg4[%get3A_10, %get3A_11] : memref<64x1024xf32, #tpu.memory_space<vmem>>, vector<64x1024xf32>
    %dot_general3A_13 = arith.constant dense<0.000000e+00> : vector<512x1024xf32>
    %dot_general3A_14 = tpu.matmul %add3A_9, %get3A_12, %dot_general3A_13 {dimension_numbers = #tpu.dot_dimension_numbers<[1], [0], [0], [1], [0, 0, 1, 1], [], []>, transpose_lhs_hint = false} : vector<512x64xf32>, vector<64x1024xf32>, vector<512x1024xf32> -> vector<512x1024xf32>
    %mul3A = arith.mulf %add3A_9, %add3A_9 : vector<512x64xf32>
    %reduce_sum3A = arith.constant dense<0.000000e+00> : vector<512xf32>
    %reduce_sum3A_15 = vector.multi_reduction <add>, %mul3A, %reduce_sum3A [1] : vector<512x64xf32> to vector<512xf32>
    %broadcast_in_dim3A = vector.shape_cast %reduce_sum3A_15 : vector<512xf32> to vector<512x1xf32>
    %get3A_16 = arith.constant 0 : index
    %get3A_17 = arith.constant 0 : index
    %get3A_18 = vector.load %arg5[%get3A_16, %get3A_17] : memref<1x1024xf32, #tpu.memory_space<vmem>>, vector<1x1024xf32>
    %add3A_19 = vector.broadcast %broadcast_in_dim3A : vector<512x1xf32> to vector<512x1024xf32>
    %add3A_20 = vector.broadcast %get3A_18 : vector<1x1024xf32> to vector<512x1024xf32>
    %add3A_21 = arith.addf %add3A_19, %add3A_20 : vector<512x1024xf32>
    %mul3A_22 = arith.constant 2.000000e+00 : f32
    %mul3A_23 = vector.broadcast %mul3A_22 : f32 to vector<512x1024xf32>
    %mul3A_24 = arith.mulf %mul3A_23, %dot_general3A_14 : vector<512x1024xf32>
    %sub3A = arith.subf %add3A_21, %mul3A_24 : vector<512x1024xf32>
    %argmin3A = tpu.reduce_index %sub3A {axis = 1 : i32, kind = #tpu.reduction_kind<arg_min>} : vector<512x1024xf32> -> vector<512xi32>
    %broadcast_in_dim3A_25 = vector.shape_cast %argmin3A : vector<512xi32> to vector<1x512xi32>
    %swap3A = arith.constant 0 : index
    %swap3A_26 = arith.constant 0 : index
    %swap3A_27 = arith.constant 0 : index
    %swap3A_28 = vector.load %arg6[%swap3A, %swap3A_26, %swap3A_27] : memref<1x1x512xi32, #tpu.memory_space<vmem>>, vector<1x1x512xi32>
    %swap3A_29 = vector.shape_cast %swap3A_28 : vector<1x1x512xi32> to vector<1x512xi32>
    %swap3A_30 = vector.shape_cast %broadcast_in_dim3A_25 : vector<1x512xi32> to vector<1x1x512xi32>
    tpu.vector_store %arg6[%swap3A, %swap3A_26, %swap3A_27], %swap3A_30 {strides = array<i32>} : memref<1x1x512xi32, #tpu.memory_space<vmem>>, vector<1x1x512xi32>,
    return
  }
  func.func @transform_0(%arg0: i32) -> (i32, i32) {
    %add3A = arith.constant 16 : i32
    %add3A_0 = arith.addi %add3A, %arg0 : i32
    %c0_i32 = arith.constant 0 : i32
    %c0_i32_1 = arith.constant 0 : i32
    return %add3A_0, %c0_i32 : i32, i32
  }
  func.func @transform_1(%arg0: i32) -> (i32, i32) {
    %c0_i32 = arith.constant 0 : i32
    %c0_i32_0 = arith.constant 0 : i32
    %c0_i32_1 = arith.constant 0 : i32
    return %c0_i32, %c0_i32_0 : i32, i32
  }
  func.func @transform_2(%arg0: i32) -> (i32, i32) {
    %c0_i32 = arith.constant 0 : i32
    %c0_i32_0 = arith.constant 0 : i32
    %c0_i32_1 = arith.constant 0 : i32
    return %c0_i32, %c0_i32_0 : i32, i32
  }
  func.func @transform_3(%arg0: i32) -> (i32, i32) {
    %c0_i32 = arith.constant 0 : i32
    %c0_i32_0 = arith.constant 0 : i32
    %c0_i32_1 = arith.constant 0 : i32
    return %c0_i32, %c0_i32_0 : i32, i32
  }
  func.func @transform_4(%arg0: i32) -> (i32, i32) {
    %c0_i32 = arith.constant 0 : i32
    %c0_i32_0 = arith.constant 0 : i32
    %c0_i32_1 = arith.constant 0 : i32
    return %c0_i32, %c0_i32_0 : i32, i32
  }
  func.func @transform_5(%arg0: i32) -> (i32, i32, i32) {
    %c0_i32 = arith.constant 0 : i32
    %c0_i32_0 = arith.constant 0 : i32
    %c0_i32_1 = arith.constant 0 : i32
    return %arg0, %c0_i32, %c0_i32_0 : i32, i32, i32
  }
}

module attributes {stable_mosaic.version = 14 : i64} {
  func.func @_idx_body(%arg0: i32, %arg1: memref<512x1024xf32, #tpu.memory_space<vmem>>, %arg2: memref<1024x64xf32, #tpu.memory_space<vmem>>, %arg3: memref<1x64xf32, #tpu.memory_space<vmem>>, %arg4: memref<64x1024xf32, #tpu.memory_space<vmem>>, %arg5: memref<1x1024xf32, #tpu.memory_space<vmem>>, %arg6: memref<1x1x512xi32, #tpu.memory_space<vmem>>) attributes {dimension_semantics = [#tpu.dimension_semantics<arbitrary>], iteration_bounds = array<i64: 8>, scalar_prefetch = 0 : i64, scratch_operands = 0 : i64, tpu.core_type = #tpu.core_type<tc>, window_params = [{transform_indices = @transform_0, window_bounds = array<i64: 512, 1024>}, {pipeline_mode = #tpu.pipeline_mode<synchronous>, transform_indices = @transform_1, window_bounds = array<i64: 1024, 64>}, {pipeline_mode = #tpu.pipeline_mode<synchronous>, transform_indices = @transform_2, window_bounds = array<i64: 1, 64>}, {pipeline_mode = #tpu.pipeline_mode<synchronous>, transform_indices = @transform_3, window_bounds = array<i64: 64, 1024>}, {pipeline_mode = #tpu.pipeline_mode<synchronous>, transform_indices = @transform_4, window_bounds = array<i64: 1, 1024>}, {transform_indices = @transform_5, window_bounds = array<i64: 1, 1, 512>}]} {
    %get3A = arith.constant 0 : index
    %get3A_0 = arith.constant 0 : index
    %get3A_1 = vector.load %arg1[%get3A, %get3A_0] : memref<512x1024xf32, #tpu.memory_space<vmem>>, vector<512x1024xf32>
    %get3A_2 = arith.constant 0 : index
    %get3A_3 = arith.constant 0 : index
    %get3A_4 = vector.load %arg2[%get3A_2, %get3A_3] : memref<1024x64xf32, #tpu.memory_space<vmem>>, vector<1024x64xf32>
    %dot_general3A = arith.constant dense<0.000000e+00> : vector<512x64xf32>
    %dot_general3A_5 = tpu.matmul %get3A_1, %get3A_4, %dot_general3A {dimension_numbers = #tpu.dot_dimension_numbers<[1], [0], [0], [1], [0, 0, 1, 1], [], []>, transpose_lhs_hint = false} : vector<512x1024xf32>, vector<1024x64xf32>, vector<512x64xf32> -> vector<512x64xf32>
    %get3A_6 = arith.constant 0 : index
    %get3A_7 = arith.constant 0 : index
    %get3A_8 = vector.load %arg3[%get3A_6, %get3A_7] : memref<1x64xf32, #tpu.memory_space<vmem>>, vector<1x64xf32>
    %add3A = vector.broadcast %get3A_8 : vector<1x64xf32> to vector<512x64xf32>
    %add3A_9 = arith.addf %dot_general3A_5, %add3A : vector<512x64xf32>
    %get3A_10 = arith.constant 0 : index
    %get3A_11 = arith.constant 0 : index
    %get3A_12 = vector.load %arg4[%get3A_10, %get3A_11] : memref<64x1024xf32, #tpu.memory_space<vmem>>, vector<64x1024xf32>
    %dot_general3A_13 = arith.constant dense<0.000000e+00> : vector<512x1024xf32>
    %dot_general3A_14 = tpu.matmul %add3A_9, %get3A_12, %dot_general3A_13 {dimension_numbers = #tpu.dot_dimension_numbers<[1], [0], [0], [1], [0, 0, 1, 1], [], []>, transpose_lhs_hint = false} : vector<512x64xf32>, vector<64x1024xf32>, vector<512x1024xf32> -> vector<512x1024xf32>
    %mul3A = arith.mulf %add3A_9, %add3A_9 : vector<512x64xf32>
    %reduce_sum3A = arith.constant dense<0.000000e+00> : vector<512xf32>
    %reduce_sum3A_15 = vector.multi_reduction <add>, %mul3A, %reduce_sum3A [1] : vector<512x64xf32> to vector<512xf32>
    %broadcast_in_dim3A = vector.shape_cast %reduce_sum3A_15 : vector<512xf32> to vector<512x1xf32>
    %get3A_16 = arith.constant 0 : index
    %get3A_17 = arith.constant 0 : index
    %get3A_18 = vector.load %arg5[%get3A_16, %get3A_17] : memref<1x1024xf32, #tpu.memory_space<vmem>>, vector<1x1024xf32>
    %add3A_19 = vector.broadcast %broadcast_in_dim3A : vector<512x1xf32> to vector<512x1024xf32>
    %add3A_20 = vector.broadcast %get3A_18 : vector<1x1024xf32> to vector<512x1024xf32>
    %add3A_21 = arith.addf %add3A_19, %add3A_20 : vector<512x1024xf32>
    %mul3A_22 = arith.constant 2.000000e+00 : f32
    %mul3A_23 = vector.broadcast %mul3A_22 : f32 to vector<512x1024xf32>
    %mul3A_24 = arith.mulf %mul3A_23, %dot_general3A_14 : vector<512x1024xf32>
    %sub3A = arith.subf %add3A_21, %mul3A_24 : vector<512x1024xf32>
    %argmin3A = tpu.reduce_index %sub3A {axis = 1 : i32, kind = #tpu.reduction_kind<arg_min>} : vector<512x1024xf32> -> vector<512xi32>
    %broadcast_in_dim3A_25 = vector.shape_cast %argmin3A : vector<512xi32> to vector<1x512xi32>
    %swap3A = arith.constant 0 : index
    %swap3A_26 = arith.constant 0 : index
    %swap3A_27 = arith.constant 0 : index
    %swap3A_28 = vector.load %arg6[%swap3A, %swap3A_26, %swap3A_27] : memref<1x1x512xi32, #tpu.memory_space<vmem>>, vector<1x1x512xi32>
    %swap3A_29 = vector.shape_cast %swap3A_28 : vector<1x1x512xi32> to vector<1x512xi32>
    %swap3A_30 = vector.shape_cast %broadcast_in_dim3A_25 : vector<1x512xi32> to vector<1x1x512xi32>
    tpu.vector_store %arg6[%swap3A, %swap3A_26, %swap3A_27], %swap3A_30 {strides = array<i32>} : memref<1x1x512xi32, #tpu.memory_space<vmem>>, vector<1x1x512xi32>,
    return
  }
  func.func @transform_0(%arg0: i32) -> (i32, i32) {
    %add3A = arith.constant 0 : i32
    %add3A_0 = arith.addi %add3A, %arg0 : i32
    %c0_i32 = arith.constant 0 : i32
    %c0_i32_1 = arith.constant 0 : i32
    return %add3A_0, %c0_i32 : i32, i32
  }
  func.func @transform_1(%arg0: i32) -> (i32, i32) {
    %c0_i32 = arith.constant 0 : i32
    %c0_i32_0 = arith.constant 0 : i32
    %c0_i32_1 = arith.constant 0 : i32
    return %c0_i32, %c0_i32_0 : i32, i32
  }
  func.func @transform_2(%arg0: i32) -> (i32, i32) {
    %c0_i32 = arith.constant 0 : i32
    %c0_i32_0 = arith.constant 0 : i32
    %c0_i32_1 = arith.constant 0 : i32
    return %c0_i32, %c0_i32_0 : i32, i32
  }
  func.func @transform_3(%arg0: i32) -> (i32, i32) {
    %c0_i32 = arith.constant 0 : i32
    %c0_i32_0 = arith.constant 0 : i32
    %c0_i32_1 = arith.constant 0 : i32
    return %c0_i32, %c0_i32_0 : i32, i32
  }
  func.func @transform_4(%arg0: i32) -> (i32, i32) {
    %c0_i32 = arith.constant 0 : i32
    %c0_i32_0 = arith.constant 0 : i32
    %c0_i32_1 = arith.constant 0 : i32
    return %c0_i32, %c0_i32_0 : i32, i32
  }
  func.func @transform_5(%arg0: i32) -> (i32, i32, i32) {
    %c0_i32 = arith.constant 0 : i32
    %c0_i32_0 = arith.constant 0 : i32
    %c0_i32_1 = arith.constant 0 : i32
    return %arg0, %c0_i32, %c0_i32_0 : i32, i32, i32
  }
}

module attributes {stable_mosaic.version = 14 : i64} {
  func.func @_idx_body(%arg0: i32, %arg1: memref<512x1024xf32, #tpu.memory_space<vmem>>, %arg2: memref<1024x64xf32, #tpu.memory_space<vmem>>, %arg3: memref<1x64xf32, #tpu.memory_space<vmem>>, %arg4: memref<64x1024xf32, #tpu.memory_space<vmem>>, %arg5: memref<1x1024xf32, #tpu.memory_space<vmem>>, %arg6: memref<1x1x512xi32, #tpu.memory_space<vmem>>) attributes {dimension_semantics = [#tpu.dimension_semantics<arbitrary>], iteration_bounds = array<i64: 8>, scalar_prefetch = 0 : i64, scratch_operands = 0 : i64, tpu.core_type = #tpu.core_type<tc>, window_params = [{transform_indices = @transform_0, window_bounds = array<i64: 512, 1024>}, {pipeline_mode = #tpu.pipeline_mode<synchronous>, transform_indices = @transform_1, window_bounds = array<i64: 1024, 64>}, {pipeline_mode = #tpu.pipeline_mode<synchronous>, transform_indices = @transform_2, window_bounds = array<i64: 1, 64>}, {pipeline_mode = #tpu.pipeline_mode<synchronous>, transform_indices = @transform_3, window_bounds = array<i64: 64, 1024>}, {pipeline_mode = #tpu.pipeline_mode<synchronous>, transform_indices = @transform_4, window_bounds = array<i64: 1, 1024>}, {transform_indices = @transform_5, window_bounds = array<i64: 1, 1, 512>}]} {
    %get3A = arith.constant 0 : index
    %get3A_0 = arith.constant 0 : index
    %get3A_1 = vector.load %arg1[%get3A, %get3A_0] : memref<512x1024xf32, #tpu.memory_space<vmem>>, vector<512x1024xf32>
    %get3A_2 = arith.constant 0 : index
    %get3A_3 = arith.constant 0 : index
    %get3A_4 = vector.load %arg2[%get3A_2, %get3A_3] : memref<1024x64xf32, #tpu.memory_space<vmem>>, vector<1024x64xf32>
    %dot_general3A = arith.constant dense<0.000000e+00> : vector<512x64xf32>
    %dot_general3A_5 = tpu.matmul %get3A_1, %get3A_4, %dot_general3A {dimension_numbers = #tpu.dot_dimension_numbers<[1], [0], [0], [1], [0, 0, 1, 1], [], []>, transpose_lhs_hint = false} : vector<512x1024xf32>, vector<1024x64xf32>, vector<512x64xf32> -> vector<512x64xf32>
    %get3A_6 = arith.constant 0 : index
    %get3A_7 = arith.constant 0 : index
    %get3A_8 = vector.load %arg3[%get3A_6, %get3A_7] : memref<1x64xf32, #tpu.memory_space<vmem>>, vector<1x64xf32>
    %add3A = vector.broadcast %get3A_8 : vector<1x64xf32> to vector<512x64xf32>
    %add3A_9 = arith.addf %dot_general3A_5, %add3A : vector<512x64xf32>
    %get3A_10 = arith.constant 0 : index
    %get3A_11 = arith.constant 0 : index
    %get3A_12 = vector.load %arg4[%get3A_10, %get3A_11] : memref<64x1024xf32, #tpu.memory_space<vmem>>, vector<64x1024xf32>
    %dot_general3A_13 = arith.constant dense<0.000000e+00> : vector<512x1024xf32>
    %dot_general3A_14 = tpu.matmul %add3A_9, %get3A_12, %dot_general3A_13 {dimension_numbers = #tpu.dot_dimension_numbers<[1], [0], [0], [1], [0, 0, 1, 1], [], []>, transpose_lhs_hint = false} : vector<512x64xf32>, vector<64x1024xf32>, vector<512x1024xf32> -> vector<512x1024xf32>
    %mul3A = arith.mulf %add3A_9, %add3A_9 : vector<512x64xf32>
    %reduce_sum3A = arith.constant dense<0.000000e+00> : vector<512xf32>
    %reduce_sum3A_15 = vector.multi_reduction <add>, %mul3A, %reduce_sum3A [1] : vector<512x64xf32> to vector<512xf32>
    %broadcast_in_dim3A = vector.shape_cast %reduce_sum3A_15 : vector<512xf32> to vector<512x1xf32>
    %get3A_16 = arith.constant 0 : index
    %get3A_17 = arith.constant 0 : index
    %get3A_18 = vector.load %arg5[%get3A_16, %get3A_17] : memref<1x1024xf32, #tpu.memory_space<vmem>>, vector<1x1024xf32>
    %add3A_19 = vector.broadcast %broadcast_in_dim3A : vector<512x1xf32> to vector<512x1024xf32>
    %add3A_20 = vector.broadcast %get3A_18 : vector<1x1024xf32> to vector<512x1024xf32>
    %add3A_21 = arith.addf %add3A_19, %add3A_20 : vector<512x1024xf32>
    %mul3A_22 = arith.constant 2.000000e+00 : f32
    %mul3A_23 = vector.broadcast %mul3A_22 : f32 to vector<512x1024xf32>
    %mul3A_24 = arith.mulf %mul3A_23, %dot_general3A_14 : vector<512x1024xf32>
    %sub3A = arith.subf %add3A_21, %mul3A_24 : vector<512x1024xf32>
    %argmin3A = tpu.reduce_index %sub3A {axis = 1 : i32, kind = #tpu.reduction_kind<arg_min>} : vector<512x1024xf32> -> vector<512xi32>
    %broadcast_in_dim3A_25 = vector.shape_cast %argmin3A : vector<512xi32> to vector<1x512xi32>
    %swap3A = arith.constant 0 : index
    %swap3A_26 = arith.constant 0 : index
    %swap3A_27 = arith.constant 0 : index
    %swap3A_28 = vector.load %arg6[%swap3A, %swap3A_26, %swap3A_27] : memref<1x1x512xi32, #tpu.memory_space<vmem>>, vector<1x1x512xi32>
    %swap3A_29 = vector.shape_cast %swap3A_28 : vector<1x1x512xi32> to vector<1x512xi32>
    %swap3A_30 = vector.shape_cast %broadcast_in_dim3A_25 : vector<1x512xi32> to vector<1x1x512xi32>
    tpu.vector_store %arg6[%swap3A, %swap3A_26, %swap3A_27], %swap3A_30 {strides = array<i32>} : memref<1x1x512xi32, #tpu.memory_space<vmem>>, vector<1x1x512xi32>,
    return
  }
  func.func @transform_0(%arg0: i32) -> (i32, i32) {
    %add3A = arith.constant 8 : i32
    %add3A_0 = arith.addi %add3A, %arg0 : i32
    %c0_i32 = arith.constant 0 : i32
    %c0_i32_1 = arith.constant 0 : i32
    return %add3A_0, %c0_i32 : i32, i32
  }
  func.func @transform_1(%arg0: i32) -> (i32, i32) {
    %c0_i32 = arith.constant 0 : i32
    %c0_i32_0 = arith.constant 0 : i32
    %c0_i32_1 = arith.constant 0 : i32
    return %c0_i32, %c0_i32_0 : i32, i32
  }
  func.func @transform_2(%arg0: i32) -> (i32, i32) {
    %c0_i32 = arith.constant 0 : i32
    %c0_i32_0 = arith.constant 0 : i32
    %c0_i32_1 = arith.constant 0 : i32
    return %c0_i32, %c0_i32_0 : i32, i32
  }
  func.func @transform_3(%arg0: i32) -> (i32, i32) {
    %c0_i32 = arith.constant 0 : i32
    %c0_i32_0 = arith.constant 0 : i32
    %c0_i32_1 = arith.constant 0 : i32
    return %c0_i32, %c0_i32_0 : i32, i32
  }
  func.func @transform_4(%arg0: i32) -> (i32, i32) {
    %c0_i32 = arith.constant 0 : i32
    %c0_i32_0 = arith.constant 0 : i32
    %c0_i32_1 = arith.constant 0 : i32
    return %c0_i32, %c0_i32_0 : i32, i32
  }
  func.func @transform_5(%arg0: i32) -> (i32, i32, i32) {
    %c0_i32 = arith.constant 0 : i32
    %c0_i32_0 = arith.constant 0 : i32
    %c0_i32_1 = arith.constant 0 : i32
    return %arg0, %c0_i32, %c0_i32_0 : i32, i32, i32
  }
}

module attributes {stable_mosaic.version = 14 : i64} {
  func.func @_idx_body(%arg0: i32, %arg1: memref<512x1024xf32, #tpu.memory_space<vmem>>, %arg2: memref<1024x64xf32, #tpu.memory_space<vmem>>, %arg3: memref<1x64xf32, #tpu.memory_space<vmem>>, %arg4: memref<64x1024xf32, #tpu.memory_space<vmem>>, %arg5: memref<1x1024xf32, #tpu.memory_space<vmem>>, %arg6: memref<1x1x512xi32, #tpu.memory_space<vmem>>) attributes {dimension_semantics = [#tpu.dimension_semantics<arbitrary>], iteration_bounds = array<i64: 8>, scalar_prefetch = 0 : i64, scratch_operands = 0 : i64, tpu.core_type = #tpu.core_type<tc>, window_params = [{transform_indices = @transform_0, window_bounds = array<i64: 512, 1024>}, {pipeline_mode = #tpu.pipeline_mode<synchronous>, transform_indices = @transform_1, window_bounds = array<i64: 1024, 64>}, {pipeline_mode = #tpu.pipeline_mode<synchronous>, transform_indices = @transform_2, window_bounds = array<i64: 1, 64>}, {pipeline_mode = #tpu.pipeline_mode<synchronous>, transform_indices = @transform_3, window_bounds = array<i64: 64, 1024>}, {pipeline_mode = #tpu.pipeline_mode<synchronous>, transform_indices = @transform_4, window_bounds = array<i64: 1, 1024>}, {transform_indices = @transform_5, window_bounds = array<i64: 1, 1, 512>}]} {
    %get3A = arith.constant 0 : index
    %get3A_0 = arith.constant 0 : index
    %get3A_1 = vector.load %arg1[%get3A, %get3A_0] : memref<512x1024xf32, #tpu.memory_space<vmem>>, vector<512x1024xf32>
    %get3A_2 = arith.constant 0 : index
    %get3A_3 = arith.constant 0 : index
    %get3A_4 = vector.load %arg2[%get3A_2, %get3A_3] : memref<1024x64xf32, #tpu.memory_space<vmem>>, vector<1024x64xf32>
    %dot_general3A = arith.constant dense<0.000000e+00> : vector<512x64xf32>
    %dot_general3A_5 = tpu.matmul %get3A_1, %get3A_4, %dot_general3A {dimension_numbers = #tpu.dot_dimension_numbers<[1], [0], [0], [1], [0, 0, 1, 1], [], []>, transpose_lhs_hint = false} : vector<512x1024xf32>, vector<1024x64xf32>, vector<512x64xf32> -> vector<512x64xf32>
    %get3A_6 = arith.constant 0 : index
    %get3A_7 = arith.constant 0 : index
    %get3A_8 = vector.load %arg3[%get3A_6, %get3A_7] : memref<1x64xf32, #tpu.memory_space<vmem>>, vector<1x64xf32>
    %add3A = vector.broadcast %get3A_8 : vector<1x64xf32> to vector<512x64xf32>
    %add3A_9 = arith.addf %dot_general3A_5, %add3A : vector<512x64xf32>
    %get3A_10 = arith.constant 0 : index
    %get3A_11 = arith.constant 0 : index
    %get3A_12 = vector.load %arg4[%get3A_10, %get3A_11] : memref<64x1024xf32, #tpu.memory_space<vmem>>, vector<64x1024xf32>
    %dot_general3A_13 = arith.constant dense<0.000000e+00> : vector<512x1024xf32>
    %dot_general3A_14 = tpu.matmul %add3A_9, %get3A_12, %dot_general3A_13 {dimension_numbers = #tpu.dot_dimension_numbers<[1], [0], [0], [1], [0, 0, 1, 1], [], []>, transpose_lhs_hint = false} : vector<512x64xf32>, vector<64x1024xf32>, vector<512x1024xf32> -> vector<512x1024xf32>
    %mul3A = arith.mulf %add3A_9, %add3A_9 : vector<512x64xf32>
    %reduce_sum3A = arith.constant dense<0.000000e+00> : vector<512xf32>
    %reduce_sum3A_15 = vector.multi_reduction <add>, %mul3A, %reduce_sum3A [1] : vector<512x64xf32> to vector<512xf32>
    %broadcast_in_dim3A = vector.shape_cast %reduce_sum3A_15 : vector<512xf32> to vector<512x1xf32>
    %get3A_16 = arith.constant 0 : index
    %get3A_17 = arith.constant 0 : index
    %get3A_18 = vector.load %arg5[%get3A_16, %get3A_17] : memref<1x1024xf32, #tpu.memory_space<vmem>>, vector<1x1024xf32>
    %add3A_19 = vector.broadcast %broadcast_in_dim3A : vector<512x1xf32> to vector<512x1024xf32>
    %add3A_20 = vector.broadcast %get3A_18 : vector<1x1024xf32> to vector<512x1024xf32>
    %add3A_21 = arith.addf %add3A_19, %add3A_20 : vector<512x1024xf32>
    %mul3A_22 = arith.constant 2.000000e+00 : f32
    %mul3A_23 = vector.broadcast %mul3A_22 : f32 to vector<512x1024xf32>
    %mul3A_24 = arith.mulf %mul3A_23, %dot_general3A_14 : vector<512x1024xf32>
    %sub3A = arith.subf %add3A_21, %mul3A_24 : vector<512x1024xf32>
    %argmin3A = tpu.reduce_index %sub3A {axis = 1 : i32, kind = #tpu.reduction_kind<arg_min>} : vector<512x1024xf32> -> vector<512xi32>
    %broadcast_in_dim3A_25 = vector.shape_cast %argmin3A : vector<512xi32> to vector<1x512xi32>
    %swap3A = arith.constant 0 : index
    %swap3A_26 = arith.constant 0 : index
    %swap3A_27 = arith.constant 0 : index
    %swap3A_28 = vector.load %arg6[%swap3A, %swap3A_26, %swap3A_27] : memref<1x1x512xi32, #tpu.memory_space<vmem>>, vector<1x1x512xi32>
    %swap3A_29 = vector.shape_cast %swap3A_28 : vector<1x1x512xi32> to vector<1x512xi32>
    %swap3A_30 = vector.shape_cast %broadcast_in_dim3A_25 : vector<1x512xi32> to vector<1x1x512xi32>
    tpu.vector_store %arg6[%swap3A, %swap3A_26, %swap3A_27], %swap3A_30 {strides = array<i32>} : memref<1x1x512xi32, #tpu.memory_space<vmem>>, vector<1x1x512xi32>,
    return
  }
  func.func @transform_0(%arg0: i32) -> (i32, i32) {
    %add3A = arith.constant 24 : i32
    %add3A_0 = arith.addi %add3A, %arg0 : i32
    %c0_i32 = arith.constant 0 : i32
    %c0_i32_1 = arith.constant 0 : i32
    return %add3A_0, %c0_i32 : i32, i32
  }
  func.func @transform_1(%arg0: i32) -> (i32, i32) {
    %c0_i32 = arith.constant 0 : i32
    %c0_i32_0 = arith.constant 0 : i32
    %c0_i32_1 = arith.constant 0 : i32
    return %c0_i32, %c0_i32_0 : i32, i32
  }
  func.func @transform_2(%arg0: i32) -> (i32, i32) {
    %c0_i32 = arith.constant 0 : i32
    %c0_i32_0 = arith.constant 0 : i32
    %c0_i32_1 = arith.constant 0 : i32
    return %c0_i32, %c0_i32_0 : i32, i32
  }
  func.func @transform_3(%arg0: i32) -> (i32, i32) {
    %c0_i32 = arith.constant 0 : i32
    %c0_i32_0 = arith.constant 0 : i32
    %c0_i32_1 = arith.constant 0 : i32
    return %c0_i32, %c0_i32_0 : i32, i32
  }
  func.func @transform_4(%arg0: i32) -> (i32, i32) {
    %c0_i32 = arith.constant 0 : i32
    %c0_i32_0 = arith.constant 0 : i32
    %c0_i32_1 = arith.constant 0 : i32
    return %c0_i32, %c0_i32_0 : i32, i32
  }
  func.func @transform_5(%arg0: i32) -> (i32, i32, i32) {
    %c0_i32 = arith.constant 0 : i32
    %c0_i32_0 = arith.constant 0 : i32
    %c0_i32_1 = arith.constant 0 : i32
    return %arg0, %c0_i32, %c0_i32_0 : i32, i32, i32
  }
}

</mosaic_0001>

<sc_bundles>
// kernel: kernel.11.cloned.1.call-start
scs
__scs_entry_jumppad:
0x0: {  	(pc) =	sbr.rel $0x88, $3  }
0x1: {  	(tag) =	ssettag $0x0;
	lr =	simm.s32 $0x1  }
0x2: {  	[smem:$0x3F9B] =	sst lr;
	_ =	strace $0xD0000000  }
0x3: {  	_ = 	snop  }
0x4: {  	_ = 	snop  }
0x5: {  	_ = 	snop  }
0x6: {  	_ = 	snop  }
0x7: {  	_ = 	snop  }
__scs_overlays_trampoline_lowered:
0x8: {  	[smem:$0x3FAA] =	sst s0  }
0x9: {  	[smem:$0x3FAB] =	sst s1  }
0xa: {  	[smem:$0x3FAC] =	sst s2  }
0xb: {  	[smem:$0x3FAD] =	sst s3  }
0xc: {  	[smem:$0x3FAE] =	sst s4  }
0xd: {  	[smem:$0x3FAF] =	sst s5  }
0xe: {  	[smem:$0x3FB0] =	sst s6  }
0xf: {  	[smem:$0x3FB1] =	sst s7  }
0x10: {  	[smem:$0x3FB2] =	sst s8  }
0x11: {  	[smem:$0x3FB3] =	sst s9;
	s0 =	simm.s32 @!p0 $0x0  }
0x12: {  	s1 =	sld [smem:$0x3F99];
	s0 =	simm.s32 @p0 $0x1  }
0x13: {  	[smem:$0x3FB4] =	sst s0;
	s0 =	simm.s32 @!p1 $0x0  }
0x14: {  	s2 =	sld [smem:$0x3F98];
	s0 =	simm.s32 @p1 $0x1  }
0x15: {  	[smem:$0x3FB5] =	sst s0;
	s0 =	simm.s32 @!p2 $0x0  }
0x16: {  	s3 =	sld [smem:$0x3FDB];
	s0 =	simm.s32 @p2 $0x1  }
0x17: {  	s4 =	simm.s32 $0x1BF5;
	[smem:$0x3FB7] =	sst s0  }
0x18: {  	s0 =	sld [smem:$0x3F9A];
	_ =	swait.ge [sflag:s4], $0x0  }
0x19: {  	s7 =	sld [smem:$0x3F9B]  }
0x1a: {  	s8 =	sadd.s32 $0xFFFFE003, lr  }
0x1b: {  	s9 =	sadd.s32 $0xFFFFFEF7, lr;
	s5 =	simm.s32 $0xFFFFFFFF;
	p2 =	slt.u32 s8, $0xFFFFF086  }
0x1c: {  	p1 =	slt.u32 s9, $0xF7A;
	s5 =	simm.s32 @!p2 $0x0  }
0x1d: {  	s5 =	simm.s32 @p1 $0x1;
	p0 =	seq.s32 s7, s2  }
0x1e: {  	s7 =	smul.u32 @!p0 $0xF7A, s2;
	p2 =	seq.s32 @!p0 s5, $0x0  }
0x1f: {  	s9 =	smul.u32 $0xF7A, s1;
	s8 =	simm.s32 @!p0 $0x1BF5;
	p2 =	por !p2, p0  }
0x20: {  	[sflag:s8] =	ssyncset.s32 @!p0 $0xFFFFF086;
	s6 =	sadd.s32 @!p0 s3, s7;
	s7 =	simm.s32 @!p0 $0x108  }
0x21: {  	s3 =	sadd.s32 s3, s9;
	s6 =	sadd.s32 @!p0 $0x88, s6;
	s7 =	simm.s32 @p2 $0x1082  }
0x22: {  	[simem:s7], [sflag:s8] =	dma.local @!p0 [hbm:s6], $0xF7A  }
0x23: {  	s9 =	sor.u32 $0xD0000000, s2;
	s6 =	simm.s32 $0x108;
	_ =	swait.ge @!p0 [sflag:s8], $0x0  }
0x24: {  	s3 =	sadd.s32 $0x88, s3;
	s6 =	simm.s32 @!p1 $0x1082;
	[sflag:s4] =	ssyncset.s32 $0xFFFFF086  }
0x25: {  	[simem:s6], [sflag:s4] =	dma.local [hbm:s3], $0xF7A  }
0x26: {  	[smem:$0x3F9B] =	sst s1;
	(tag) =	ssettag s2;
	_ =	strace s9  }
0x27: {  	s1 =	sld [smem:$0x3FAB]  }
0x28: {  	s2 =	sld [smem:$0x3FAC]  }
0x29: {  	s4 =	sld [smem:$0x3FAE]  }
0x2a: {  	p0 =	seq.s32 s5, $0x0;
	s5 =	sld [smem:$0x3FAF]  }
0x2b: {  	s6 =	sld [smem:$0x3FB0]  }
0x2c: {  	s7 =	sld [smem:$0x3FB1]  }
0x2d: {  	s3 =	simm.s32 $0x108;
	s8 =	sld [smem:$0x3FB2]  }
0x2e: {  	s3 =	simm.s32 @!p0 $0x1082;
	s9 =	sld [smem:$0x3FB3]  }
0x2f: {  	lr =	sadd.s32 s0, s3;
	s0 =	sld [smem:$0x3FAA]  }
0x30: {  	s3 =	sld [smem:$0x3FAD]  }
0x31: {  	[smem:$0x3FB6] =	sst s10  }
0x32: {  	s10 =	sld [smem:$0x3FB4];
	_ =	sdelay $0x3  }
0x33: {  	p0 =	seq.s32 s10, $0x1;
	s10 =	sld [smem:$0x3FB6];
	_ =	sdelay $0x3  }
0x34: {  	[smem:$0x3FB6] =	sst s10  }
0x35: {  	s10 =	sld [smem:$0x3FB5];
	_ =	sdelay $0x3  }
0x36: {  	p1 =	seq.s32 s10, $0x1;
	s10 =	sld [smem:$0x3FB6];
	_ =	sdelay $0x3  }
0x37: {  	[smem:$0x3FB6] =	sst s10  }
0x38: {  	s10 =	sld [smem:$0x3FB7]  }
0x39: {  	_ = 	snop;
	(pc) =	sbr.ind lr, $3  }
0x3a: {  	_ = 	snop  }
0x3b: {  	_ = 	snop  }
0x3c: {  	p2 =	seq.s32 s10, $0x1;
	s10 =	sld [smem:$0x3FB6]  }
0x3d: {  	_ =	shalt  }
0x3e: {  	_ =	shalt  }
0x3f: {  	_ =	shalt  }
0x40: {  	_ =	shalt  }
0x41: {  	_ =	shalt  }
0x42: {  	_ =	shalt  }
0x43: {  	_ =	shalt  }
0x44: {  	_ =	shalt  }
0x45: {  	_ =	shalt  }
0x46: {  	_ =	shalt  }
0x47: {  	_ =	shalt  }
0x48: {  	_ =	shalt  }
0x49: {  	_ =	shalt  }
0x4a: {  	_ =	shalt  }
0x4b: {  	_ =	shalt  }
0x4c: {  	_ =	shalt  }
0x4d: {  	_ =	shalt  }
0x4e: {  	_ =	shalt  }
0x4f: {  	_ =	shalt  }
0x50: {  	_ =	shalt  }
0x51: {  	_ =	shalt  }
0x52: {  	_ =	shalt  }
0x53: {  	_ =	shalt  }
0x54: {  	_ =	shalt  }
0x55: {  	_ =	shalt  }
0x56: {  	_ =	shalt  }
0x57: {  	_ =	shalt  }
0x58: {  	_ =	shalt  }
0x59: {  	_ =	shalt  }
0x5a: {  	_ =	shalt  }
0x5b: {  	_ =	shalt  }
0x5c: {  	_ =	shalt  }
0x5d: {  	_ =	shalt  }
0x5e: {  	_ =	shalt  }
0x5f: {  	_ =	shalt  }
0x60: {  	_ =	shalt  }
0x61: {  	_ =	shalt  }
0x62: {  	_ =	shalt  }
0x63: {  	_ =	shalt  }
0x64: {  	_ =	shalt  }
0x65: {  	_ =	shalt  }
0x66: {  	_ =	shalt  }
0x67: {  	_ =	shalt  }
0x68: {  	_ =	shalt  }
0x69: {  	_ =	shalt  }
0x6a: {  	_ =	shalt  }
0x6b: {  	_ =	shalt  }
0x6c: {  	_ =	shalt  }
0x6d: {  	_ =	shalt  }
0x6e: {  	_ =	shalt  }
0x6f: {  	_ =	shalt  }
0x70: {  	_ =	shalt  }
0x71: {  	_ =	shalt  }
0x72: {  	_ =	shalt  }
0x73: {  	_ =	shalt  }
0x74: {  	_ =	shalt  }
0x75: {  	_ =	shalt  }
0x76: {  	_ =	shalt  }
0x77: {  	_ =	shalt  }
0x78: {  	_ =	shalt  }
0x79: {  	_ =	shalt  }
0x7a: {  	_ =	shalt  }
0x7b: {  	_ =	shalt  }
0x7c: {  	_ =	shalt  }
0x7d: {  	_ =	shalt  }
0x7e: {  	_ =	shalt  }
0x7f: {  	_ =	shalt  }
0x80: {  	_ =	shalt  }
0x81: {  	_ =	shalt  }
0x82: {  	_ =	shalt  }
0x83: {  	_ =	shalt  }
0x84: {  	_ =	shalt  }
0x85: {  	_ =	shalt  }
0x86: {  	_ =	shalt  }
0x87: {  	_ =	shalt  }
.Lfunc_end0:
.L_simem_size_0:
called_computation_lowered:
.L_overlay_start_0:
0x88: {  	s2 =	sld [smem:$0x3FD9]  }
0x89: {  	s3 =	sld [smem:$0x3FFE];
	_ =	sdelay $0x1  }
0x8a: {  	s1 =	srdreg.scid  }
0x8b: {  	s0 =	sand.u32 $0x1, s1  }
0x8c: {  	s17 =	sshll.u32 s0, $0xA;
	s2 =	sadd.s32 s3, s2  }
0x8d: {  	s2 =	sadd.s32 s2, s17  }
0x8e: {  	[smem:$0x3FC2] =	sst s2  }
0x8f: {  	_ = 	snop  }
0x90: {  	s2 =	sld [smem:$0x3FD0];
	(tm) =	ssettm $0x1  }
0x91: {  	s18 =	sld [smem:$0x3FFB];
	_ =	sdelay $0x3  }
0x92: {  	_ =	strace s18  }
0x93: {  	s3 =	sld [smem:$0x3FFC];
	_ =	sdelay $0x3  }
0x94: {  	_ =	strace s3  }
0x95: {  	s3 =	sld [smem:$0x3FFD];
	_ =	sdelay $0x3  }
0x96: {  	_ =	strace s3  }
0x97: {  	_ =	strace $0x8FFFFFFF  }
0x98: {  	s19 =	sld [smem:$0x3FDB];
	_ =	sdelay $0x1  }
0x99: {  	s4 =	simm.s32 $_scs_section_size  }
0x9a: {  	s5 =	simm.s32 $_size__tile_overlayer_lowered;
	s6 =	simm.s32 $_tile_overlayer_lowered  }
0x9b: {  	s22 =	simm.s32 $0x1BFF;
	s21 =	sshll.u32 s6, $0x1;
	s3 =	sadd.s32 s4, s19  }
0x9c: {  	s7 =	simm.s32 $0x0;
	s20 =	sshll.u32 s5, $0x1;
	s5 =	sadd.s32 s21, s3  }
0x9d: {  	[timem:s7], [sflag:s22] =	dma.local [hbm:s5], s20  }
0x9e: {  	_ =	swait.ge [sflag:s22], s20  }
0x9f: {  	s4 =	ssub.s32 $0x0, s20;
	[sflag:s22] =	ssyncset.done $0x0  }
0xa0: {  	[sflag:s22] =	ssyncadd.s32 s4;
	_ =	sdelay $0x1  }
0xa1: {  	s23 =	simm.s32 $0x1B8B  }
0xa2: {  	_ =	swait.ge [sflag:s23], $0x1  }
0xa3: {  	[sflag:s23] =	ssyncset.done $0x0  }
0xa4: {  	s25 =	simm.s32 $0x1B8E;
	s24 =	sld [smem:$0x3FFE];
	[sflag:s23] =	ssyncadd.s32 $0xFFFFFFFF  }
0xa5: {  	s26 =	simm.s32 $execute0_lowered;
	[smem:$0x3FD2] =	sst s25  }
0xa6: {  	s5 =	sshll.u32 s26, $0x1;
	_ =	strace $0x80000046;
	[dreg:$0x1] =	wrdreg $0xFFFFFFFF  }
0xa7: {  	s28 =	simm.s32 $_size_execute0_lowered;
	s3 =	sadd.s32 s3, s5;
	[dreg:$0x0] =	wrdreg $0x0  }
0xa8: {  	s5 =	sshll.u32 s28, $0x1;
	[dreg:$0x2] =	wrdreg s3  }
0xa9: {  	[dreg:$0x3] =	wrdreg s5  }
0xaa: {  	[dreg:$0x4] =	wrdreg $0xC0  }
0xab: {  	_ =	task [dreg:s7], $0x5FFFF  }
0xac: {  	[dreg:$0x1] =	wrdreg $0xFFFFFFFF  }
0xad: {  	[dreg:$0x0] =	wrdreg $0x60  }
0xae: {  	[dreg:$0x2] =	wrdreg s24  }
0xaf: {  	[dreg:$0x3] =	wrdreg s2  }
0xb0: {  	[dreg:$0x4] =	wrdreg $0x9  }
0xb1: {  	_ =	task.clear_ibuf [dreg:s7], $0x5FFFF;
	_ =	strace $0x90000046  }
0xb2: {  	s29 =	simm.s32 $0x9;
	_ =	strace $0x80000048  }
0xb3: {  	_ =	swait.ge [sflag:s29], $0x1  }
0xb4: {  	[sflag:s29] =	ssyncadd.s32 $0xFFFFFFFF  }
0xb5: {  	_ =	strace $0x90000048  }
0xb6: {  	_ =	sfence  }
0xb7: {  	s30 =	sld [smem:$0x0];
	_ =	sdelay $0x2  }
0xb8: {  	s31 =	sshll.u32 s1, $0xD;
	s1 =	sshrl.u32 s1, $0x2  }
0xb9: {  	s3 =	sand.u32 $0x4000, s31;
	s1 =	sadd.s32 s1, s30  }
0xba: {  	s0 =	sor.u32 s3, s0;
	s1 =	sshll.u32 s1, $0x11  }
0xbb: {  	s0 =	sor.u32 s1, s0  }
0xbc: {  	s0 =	sadd.s32 $0x8F2B, s0  }
0xbd: {  	[sflag:s0] =	ssyncadd.remote.s32 $0x1  }
0xbe: {  	_ =	sfence.sel $0xFFFF  }
0xbf: {  	[dreg:$0x0] =	wrdreg $0xFFFFFFFF;
	(pc) =	sbr.abs _section_cstart, $3  }
0xc0: {  	[dreg:$0x1] =	wrdreg $0xFFFFFFFF  }
0xc1: {  	_ =	task.clear_ibuf [dreg:s7], $0x2FFFF;
	_ =	strace $0x9FFFFFFF  }
0xc2: {  	(tm) =	ssettm $0x7FFFFFFF  }
0xc3: {  	_ =	shalt  }
tec
execute0_lowered:
.L_overlay_start_1:
0x0: {  	(tag) =	ssettag $0x1  }
0x1: {  	s0 =	rddreg [dreg:$0x0]  }
0x2: {  	s1 =	rddreg [dreg:$0x1];
	s3 =	srdreg.scid  }
0x3: {  	s2 =	simm.s32 $0x0;
	s5 =	stileid.u32;
	s9 =	simm.s32 $0x1  }
0x4: {  	s21 =	simm.s32 $0x3;
	s22 =	simm.s32 $0x4;
	s28 =	simm.s32 $0x1880  }
0x5: {  	s29 =	simm.s32 $0x2080;
	s30 =	simm.s32 $0x2880;
	s31 =	simm.s32 $0x3080  }
0x6: {  	s11 =	simm.s32 $0x4880;
	s12 =	simm.s32 $0x5080;
	s13 =	simm.s32 $0x5880  }
0x7: {  	s14 =	simm.s32 $0x6080;
	s15 =	simm.s32 $0x6880;
	s16 =	simm.s32 $0x7080  }
0x8: {  	s17 =	simm.s32 $0x7880;
	s20 =	simm.s32 $0x8080;
	s18 =	simm.s32 $0x8880  }
0x9: {  	s19 =	simm.s32 $0x9080;
	s4 =	sand.u32 $0x1, s3;
	[smem:$0x7FF] =	sst s2  }
0xa: {  	s23 =	sshll.u32 s5, $0x8;
	s3 =	sadd.s32 $0x2400, s0;
	s24 =	sshll.u32 s4, $0x7  }
0xb: {  	_ =	strace $0x80000047;
	s4 =	ssub.s32 $0x2, s4;
	s5 =	sor.u32 s24, s23  }
0xc: {  	s7 =	sshrl.u32 s4, $0x1;
	s6 =	sshrl.u32 s5, $0x3;
	s5 =	sshll.u32 s5, $0x7  }
0xd: {  	s24 =	simm.s32 $0x880;
	s6 =	sadd.s32 s6, s0;
	s8 =	sadd.s32 s1, s5  }
0xe: {  	s4 =	ssub.s32 s4, s7;
	s6 =	sadd.s32 $0x22400, s6;
	[dreg:$0x7] =	wrdreg s8  }
0xf: {  	s7 =	sadd.s32 $0x2700, s0;
	s1 =	sadd.s32 $0x1000, s8;
	[dreg:$0x3] =	wrdreg s6  }
0x10: {  	s5 =	sadd.s32 $0x2500, s0;
	s25 =	sadd.s32 $0x2000, s8;
	[dreg:$0x4] =	wrdreg s1  }
0x11: {  	v2 =	vlaneseq.u32;
	s26 =	sadd.s32 $0x3000, s8;
	s8 =	smax.u32 s4, $0x1;
	[dreg:$0x5] =	wrdreg s25  }
0x12: {  	vm0 =	vmmov $0xffff;
	v1 =	vshrl.u32 v2, $0x3;
	s4 =	simm.s32 $0x2;
	s6 =	sadd.s32 $0x2600, s0;
	[dreg:$0x6] =	wrdreg s26  }
0x13: {  	v0 =	vand.u32 $0x7, v2;
	v2 =	vor.u32 $0x8, v2;
	v1 =	vmul.u32 $0x8, v1;
	s26 =	simm.s32 $0x80;
	s25 =	simm.s32 $0x1080;
	s1 =	simm.s32 $0x4080  }
.LBB2_1:
0x14: {  	s23 =	rddreg [dreg:$0x3];
	s0 =	simm.s32 $0x5  }
0x15: {  	[tilespmem:s2], [sflag:$0x5] =	stream.linear.gather [hbm4b:s23+s2], $0x80, $0x38;
	[tilespmem:$0x10080] =	vst v63  }
0x16: {  	_ =	swait.ge [sflag:s0], $0x80  }
0x17: {  	[sflag:s0] =	ssyncset.done $0x0  }
0x18: {  	[sflag:s0] =	ssyncadd.s32 $0xFFFFFF80  }
0x19: {  	v3 =	vld [tilespmem:$0x0];
	_ =	sdelay $0x4  }
0x1a: {  	v4 =	vshll.u32 v3, $0x3  }
0x1b: {  	v3 =	vand.u32 $0x7, v3;
	v4 =	vand.u32 $0xFFFFFFC0, v4  }
0x1c: {  	v3 =	vor.u32 v3, v4  }
0x1d: {  	v4 =	vperm.xlane v3, v0;
	_ =	sdelay $0x1  }
0x1e: {  	v4 =	vadd.s32 v1, v4;
	_ =	sdelay $0x4  }
0x1f: {  	[tilespmem:s26], [sflag:$0x1] =	stream.indirect_vreg.gather [hbm4b:s3+s2], $0x80, v4, vm0, $0xb8;
	[tilespmem:$0x10080] =	vst v63  }
0x20: {  	v3 =	vperm.xlane v3, v2  }
0x21: {  	[tilespmem:s24], [sflag:$0x1] =	stream.indirect_vreg.gather [hbm4b:s5+s2], $0x80, v4, vm0, $0xb8;
	[tilespmem:$0x10080] =	vst v63  }
0x22: {  	v3 =	vadd.s32 v1, v3  }
0x23: {  	[tilespmem:s25], [sflag:$0x1] =	stream.indirect_vreg.gather [hbm4b:s6+s2], $0x80, v4, vm0, $0xb8;
	[tilespmem:$0x10080] =	vst v63  }
0x24: {  	_ = 	snop  }
0x25: {  	[tilespmem:s28], [sflag:$0x1] =	stream.indirect_vreg.gather [hbm4b:s7+s2], $0x80, v4, vm0, $0xb8;
	[tilespmem:$0x10080] =	vst v63  }
0x26: {  	_ = 	snop  }
0x27: {  	[tilespmem:s29], [sflag:$0x1] =	stream.indirect_vreg.gather [hbm4b:s3+s2], $0x80, v3, vm0, $0xb8;
	[tilespmem:$0x10080] =	vst v63  }
0x28: {  	_ = 	snop  }
0x29: {  	[tilespmem:s30], [sflag:$0x1] =	stream.indirect_vreg.gather [hbm4b:s5+s2], $0x80, v3, vm0, $0xb8;
	[tilespmem:$0x10080] =	vst v63  }
0x2a: {  	_ = 	snop  }
0x2b: {  	[tilespmem:s31], [sflag:$0x1] =	stream.indirect_vreg.gather [hbm4b:s6+s2], $0x80, v3, vm0, $0xb8;
	[tilespmem:$0x10080] =	vst v63  }
0x2c: {  	s0 =	simm.s32 $0x3880  }
0x2d: {  	[tilespmem:s0], [sflag:$0x1] =	stream.indirect_vreg.gather [hbm4b:s7+s2], $0x80, v3, vm0, $0xb8;
	[tilespmem:$0x10080] =	vst v63  }
0x2e: {  	v3 =	vld [tilespmem:$0x10];
	_ =	sdelay $0x4  }
0x2f: {  	v57 =	vshll.u32 v3, $0x3  }
0x30: {  	v3 =	vand.u32 $0x7, v3;
	v4 =	vand.u32 $0xFFFFFFC0, v57  }
0x31: {  	v3 =	vor.u32 v3, v4  }
0x32: {  	v4 =	vperm.xlane v3, v0;
	_ =	sdelay $0x1  }
0x33: {  	v4 =	vadd.s32 v1, v4;
	_ =	sdelay $0x4  }
0x34: {  	[tilespmem:s1], [sflag:$0x1] =	stream.indirect_vreg.gather [hbm4b:s3+s2], $0x80, v4, vm0, $0xb8;
	[tilespmem:$0x10080] =	vst v63  }
0x35: {  	v3 =	vperm.xlane v3, v2  }
0x36: {  	[tilespmem:s11], [sflag:$0x1] =	stream.indirect_vreg.gather [hbm4b:s5+s2], $0x80, v4, vm0, $0xb8;
	[tilespmem:$0x10080] =	vst v63  }
0x37: {  	v3 =	vadd.s32 v1, v3  }
0x38: {  	[tilespmem:s12], [sflag:$0x1] =	stream.indirect_vreg.gather [hbm4b:s6+s2], $0x80, v4, vm0, $0xb8;
	[tilespmem:$0x10080] =	vst v63  }
0x39: {  	_ = 	snop  }
0x3a: {  	[tilespmem:s13], [sflag:$0x1] =	stream.indirect_vreg.gather [hbm4b:s7+s2], $0x80, v4, vm0, $0xb8;
	[tilespmem:$0x10080] =	vst v63  }
0x3b: {  	_ = 	snop  }
0x3c: {  	[tilespmem:s14], [sflag:$0x1] =	stream.indirect_vreg.gather [hbm4b:s3+s2], $0x80, v3, vm0, $0xb8;
	[tilespmem:$0x10080] =	vst v63  }
0x3d: {  	_ = 	snop  }
0x3e: {  	[tilespmem:s15], [sflag:$0x1] =	stream.indirect_vreg.gather [hbm4b:s5+s2], $0x80, v3, vm0, $0xb8;
	[tilespmem:$0x10080] =	vst v63  }
0x3f: {  	_ = 	snop  }
0x40: {  	[tilespmem:s16], [sflag:$0x1] =	stream.indirect_vreg.gather [hbm4b:s6+s2], $0x80, v3, vm0, $0xb8;
	[tilespmem:$0x10080] =	vst v63  }
0x41: {  	_ = 	snop  }
0x42: {  	[tilespmem:s17], [sflag:$0x1] =	stream.indirect_vreg.gather [hbm4b:s7+s2], $0x80, v3, vm0, $0xb8;
	[tilespmem:$0x10080] =	vst v63  }
0x43: {  	v3 =	vld [tilespmem:$0x20];
	_ =	sdelay $0x4  }
0x44: {  	v58 =	vshll.u32 v3, $0x3  }
0x45: {  	v3 =	vand.u32 $0x7, v3;
	v4 =	vand.u32 $0xFFFFFFC0, v58  }
0x46: {  	v3 =	vor.u32 v3, v4  }
0x47: {  	v4 =	vperm.xlane v3, v0;
	_ =	sdelay $0x1  }
0x48: {  	v4 =	vadd.s32 v1, v4;
	_ =	sdelay $0x4  }
0x49: {  	[tilespmem:s20], [sflag:$0x2] =	stream.indirect_vreg.gather [hbm4b:s3+s2], $0x80, v4, vm0, $0xb8;
	[tilespmem:$0x10080] =	vst v63  }
0x4a: {  	v3 =	vperm.xlane v3, v2  }
0x4b: {  	[tilespmem:s18], [sflag:$0x2] =	stream.indirect_vreg.gather [hbm4b:s5+s2], $0x80, v4, vm0, $0xb8;
	[tilespmem:$0x10080] =	vst v63  }
0x4c: {  	v3 =	vadd.s32 v1, v3  }
0x4d: {  	[tilespmem:s19], [sflag:$0x2] =	stream.indirect_vreg.gather [hbm4b:s6+s2], $0x80, v4, vm0, $0xb8;
	[tilespmem:$0x10080] =	vst v63  }
0x4e: {  	s10 =	simm.s32 $0x9880  }
0x4f: {  	[tilespmem:s10], [sflag:$0x2] =	stream.indirect_vreg.gather [hbm4b:s7+s2], $0x80, v4, vm0, $0xb8;
	[tilespmem:$0x10080] =	vst v63  }
0x50: {  	s10 =	simm.s32 $0xA080  }
0x51: {  	[tilespmem:s10], [sflag:$0x2] =	stream.indirect_vreg.gather [hbm4b:s3+s2], $0x80, v3, vm0, $0xb8;
	[tilespmem:$0x10080] =	vst v63  }
0x52: {  	s23 =	simm.s32 $0xA880  }
0x53: {  	[tilespmem:s23], [sflag:$0x2] =	stream.indirect_vreg.gather [hbm4b:s5+s2], $0x80, v3, vm0, $0xb8;
	[tilespmem:$0x10080] =	vst v63  }
0x54: {  	s23 =	simm.s32 $0xB080  }
0x55: {  	[tilespmem:s23], [sflag:$0x2] =	stream.indirect_vreg.gather [hbm4b:s6+s2], $0x80, v3, vm0, $0xb8;
	[tilespmem:$0x10080] =	vst v63  }
0x56: {  	s23 =	simm.s32 $0xB880  }
0x57: {  	[tilespmem:s23], [sflag:$0x2] =	stream.indirect_vreg.gather [hbm4b:s7+s2], $0x80, v3, vm0, $0xb8;
	[tilespmem:$0x10080] =	vst v63  }
0x58: {  	v3 =	vld [tilespmem:$0x30];
	_ =	sdelay $0x4  }
0x59: {  	v59 =	vshll.u32 v3, $0x3  }
0x5a: {  	v3 =	vand.u32 $0x7, v3;
	v4 =	vand.u32 $0xFFFFFFC0, v59  }
0x5b: {  	v3 =	vor.u32 v3, v4  }
0x5c: {  	v4 =	vperm.xlane v3, v0;
	_ =	sdelay $0x1  }
0x5d: {  	v4 =	vadd.s32 v1, v4;
	_ =	sdelay $0x3  }
0x5e: {  	s23 =	simm.s32 $0xC080  }
0x5f: {  	[tilespmem:s23], [sflag:$0x2] =	stream.indirect_vreg.gather [hbm4b:s3+s2], $0x80, v4, vm0, $0xb8;
	[tilespmem:$0x10080] =	vst v63  }
0x60: {  	v3 =	vperm.xlane v3, v2;
	s23 =	simm.s32 $0xC880  }
0x61: {  	[tilespmem:s23], [sflag:$0x2] =	stream.indirect_vreg.gather [hbm4b:s5+s2], $0x80, v4, vm0, $0xb8;
	[tilespmem:$0x10080] =	vst v63  }
0x62: {  	v3 =	vadd.s32 v1, v3;
	s23 =	simm.s32 $0xD080  }
0x63: {  	[tilespmem:s23], [sflag:$0x2] =	stream.indirect_vreg.gather [hbm4b:s6+s2], $0x80, v4, vm0, $0xb8;
	[tilespmem:$0x10080] =	vst v63  }
0x64: {  	s23 =	simm.s32 $0xD880  }
0x65: {  	[tilespmem:s23], [sflag:$0x2] =	stream.indirect_vreg.gather [hbm4b:s7+s2], $0x80, v4, vm0, $0xb8;
	[tilespmem:$0x10080] =	vst v63  }
0x66: {  	s23 =	simm.s32 $0xE080  }
0x67: {  	[tilespmem:s23], [sflag:$0x2] =	stream.indirect_vreg.gather [hbm4b:s3+s2], $0x80, v3, vm0, $0xb8;
	[tilespmem:$0x10080] =	vst v63  }
0x68: {  	s23 =	simm.s32 $0xE880  }
0x69: {  	[tilespmem:s23], [sflag:$0x2] =	stream.indirect_vreg.gather [hbm4b:s5+s2], $0x80, v3, vm0, $0xb8;
	[tilespmem:$0x10080] =	vst v63  }
0x6a: {  	s23 =	simm.s32 $0xF080  }
0x6b: {  	[tilespmem:s23], [sflag:$0x2] =	stream.indirect_vreg.gather [hbm4b:s6+s2], $0x80, v3, vm0, $0xb8;
	[tilespmem:$0x10080] =	vst v63  }
0x6c: {  	s23 =	simm.s32 $0xF880  }
0x6d: {  	[tilespmem:s23], [sflag:$0x2] =	stream.indirect_vreg.gather [hbm4b:s7+s2], $0x80, v3, vm0, $0xb8;
	[tilespmem:$0x10080] =	vst v63  }
0x6e: {  	_ =	swait.ge [sflag:s9], $0x8000  }
0x6f: {  	[sflag:s9] =	ssyncset.done $0x0  }
0x70: {  	s23 =	rddreg [dreg:$0x7];
	[sflag:s9] =	ssyncadd.s32 $0xFFFF8000  }
0x71: {  	[hbm4b:s23+s2] =	stream.linear.scatter [tilespmem:s26], [sflag:$0x3], $0x8000, $0x38;
	[tilespmem:$0x10080] =	vst v63  }
0x72: {  	_ =	swait.ge [sflag:s21], $0x8000  }
0x73: {  	[sflag:s21] =	ssyncset.done $0x0  }
0x74: {  	[sflag:s21] =	ssyncadd.s32 $0xFFFF8000  }
0x75: {  	v3 =	vld [tilespmem:$0x40];
	_ =	sdelay $0x4  }
0x76: {  	v60 =	vshll.u32 v3, $0x3  }
0x77: {  	v3 =	vand.u32 $0x7, v3;
	v4 =	vand.u32 $0xFFFFFFC0, v60  }
0x78: {  	v3 =	vor.u32 v3, v4  }
0x79: {  	v4 =	vperm.xlane v3, v0;
	_ =	sdelay $0x1  }
0x7a: {  	v4 =	vadd.s32 v1, v4;
	_ =	sdelay $0x4  }
0x7b: {  	[tilespmem:s26], [sflag:$0x1] =	stream.indirect_vreg.gather [hbm4b:s3+s2], $0x80, v4, vm0, $0xb8;
	[tilespmem:$0x10080] =	vst v63  }
0x7c: {  	v3 =	vperm.xlane v3, v2  }
0x7d: {  	[tilespmem:s24], [sflag:$0x1] =	stream.indirect_vreg.gather [hbm4b:s5+s2], $0x80, v4, vm0, $0xb8;
	[tilespmem:$0x10080] =	vst v63  }
0x7e: {  	v3 =	vadd.s32 v1, v3  }
0x7f: {  	[tilespmem:s25], [sflag:$0x1] =	stream.indirect_vreg.gather [hbm4b:s6+s2], $0x80, v4, vm0, $0xb8;
	[tilespmem:$0x10080] =	vst v63  }
0x80: {  	_ = 	snop  }
0x81: {  	[tilespmem:s28], [sflag:$0x1] =	stream.indirect_vreg.gather [hbm4b:s7+s2], $0x80, v4, vm0, $0xb8;
	[tilespmem:$0x10080] =	vst v63  }
0x82: {  	_ = 	snop  }
0x83: {  	[tilespmem:s29], [sflag:$0x1] =	stream.indirect_vreg.gather [hbm4b:s3+s2], $0x80, v3, vm0, $0xb8;
	[tilespmem:$0x10080] =	vst v63  }
0x84: {  	_ = 	snop  }
0x85: {  	[tilespmem:s30], [sflag:$0x1] =	stream.indirect_vreg.gather [hbm4b:s5+s2], $0x80, v3, vm0, $0xb8;
	[tilespmem:$0x10080] =	vst v63  }
0x86: {  	_ = 	snop  }
0x87: {  	[tilespmem:s31], [sflag:$0x1] =	stream.indirect_vreg.gather [hbm4b:s6+s2], $0x80, v3, vm0, $0xb8;
	[tilespmem:$0x10080] =	vst v63  }
0x88: {  	_ = 	snop  }
0x89: {  	[tilespmem:s0], [sflag:$0x1] =	stream.indirect_vreg.gather [hbm4b:s7+s2], $0x80, v3, vm0, $0xb8;
	[tilespmem:$0x10080] =	vst v63  }
0x8a: {  	v3 =	vld [tilespmem:$0x50];
	_ =	sdelay $0x4  }
0x8b: {  	v61 =	vshll.u32 v3, $0x3  }
0x8c: {  	v3 =	vand.u32 $0x7, v3;
	v4 =	vand.u32 $0xFFFFFFC0, v61  }
0x8d: {  	v3 =	vor.u32 v3, v4  }
0x8e: {  	v4 =	vperm.xlane v3, v0;
	_ =	sdelay $0x1  }
0x8f: {  	v4 =	vadd.s32 v1, v4;
	_ =	sdelay $0x4  }
0x90: {  	[tilespmem:s1], [sflag:$0x1] =	stream.indirect_vreg.gather [hbm4b:s3+s2], $0x80, v4, vm0, $0xb8;
	[tilespmem:$0x10080] =	vst v63  }
0x91: {  	v3 =	vperm.xlane v3, v2  }
0x92: {  	[tilespmem:s11], [sflag:$0x1] =	stream.indirect_vreg.gather [hbm4b:s5+s2], $0x80, v4, vm0, $0xb8;
	[tilespmem:$0x10080] =	vst v63  }
0x93: {  	v3 =	vadd.s32 v1, v3  }
0x94: {  	[tilespmem:s12], [sflag:$0x1] =	stream.indirect_vreg.gather [hbm4b:s6+s2], $0x80, v4, vm0, $0xb8;
	[tilespmem:$0x10080] =	vst v63  }
0x95: {  	_ = 	snop  }
0x96: {  	[tilespmem:s13], [sflag:$0x1] =	stream.indirect_vreg.gather [hbm4b:s7+s2], $0x80, v4, vm0, $0xb8;
	[tilespmem:$0x10080] =	vst v63  }
0x97: {  	_ = 	snop  }
0x98: {  	[tilespmem:s14], [sflag:$0x1] =	stream.indirect_vreg.gather [hbm4b:s3+s2], $0x80, v3, vm0, $0xb8;
	[tilespmem:$0x10080] =	vst v63  }
0x99: {  	_ = 	snop  }
0x9a: {  	[tilespmem:s15], [sflag:$0x1] =	stream.indirect_vreg.gather [hbm4b:s5+s2], $0x80, v3, vm0, $0xb8;
	[tilespmem:$0x10080] =	vst v63  }
0x9b: {  	_ = 	snop  }
0x9c: {  	[tilespmem:s16], [sflag:$0x1] =	stream.indirect_vreg.gather [hbm4b:s6+s2], $0x80, v3, vm0, $0xb8;
	[tilespmem:$0x10080] =	vst v63  }
0x9d: {  	_ = 	snop  }
0x9e: {  	[tilespmem:s17], [sflag:$0x1] =	stream.indirect_vreg.gather [hbm4b:s7+s2], $0x80, v3, vm0, $0xb8;
	[tilespmem:$0x10080] =	vst v63  }
0x9f: {  	_ =	swait.ge [sflag:s4], $0x8000  }
0xa0: {  	[sflag:s4] =	ssyncset.done $0x0  }
0xa1: {  	s0 =	rddreg [dreg:$0x4];
	[sflag:s4] =	ssyncadd.s32 $0xFFFF8000  }
0xa2: {  	[hbm4b:s0+s2] =	stream.linear.scatter [tilespmem:s20], [sflag:$0x4], $0x8000, $0x38;
	[tilespmem:$0x10080] =	vst v63  }
0xa3: {  	_ =	swait.ge [sflag:s22], $0x8000  }
0xa4: {  	[sflag:s22] =	ssyncset.done $0x0  }
0xa5: {  	[sflag:s22] =	ssyncadd.s32 $0xFFFF8000  }
0xa6: {  	v3 =	vld [tilespmem:$0x60];
	_ =	sdelay $0x4  }
0xa7: {  	v62 =	vshll.u32 v3, $0x3  }
0xa8: {  	v3 =	vand.u32 $0x7, v3;
	v4 =	vand.u32 $0xFFFFFFC0, v62  }
0xa9: {  	v3 =	vor.u32 v3, v4  }
0xaa: {  	v4 =	vperm.xlane v3, v0;
	_ =	sdelay $0x1  }
0xab: {  	v4 =	vadd.s32 v1, v4;
	_ =	sdelay $0x4  }
0xac: {  	[tilespmem:s20], [sflag:$0x2] =	stream.indirect_vreg.gather [hbm4b:s3+s2], $0x80, v4, vm0, $0xb8;
	[tilespmem:$0x10080] =	vst v63  }
0xad: {  	v3 =	vperm.xlane v3, v2  }
0xae: {  	[tilespmem:s18], [sflag:$0x2] =	stream.indirect_vreg.gather [hbm4b:s5+s2], $0x80, v4, vm0, $0xb8;
	[tilespmem:$0x10080] =	vst v63  }
0xaf: {  	v3 =	vadd.s32 v1, v3  }
0xb0: {  	[tilespmem:s19], [sflag:$0x2] =	stream.indirect_vreg.gather [hbm4b:s6+s2], $0x80, v4, vm0, $0xb8;
	[tilespmem:$0x10080] =	vst v63  }
0xb1: {  	s23 =	simm.s32 $0x9880  }
0xb2: {  	[tilespmem:s23], [sflag:$0x2] =	stream.indirect_vreg.gather [hbm4b:s7+s2], $0x80, v4, vm0, $0xb8;
	[tilespmem:$0x10080] =	vst v63  }
0xb3: {  	_ = 	snop  }
0xb4: {  	[tilespmem:s10], [sflag:$0x2] =	stream.indirect_vreg.gather [hbm4b:s3+s2], $0x80, v3, vm0, $0xb8;
	[tilespmem:$0x10080] =	vst v63  }
0xb5: {  	s23 =	simm.s32 $0xA880  }
0xb6: {  	[tilespmem:s23], [sflag:$0x2] =	stream.indirect_vreg.gather [hbm4b:s5+s2], $0x80, v3, vm0, $0xb8;
	[tilespmem:$0x10080] =	vst v63  }
0xb7: {  	s10 =	simm.s32 $0xB080  }
0xb8: {  	[tilespmem:s10], [sflag:$0x2] =	stream.indirect_vreg.gather [hbm4b:s6+s2], $0x80, v3, vm0, $0xb8;
	[tilespmem:$0x10080] =	vst v63  }
0xb9: {  	s23 =	simm.s32 $0xB880  }
0xba: {  	[tilespmem:s23], [sflag:$0x2] =	stream.indirect_vreg.gather [hbm4b:s7+s2], $0x80, v3, vm0, $0xb8;
	[tilespmem:$0x10080] =	vst v63  }
0xbb: {  	v3 =	vld [tilespmem:$0x70];
	_ =	sdelay $0x4  }
0xbc: {  	v63 =	vshll.u32 v3, $0x3  }
0xbd: {  	v3 =	vand.u32 $0x7, v3;
	v4 =	vand.u32 $0xFFFFFFC0, v63  }
0xbe: {  	v3 =	vor.u32 v3, v4  }
0xbf: {  	v4 =	vperm.xlane v3, v0;
	_ =	sdelay $0x1  }
0xc0: {  	v4 =	vadd.s32 v1, v4;
	_ =	sdelay $0x3  }
0xc1: {  	s10 =	simm.s32 $0xC080  }
0xc2: {  	[tilespmem:s10], [sflag:$0x2] =	stream.indirect_vreg.gather [hbm4b:s3+s2], $0x80, v4, vm0, $0xb8;
	[tilespmem:$0x10080] =	vst v63  }
0xc3: {  	s23 =	simm.s32 $0xC880;
	v3 =	vperm.xlane v3, v2  }
0xc4: {  	[tilespmem:s23], [sflag:$0x2] =	stream.indirect_vreg.gather [hbm4b:s5+s2], $0x80, v4, vm0, $0xb8;
	[tilespmem:$0x10080] =	vst v63  }
0xc5: {  	v3 =	vadd.s32 v1, v3;
	s10 =	simm.s32 $0xD080  }
0xc6: {  	[tilespmem:s10], [sflag:$0x2] =	stream.indirect_vreg.gather [hbm4b:s6+s2], $0x80, v4, vm0, $0xb8;
	[tilespmem:$0x10080] =	vst v63  }
0xc7: {  	s23 =	simm.s32 $0xD880  }
0xc8: {  	[tilespmem:s23], [sflag:$0x2] =	stream.indirect_vreg.gather [hbm4b:s7+s2], $0x80, v4, vm0, $0xb8;
	[tilespmem:$0x10080] =	vst v63  }
0xc9: {  	s10 =	simm.s32 $0xE080  }
0xca: {  	[tilespmem:s10], [sflag:$0x2] =	stream.indirect_vreg.gather [hbm4b:s3+s2], $0x80, v3, vm0, $0xb8;
	[tilespmem:$0x10080] =	vst v63  }
0xcb: {  	s23 =	simm.s32 $0xE880  }
0xcc: {  	[tilespmem:s23], [sflag:$0x2] =	stream.indirect_vreg.gather [hbm4b:s5+s2], $0x80, v3, vm0, $0xb8;
	[tilespmem:$0x10080] =	vst v63  }
0xcd: {  	s10 =	simm.s32 $0xF080  }
0xce: {  	[tilespmem:s10], [sflag:$0x2] =	stream.indirect_vreg.gather [hbm4b:s6+s2], $0x80, v3, vm0, $0xb8;
	[tilespmem:$0x10080] =	vst v63  }
0xcf: {  	s23 =	simm.s32 $0xF880  }
0xd0: {  	[tilespmem:s23], [sflag:$0x2] =	stream.indirect_vreg.gather [hbm4b:s7+s2], $0x80, v3, vm0, $0xb8;
	[tilespmem:$0x10080] =	vst v63  }
0xd1: {  	_ =	swait.ge [sflag:s9], $0x8000  }
0xd2: {  	[sflag:s9] =	ssyncset.done $0x0  }
0xd3: {  	s0 =	rddreg [dreg:$0x5];
	[sflag:s9] =	ssyncadd.s32 $0xFFFF8000  }
0xd4: {  	[hbm4b:s0+s2] =	stream.linear.scatter [tilespmem:s26], [sflag:$0x3], $0x8000, $0x38;
	[tilespmem:$0x10080] =	vst v63  }
0xd5: {  	_ =	swait.ge [sflag:s4], $0x8000  }
0xd6: {  	[sflag:s4] =	ssyncset.done $0x0  }
0xd7: {  	s10 =	rddreg [dreg:$0x6];
	[sflag:s4] =	ssyncadd.s32 $0xFFFF8000  }
0xd8: {  	[hbm4b:s10+s2] =	stream.linear.scatter [tilespmem:s20], [sflag:$0x4], $0x8000, $0x38;
	[tilespmem:$0x10080] =	vst v63  }
0xd9: {  	p0 =	sne.s32 s8, $0x1;
	_ =	swait.ge [sflag:s21], $0x8000  }
.Ltmp0:
0xda: {  	[sflag:s21] =	ssyncset.done $0x0;
	(pc) =	sbr.rel @p0 .LBB2_1-.Ltmp0, $4  }
0xdb: {  	[sflag:s21] =	ssyncadd.s32 $0xFFFF8000  }
0xdc: {  	_ =	swait.ge [sflag:s22], $0x8000  }
0xdd: {  	[sflag:s22] =	ssyncset.done $0x0  }
0xde: {  	s8 =	sadd.s32 $0xFFFFFFFF, s8;
	[sflag:s22] =	ssyncadd.s32 $0xFFFF8000  }
0xdf: {  	_ =	sfence.sel $0x180000  }
0xe0: {  	[bflag:$0x0] =	sbarrier.arrive $0xFFFF  }
0xe1: {  	_ =	strace $0x90000047  }
0xe2: {  	s0 =	stileid.u32;
	[bflag:$0x2] =	sbarrier.arrive $0xFFFF  }
0xe3: {  	p0 =	sne.s32 s0, $0x0;
	s0 =	rddreg [dreg:$0x2]  }
0xe4: {  	s0 =	sadd.s32 @!p0 $0x100000, s0  }
0xe5: {  	[sflag:s0] =	ssyncadd.tile.s32 @!p0 $0x1;
	_ =	shalt  }
.Lfunc_end2:
_tile_overlayer_lowered:
.L_overlay_start_2:
0xe6: {  	(tag) =	ssettag $0x2  }
0xe7: {  	s0 =	rddreg [dreg:$0x0];
	s2 =	stileid.u32  }
0xe8: {  	s1 =	rddreg [dreg:$0x1];
	p0 =	sne.s32 s2, $0x0  }
0xe9: {  	s3 =	rddreg [dreg:$0x2];
	[bflag:$0x3] =	sbarrier.arrive $0xFFFF;
	s2 =	simm.s32 @!p0 $0x1C05  }
0xea: {  	[timem:s3], [sflag:s2] =	dma.local @!p0 [hbm:s0], s1  }
0xeb: {  	s0 =	simm.s32 @!p0 $0x5  }
0xec: {  	_ =	swait.ge @!p0 [sflag:s0], s1  }
0xed: {  	s1 =	ssub.s32 @!p0 $0x0, s1;
	[sflag:s0] =	ssyncset.done @!p0 $0x0  }
0xee: {  	[sflag:s0] =	ssyncadd.s32 @!p0 s1  }
0xef: {  	[bflag:$0x3] =	sbarrier.arrive $0xFFFF  }
0xf0: {  	_ =	shalt  }

// kernel: kernel.14.cloned.1.call-start
scs
__scs_entry_jumppad:
0x0: {  	(pc) =	sbr.rel $0x88, $3  }
0x1: {  	(tag) =	ssettag $0x0;
	lr =	simm.s32 $0x1  }
0x2: {  	[smem:$0x3F9B] =	sst lr;
	_ =	strace $0xD0000000  }
0x3: {  	_ = 	snop  }
0x4: {  	_ = 	snop  }
0x5: {  	_ = 	snop  }
0x6: {  	_ = 	snop  }
0x7: {  	_ = 	snop  }
__scs_overlays_trampoline_lowered:
0x8: {  	[smem:$0x3FAA] =	sst s0  }
0x9: {  	[smem:$0x3FAB] =	sst s1  }
0xa: {  	[smem:$0x3FAC] =	sst s2  }
0xb: {  	[smem:$0x3FAD] =	sst s3  }
0xc: {  	[smem:$0x3FAE] =	sst s4  }
0xd: {  	[smem:$0x3FAF] =	sst s5  }
0xe: {  	[smem:$0x3FB0] =	sst s6  }
0xf: {  	[smem:$0x3FB1] =	sst s7  }
0x10: {  	[smem:$0x3FB2] =	sst s8  }
0x11: {  	[smem:$0x3FB3] =	sst s9;
	s0 =	simm.s32 @!p0 $0x0  }
0x12: {  	s1 =	sld [smem:$0x3F99];
	s0 =	simm.s32 @p0 $0x1  }
0x13: {  	[smem:$0x3FB4] =	sst s0;
	s0 =	simm.s32 @!p1 $0x0  }
0x14: {  	s2 =	sld [smem:$0x3F98];
	s0 =	simm.s32 @p1 $0x1  }
0x15: {  	[smem:$0x3FB5] =	sst s0;
	s0 =	simm.s32 @!p2 $0x0  }
0x16: {  	s3 =	sld [smem:$0x3FDB];
	s0 =	simm.s32 @p2 $0x1  }
0x17: {  	s4 =	simm.s32 $0x1BF5;
	[smem:$0x3FB7] =	sst s0  }
0x18: {  	s0 =	sld [smem:$0x3F9A];
	_ =	swait.ge [sflag:s4], $0x0  }
0x19: {  	s7 =	sld [smem:$0x3F9B]  }
0x1a: {  	s8 =	sadd.s32 $0xFFFFE003, lr  }
0x1b: {  	s9 =	sadd.s32 $0xFFFFFEF7, lr;
	s5 =	simm.s32 $0xFFFFFFFF;
	p2 =	slt.u32 s8, $0xFFFFF086  }
0x1c: {  	p1 =	slt.u32 s9, $0xF7A;
	s5 =	simm.s32 @!p2 $0x0  }
0x1d: {  	s5 =	simm.s32 @p1 $0x1;
	p0 =	seq.s32 s7, s2  }
0x1e: {  	s7 =	smul.u32 @!p0 $0xF7A, s2;
	p2 =	seq.s32 @!p0 s5, $0x0  }
0x1f: {  	s9 =	smul.u32 $0xF7A, s1;
	s8 =	simm.s32 @!p0 $0x1BF5;
	p2 =	por !p2, p0  }
0x20: {  	[sflag:s8] =	ssyncset.s32 @!p0 $0xFFFFF086;
	s6 =	sadd.s32 @!p0 s3, s7;
	s7 =	simm.s32 @!p0 $0x108  }
0x21: {  	s3 =	sadd.s32 s3, s9;
	s6 =	sadd.s32 @!p0 $0x88, s6;
	s7 =	simm.s32 @p2 $0x1082  }
0x22: {  	[simem:s7], [sflag:s8] =	dma.local @!p0 [hbm:s6], $0xF7A  }
0x23: {  	s9 =	sor.u32 $0xD0000000, s2;
	s6 =	simm.s32 $0x108;
	_ =	swait.ge @!p0 [sflag:s8], $0x0  }
0x24: {  	s3 =	sadd.s32 $0x88, s3;
	s6 =	simm.s32 @!p1 $0x1082;
	[sflag:s4] =	ssyncset.s32 $0xFFFFF086  }
0x25: {  	[simem:s6], [sflag:s4] =	dma.local [hbm:s3], $0xF7A  }
0x26: {  	[smem:$0x3F9B] =	sst s1;
	(tag) =	ssettag s2;
	_ =	strace s9  }
0x27: {  	s1 =	sld [smem:$0x3FAB]  }
0x28: {  	s2 =	sld [smem:$0x3FAC]  }
0x29: {  	s4 =	sld [smem:$0x3FAE]  }
0x2a: {  	p0 =	seq.s32 s5, $0x0;
	s5 =	sld [smem:$0x3FAF]  }
0x2b: {  	s6 =	sld [smem:$0x3FB0]  }
0x2c: {  	s7 =	sld [smem:$0x3FB1]  }
0x2d: {  	s3 =	simm.s32 $0x108;
	s8 =	sld [smem:$0x3FB2]  }
0x2e: {  	s3 =	simm.s32 @!p0 $0x1082;
	s9 =	sld [smem:$0x3FB3]  }
0x2f: {  	lr =	sadd.s32 s0, s3;
	s0 =	sld [smem:$0x3FAA]  }
0x30: {  	s3 =	sld [smem:$0x3FAD]  }
0x31: {  	[smem:$0x3FB6] =	sst s10  }
0x32: {  	s10 =	sld [smem:$0x3FB4];
	_ =	sdelay $0x3  }
0x33: {  	p0 =	seq.s32 s10, $0x1;
	s10 =	sld [smem:$0x3FB6];
	_ =	sdelay $0x3  }
0x34: {  	[smem:$0x3FB6] =	sst s10  }
0x35: {  	s10 =	sld [smem:$0x3FB5];
	_ =	sdelay $0x3  }
0x36: {  	p1 =	seq.s32 s10, $0x1;
	s10 =	sld [smem:$0x3FB6];
	_ =	sdelay $0x3  }
0x37: {  	[smem:$0x3FB6] =	sst s10  }
0x38: {  	s10 =	sld [smem:$0x3FB7]  }
0x39: {  	_ = 	snop;
	(pc) =	sbr.ind lr, $3  }
0x3a: {  	_ = 	snop  }
0x3b: {  	_ = 	snop  }
0x3c: {  	p2 =	seq.s32 s10, $0x1;
	s10 =	sld [smem:$0x3FB6]  }
0x3d: {  	_ =	shalt  }
0x3e: {  	_ =	shalt  }
0x3f: {  	_ =	shalt  }
0x40: {  	_ =	shalt  }
0x41: {  	_ =	shalt  }
0x42: {  	_ =	shalt  }
0x43: {  	_ =	shalt  }
0x44: {  	_ =	shalt  }
0x45: {  	_ =	shalt  }
0x46: {  	_ =	shalt  }
0x47: {  	_ =	shalt  }
0x48: {  	_ =	shalt  }
0x49: {  	_ =	shalt  }
0x4a: {  	_ =	shalt  }
0x4b: {  	_ =	shalt  }
0x4c: {  	_ =	shalt  }
0x4d: {  	_ =	shalt  }
0x4e: {  	_ =	shalt  }
0x4f: {  	_ =	shalt  }
0x50: {  	_ =	shalt  }
0x51: {  	_ =	shalt  }
0x52: {  	_ =	shalt  }
0x53: {  	_ =	shalt  }
0x54: {  	_ =	shalt  }
0x55: {  	_ =	shalt  }
0x56: {  	_ =	shalt  }
0x57: {  	_ =	shalt  }
0x58: {  	_ =	shalt  }
0x59: {  	_ =	shalt  }
0x5a: {  	_ =	shalt  }
0x5b: {  	_ =	shalt  }
0x5c: {  	_ =	shalt  }
0x5d: {  	_ =	shalt  }
0x5e: {  	_ =	shalt  }
0x5f: {  	_ =	shalt  }
0x60: {  	_ =	shalt  }
0x61: {  	_ =	shalt  }
0x62: {  	_ =	shalt  }
0x63: {  	_ =	shalt  }
0x64: {  	_ =	shalt  }
0x65: {  	_ =	shalt  }
0x66: {  	_ =	shalt  }
0x67: {  	_ =	shalt  }
0x68: {  	_ =	shalt  }
0x69: {  	_ =	shalt  }
0x6a: {  	_ =	shalt  }
0x6b: {  	_ =	shalt  }
0x6c: {  	_ =	shalt  }
0x6d: {  	_ =	shalt  }
0x6e: {  	_ =	shalt  }
0x6f: {  	_ =	shalt  }
0x70: {  	_ =	shalt  }
0x71: {  	_ =	shalt  }
0x72: {  	_ =	shalt  }
0x73: {  	_ =	shalt  }
0x74: {  	_ =	shalt  }
0x75: {  	_ =	shalt  }
0x76: {  	_ =	shalt  }
0x77: {  	_ =	shalt  }
0x78: {  	_ =	shalt  }
0x79: {  	_ =	shalt  }
0x7a: {  	_ =	shalt  }
0x7b: {  	_ =	shalt  }
0x7c: {  	_ =	shalt  }
0x7d: {  	_ =	shalt  }
0x7e: {  	_ =	shalt  }
0x7f: {  	_ =	shalt  }
0x80: {  	_ =	shalt  }
0x81: {  	_ =	shalt  }
0x82: {  	_ =	shalt  }
0x83: {  	_ =	shalt  }
0x84: {  	_ =	shalt  }
0x85: {  	_ =	shalt  }
0x86: {  	_ =	shalt  }
0x87: {  	_ =	shalt  }
.Lfunc_end0:
.L_simem_size_0:
called_computation.1_lowered:
.L_overlay_start_0:
0x88: {  	s2 =	sld [smem:$0x3FD9]  }
0x89: {  	s3 =	sld [smem:$0x3FFE];
	_ =	sdelay $0x1  }
0x8a: {  	s1 =	srdreg.scid  }
0x8b: {  	s0 =	sand.u32 $0x1, s1  }
0x8c: {  	s17 =	sshll.u32 s0, $0xA;
	s2 =	sadd.s32 s3, s2  }
0x8d: {  	s2 =	sadd.s32 s2, s17  }
0x8e: {  	[smem:$0x3FC2] =	sst s2  }
0x8f: {  	_ = 	snop  }
0x90: {  	s2 =	sld [smem:$0x3FD0];
	(tm) =	ssettm $0x1  }
0x91: {  	s18 =	sld [smem:$0x3FFB];
	_ =	sdelay $0x3  }
0x92: {  	_ =	strace s18  }
0x93: {  	s3 =	sld [smem:$0x3FFC];
	_ =	sdelay $0x3  }
0x94: {  	_ =	strace s3  }
0x95: {  	s3 =	sld [smem:$0x3FFD];
	_ =	sdelay $0x3  }
0x96: {  	_ =	strace s3  }
0x97: {  	_ =	strace $0x8FFFFFFF  }
0x98: {  	s19 =	sld [smem:$0x3FDB];
	_ =	sdelay $0x1  }
0x99: {  	s4 =	simm.s32 $_scs_section_size  }
0x9a: {  	s5 =	simm.s32 $_size__tile_overlayer_lowered;
	s6 =	simm.s32 $_tile_overlayer_lowered  }
0x9b: {  	s22 =	simm.s32 $0x1BFF;
	s21 =	sshll.u32 s6, $0x1;
	s3 =	sadd.s32 s4, s19  }
0x9c: {  	s7 =	simm.s32 $0x0;
	s20 =	sshll.u32 s5, $0x1;
	s5 =	sadd.s32 s21, s3  }
0x9d: {  	[timem:s7], [sflag:s22] =	dma.local [hbm:s5], s20  }
0x9e: {  	_ =	swait.ge [sflag:s22], s20  }
0x9f: {  	s4 =	ssub.s32 $0x0, s20;
	[sflag:s22] =	ssyncset.done $0x0  }
0xa0: {  	[sflag:s22] =	ssyncadd.s32 s4;
	_ =	sdelay $0x1  }
0xa1: {  	s23 =	simm.s32 $0x1B8B  }
0xa2: {  	_ =	swait.ge [sflag:s23], $0x1  }
0xa3: {  	[sflag:s23] =	ssyncset.done $0x0  }
0xa4: {  	s25 =	simm.s32 $0x1B8E;
	s24 =	sld [smem:$0x3FFE];
	[sflag:s23] =	ssyncadd.s32 $0xFFFFFFFF  }
0xa5: {  	s26 =	simm.s32 $execute0_lowered;
	[smem:$0x3FD2] =	sst s25  }
0xa6: {  	s5 =	sshll.u32 s26, $0x1;
	_ =	strace $0x80000049;
	[dreg:$0x1] =	wrdreg $0xFFFFFFFF  }
0xa7: {  	s28 =	simm.s32 $_size_execute0_lowered;
	s3 =	sadd.s32 s3, s5;
	[dreg:$0x0] =	wrdreg $0x0  }
0xa8: {  	s5 =	sshll.u32 s28, $0x1;
	[dreg:$0x2] =	wrdreg s3  }
0xa9: {  	[dreg:$0x3] =	wrdreg s5  }
0xaa: {  	[dreg:$0x4] =	wrdreg $0xC0  }
0xab: {  	_ =	task [dreg:s7], $0x5FFFF  }
0xac: {  	[dreg:$0x1] =	wrdreg $0xFFFFFFFF  }
0xad: {  	[dreg:$0x0] =	wrdreg $0x60  }
0xae: {  	[dreg:$0x2] =	wrdreg s24  }
0xaf: {  	[dreg:$0x3] =	wrdreg s2  }
0xb0: {  	[dreg:$0x4] =	wrdreg $0x9  }
0xb1: {  	_ =	task.clear_ibuf [dreg:s7], $0x5FFFF;
	_ =	strace $0x90000049  }
0xb2: {  	s29 =	simm.s32 $0x9;
	_ =	strace $0x8000004B  }
0xb3: {  	_ =	swait.ge [sflag:s29], $0x1  }
0xb4: {  	[sflag:s29] =	ssyncadd.s32 $0xFFFFFFFF  }
0xb5: {  	_ =	strace $0x9000004B  }
0xb6: {  	_ =	sfence  }
0xb7: {  	s30 =	sld [smem:$0x0];
	_ =	sdelay $0x2  }
0xb8: {  	s31 =	sshll.u32 s1, $0xD;
	s1 =	sshrl.u32 s1, $0x2  }
0xb9: {  	s3 =	sand.u32 $0x4000, s31;
	s1 =	sadd.s32 s1, s30  }
0xba: {  	s0 =	sor.u32 s3, s0;
	s1 =	sshll.u32 s1, $0x11  }
0xbb: {  	s0 =	sor.u32 s1, s0  }
0xbc: {  	s0 =	sadd.s32 $0x8F2B, s0  }
0xbd: {  	[sflag:s0] =	ssyncadd.remote.s32 $0x1  }
0xbe: {  	_ =	sfence.sel $0xFFFF  }
0xbf: {  	[dreg:$0x0] =	wrdreg $0xFFFFFFFF;
	(pc) =	sbr.abs _section_cstart, $3  }
0xc0: {  	[dreg:$0x1] =	wrdreg $0xFFFFFFFF  }
0xc1: {  	_ =	task.clear_ibuf [dreg:s7], $0x2FFFF;
	_ =	strace $0x9FFFFFFF  }
0xc2: {  	(tm) =	ssettm $0x7FFFFFFF  }
0xc3: {  	_ =	shalt  }
tec
execute0_lowered:
.L_overlay_start_1:
0x0: {  	(tag) =	ssettag $0x1  }
0x1: {  	s0 =	rddreg [dreg:$0x0]  }
0x2: {  	s1 =	rddreg [dreg:$0x1]  }
0x3: {  	s2 =	srdreg.scid;
	s3 =	stileid.u32  }
0x4: {  	s19 =	simm.s32 $0x3;
	s20 =	simm.s32 $0x2;
	s21 =	simm.s32 $0x4  }
0x5: {  	s23 =	simm.s32 $0x880;
	s24 =	simm.s32 $0x1080;
	s28 =	simm.s32 $0x2080  }
0x6: {  	s29 =	simm.s32 $0x2880;
	s30 =	simm.s32 $0x3080;
	s31 =	simm.s32 $0x3880  }
0x7: {  	s10 =	simm.s32 $0x5080;
	s11 =	simm.s32 $0x5880;
	s12 =	simm.s32 $0x6080  }
0x8: {  	s13 =	simm.s32 $0x6880;
	s14 =	simm.s32 $0x7080;
	s15 =	simm.s32 $0x7880  }
0x9: {  	s18 =	simm.s32 $0x8080;
	s16 =	simm.s32 $0x8880;
	s4 =	sand.u32 $0x1, s2  }
0xa: {  	s2 =	simm.s32 $0x0;
	s3 =	sshll.u32 s3, $0x8;
	s5 =	sshll.u32 s4, $0x7  }
0xb: {  	s17 =	simm.s32 $0x9080;
	[smem:$0x7FF] =	sst s2;
	s5 =	sor.u32 s5, s3  }
0xc: {  	s4 =	ssub.s32 $0x2, s4;
	_ =	strace $0x8000004A;
	s6 =	sshrl.u32 s5, $0x3  }
0xd: {  	s3 =	sadd.s32 $0x2400, s0;
	s5 =	sshll.u32 s5, $0x7;
	s6 =	sadd.s32 s6, s0  }
0xe: {  	s7 =	sshrl.u32 s4, $0x1;
	s1 =	sadd.s32 s5, s1;
	s6 =	sadd.s32 $0x22600, s6  }
0xf: {  	s7 =	ssub.s32 s4, s7;
	s5 =	sadd.s32 $0x80000, s1;
	[dreg:$0x3] =	wrdreg s6  }
0x10: {  	s4 =	sadd.s32 $0x2500, s0;
	s25 =	sadd.s32 $0x81000, s1;
	[dreg:$0x4] =	wrdreg s5  }
0x11: {  	s7 =	smax.u32 s7, $0x1;
	s8 =	sadd.s32 $0x82000, s1;
	[dreg:$0x5] =	wrdreg s25  }
0x12: {  	v2 =	vlaneseq.u32;
	s26 =	sadd.s32 $0x83000, s1;
	s1 =	simm.s32 $0x4880;
	[dreg:$0x6] =	wrdreg s8  }
0x13: {  	vm0 =	vmmov $0xffff;
	v1 =	vshrl.u32 v2, $0x3;
	s5 =	sadd.s32 $0x2600, s0;
	s6 =	sadd.s32 $0x2700, s0;
	[dreg:$0x7] =	wrdreg s26  }
0x14: {  	v0 =	vand.u32 $0x7, v2;
	v2 =	vor.u32 $0x8, v2;
	v1 =	vmul.u32 $0x8, v1;
	s8 =	simm.s32 $0x1;
	s25 =	simm.s32 $0x80;
	s26 =	simm.s32 $0x1880  }
.LBB2_1:
0x15: {  	s22 =	rddreg [dreg:$0x3];
	s0 =	simm.s32 $0x5  }
0x16: {  	[tilespmem:s2], [sflag:$0x5] =	stream.linear.gather [hbm4b:s22+s2], $0x80, $0x38;
	[tilespmem:$0x10080] =	vst v63  }
0x17: {  	_ =	swait.ge [sflag:s0], $0x80  }
0x18: {  	[sflag:s0] =	ssyncset.done $0x0  }
0x19: {  	[sflag:s0] =	ssyncadd.s32 $0xFFFFFF80  }
0x1a: {  	v3 =	vld [tilespmem:$0x0];
	_ =	sdelay $0x4  }
0x1b: {  	v4 =	vshll.u32 v3, $0x3  }
0x1c: {  	v3 =	vand.u32 $0x7, v3;
	v4 =	vand.u32 $0xFFFFFFC0, v4  }
0x1d: {  	v3 =	vor.u32 v3, v4  }
0x1e: {  	v4 =	vperm.xlane v3, v0;
	_ =	sdelay $0x1  }
0x1f: {  	v4 =	vadd.s32 v1, v4;
	_ =	sdelay $0x4  }
0x20: {  	[tilespmem:s25], [sflag:$0x1] =	stream.indirect_vreg.gather [hbm4b:s3+s2], $0x80, v4, vm0, $0xb8;
	[tilespmem:$0x10080] =	vst v63  }
0x21: {  	v3 =	vperm.xlane v3, v2  }
0x22: {  	[tilespmem:s23], [sflag:$0x1] =	stream.indirect_vreg.gather [hbm4b:s4+s2], $0x80, v4, vm0, $0xb8;
	[tilespmem:$0x10080] =	vst v63  }
0x23: {  	v3 =	vadd.s32 v1, v3  }
0x24: {  	[tilespmem:s24], [sflag:$0x1] =	stream.indirect_vreg.gather [hbm4b:s5+s2], $0x80, v4, vm0, $0xb8;
	[tilespmem:$0x10080] =	vst v63  }
0x25: {  	_ = 	snop  }
0x26: {  	[tilespmem:s26], [sflag:$0x1] =	stream.indirect_vreg.gather [hbm4b:s6+s2], $0x80, v4, vm0, $0xb8;
	[tilespmem:$0x10080] =	vst v63  }
0x27: {  	_ = 	snop  }
0x28: {  	[tilespmem:s28], [sflag:$0x1] =	stream.indirect_vreg.gather [hbm4b:s3+s2], $0x80, v3, vm0, $0xb8;
	[tilespmem:$0x10080] =	vst v63  }
0x29: {  	_ = 	snop  }
0x2a: {  	[tilespmem:s29], [sflag:$0x1] =	stream.indirect_vreg.gather [hbm4b:s4+s2], $0x80, v3, vm0, $0xb8;
	[tilespmem:$0x10080] =	vst v63  }
0x2b: {  	_ = 	snop  }
0x2c: {  	[tilespmem:s30], [sflag:$0x1] =	stream.indirect_vreg.gather [hbm4b:s5+s2], $0x80, v3, vm0, $0xb8;
	[tilespmem:$0x10080] =	vst v63  }
0x2d: {  	_ = 	snop  }
0x2e: {  	[tilespmem:s31], [sflag:$0x1] =	stream.indirect_vreg.gather [hbm4b:s6+s2], $0x80, v3, vm0, $0xb8;
	[tilespmem:$0x10080] =	vst v63  }
0x2f: {  	v3 =	vld [tilespmem:$0x10];
	_ =	sdelay $0x4  }
0x30: {  	v57 =	vshll.u32 v3, $0x3  }
0x31: {  	v3 =	vand.u32 $0x7, v3;
	v4 =	vand.u32 $0xFFFFFFC0, v57  }
0x32: {  	v3 =	vor.u32 v3, v4  }
0x33: {  	v4 =	vperm.xlane v3, v0;
	_ =	sdelay $0x1  }
0x34: {  	v4 =	vadd.s32 v1, v4;
	_ =	sdelay $0x3  }
0x35: {  	s0 =	simm.s32 $0x4080  }
0x36: {  	[tilespmem:s0], [sflag:$0x1] =	stream.indirect_vreg.gather [hbm4b:s3+s2], $0x80, v4, vm0, $0xb8;
	[tilespmem:$0x10080] =	vst v63  }
0x37: {  	v3 =	vperm.xlane v3, v2  }
0x38: {  	[tilespmem:s1], [sflag:$0x1] =	stream.indirect_vreg.gather [hbm4b:s4+s2], $0x80, v4, vm0, $0xb8;
	[tilespmem:$0x10080] =	vst v63  }
0x39: {  	v3 =	vadd.s32 v1, v3  }
0x3a: {  	[tilespmem:s10], [sflag:$0x1] =	stream.indirect_vreg.gather [hbm4b:s5+s2], $0x80, v4, vm0, $0xb8;
	[tilespmem:$0x10080] =	vst v63  }
0x3b: {  	_ = 	snop  }
0x3c: {  	[tilespmem:s11], [sflag:$0x1] =	stream.indirect_vreg.gather [hbm4b:s6+s2], $0x80, v4, vm0, $0xb8;
	[tilespmem:$0x10080] =	vst v63  }
0x3d: {  	_ = 	snop  }
0x3e: {  	[tilespmem:s12], [sflag:$0x1] =	stream.indirect_vreg.gather [hbm4b:s3+s2], $0x80, v3, vm0, $0xb8;
	[tilespmem:$0x10080] =	vst v63  }
0x3f: {  	_ = 	snop  }
0x40: {  	[tilespmem:s13], [sflag:$0x1] =	stream.indirect_vreg.gather [hbm4b:s4+s2], $0x80, v3, vm0, $0xb8;
	[tilespmem:$0x10080] =	vst v63  }
0x41: {  	_ = 	snop  }
0x42: {  	[tilespmem:s14], [sflag:$0x1] =	stream.indirect_vreg.gather [hbm4b:s5+s2], $0x80, v3, vm0, $0xb8;
	[tilespmem:$0x10080] =	vst v63  }
0x43: {  	_ = 	snop  }
0x44: {  	[tilespmem:s15], [sflag:$0x1] =	stream.indirect_vreg.gather [hbm4b:s6+s2], $0x80, v3, vm0, $0xb8;
	[tilespmem:$0x10080] =	vst v63  }
0x45: {  	v3 =	vld [tilespmem:$0x20];
	_ =	sdelay $0x4  }
0x46: {  	v58 =	vshll.u32 v3, $0x3  }
0x47: {  	v3 =	vand.u32 $0x7, v3;
	v4 =	vand.u32 $0xFFFFFFC0, v58  }
0x48: {  	v3 =	vor.u32 v3, v4  }
0x49: {  	v4 =	vperm.xlane v3, v0;
	_ =	sdelay $0x1  }
0x4a: {  	v4 =	vadd.s32 v1, v4;
	_ =	sdelay $0x4  }
0x4b: {  	[tilespmem:s18], [sflag:$0x2] =	stream.indirect_vreg.gather [hbm4b:s3+s2], $0x80, v4, vm0, $0xb8;
	[tilespmem:$0x10080] =	vst v63  }
0x4c: {  	v3 =	vperm.xlane v3, v2  }
0x4d: {  	[tilespmem:s16], [sflag:$0x2] =	stream.indirect_vreg.gather [hbm4b:s4+s2], $0x80, v4, vm0, $0xb8;
	[tilespmem:$0x10080] =	vst v63  }
0x4e: {  	v3 =	vadd.s32 v1, v3  }
0x4f: {  	[tilespmem:s17], [sflag:$0x2] =	stream.indirect_vreg.gather [hbm4b:s5+s2], $0x80, v4, vm0, $0xb8;
	[tilespmem:$0x10080] =	vst v63  }
0x50: {  	s9 =	simm.s32 $0x9880  }
0x51: {  	[tilespmem:s9], [sflag:$0x2] =	stream.indirect_vreg.gather [hbm4b:s6+s2], $0x80, v4, vm0, $0xb8;
	[tilespmem:$0x10080] =	vst v63  }
0x52: {  	s9 =	simm.s32 $0xA080  }
0x53: {  	[tilespmem:s9], [sflag:$0x2] =	stream.indirect_vreg.gather [hbm4b:s3+s2], $0x80, v3, vm0, $0xb8;
	[tilespmem:$0x10080] =	vst v63  }
0x54: {  	s22 =	simm.s32 $0xA880  }
0x55: {  	[tilespmem:s22], [sflag:$0x2] =	stream.indirect_vreg.gather [hbm4b:s4+s2], $0x80, v3, vm0, $0xb8;
	[tilespmem:$0x10080] =	vst v63  }
0x56: {  	s22 =	simm.s32 $0xB080  }
0x57: {  	[tilespmem:s22], [sflag:$0x2] =	stream.indirect_vreg.gather [hbm4b:s5+s2], $0x80, v3, vm0, $0xb8;
	[tilespmem:$0x10080] =	vst v63  }
0x58: {  	s22 =	simm.s32 $0xB880  }
0x59: {  	[tilespmem:s22], [sflag:$0x2] =	stream.indirect_vreg.gather [hbm4b:s6+s2], $0x80, v3, vm0, $0xb8;
	[tilespmem:$0x10080] =	vst v63  }
0x5a: {  	v3 =	vld [tilespmem:$0x30];
	_ =	sdelay $0x4  }
0x5b: {  	v59 =	vshll.u32 v3, $0x3  }
0x5c: {  	v3 =	vand.u32 $0x7, v3;
	v4 =	vand.u32 $0xFFFFFFC0, v59  }
0x5d: {  	v3 =	vor.u32 v3, v4  }
0x5e: {  	v4 =	vperm.xlane v3, v0;
	_ =	sdelay $0x1  }
0x5f: {  	v4 =	vadd.s32 v1, v4;
	_ =	sdelay $0x3  }
0x60: {  	s22 =	simm.s32 $0xC080  }
0x61: {  	[tilespmem:s22], [sflag:$0x2] =	stream.indirect_vreg.gather [hbm4b:s3+s2], $0x80, v4, vm0, $0xb8;
	[tilespmem:$0x10080] =	vst v63  }
0x62: {  	v3 =	vperm.xlane v3, v2;
	s22 =	simm.s32 $0xC880  }
0x63: {  	[tilespmem:s22], [sflag:$0x2] =	stream.indirect_vreg.gather [hbm4b:s4+s2], $0x80, v4, vm0, $0xb8;
	[tilespmem:$0x10080] =	vst v63  }
0x64: {  	v3 =	vadd.s32 v1, v3;
	s22 =	simm.s32 $0xD080  }
0x65: {  	[tilespmem:s22], [sflag:$0x2] =	stream.indirect_vreg.gather [hbm4b:s5+s2], $0x80, v4, vm0, $0xb8;
	[tilespmem:$0x10080] =	vst v63  }
0x66: {  	s22 =	simm.s32 $0xD880  }
0x67: {  	[tilespmem:s22], [sflag:$0x2] =	stream.indirect_vreg.gather [hbm4b:s6+s2], $0x80, v4, vm0, $0xb8;
	[tilespmem:$0x10080] =	vst v63  }
0x68: {  	s22 =	simm.s32 $0xE080  }
0x69: {  	[tilespmem:s22], [sflag:$0x2] =	stream.indirect_vreg.gather [hbm4b:s3+s2], $0x80, v3, vm0, $0xb8;
	[tilespmem:$0x10080] =	vst v63  }
0x6a: {  	s22 =	simm.s32 $0xE880  }
0x6b: {  	[tilespmem:s22], [sflag:$0x2] =	stream.indirect_vreg.gather [hbm4b:s4+s2], $0x80, v3, vm0, $0xb8;
	[tilespmem:$0x10080] =	vst v63  }
0x6c: {  	s22 =	simm.s32 $0xF080  }
0x6d: {  	[tilespmem:s22], [sflag:$0x2] =	stream.indirect_vreg.gather [hbm4b:s5+s2], $0x80, v3, vm0, $0xb8;
	[tilespmem:$0x10080] =	vst v63  }
0x6e: {  	s22 =	simm.s32 $0xF880  }
0x6f: {  	[tilespmem:s22], [sflag:$0x2] =	stream.indirect_vreg.gather [hbm4b:s6+s2], $0x80, v3, vm0, $0xb8;
	[tilespmem:$0x10080] =	vst v63  }
0x70: {  	_ =	swait.ge [sflag:s8], $0x8000  }
0x71: {  	[sflag:s8] =	ssyncset.done $0x0  }
0x72: {  	s22 =	rddreg [dreg:$0x4];
	[sflag:s8] =	ssyncadd.s32 $0xFFFF8000  }
0x73: {  	[hbm4b:s22+s2] =	stream.linear.scatter [tilespmem:s25], [sflag:$0x3], $0x8000, $0x38;
	[tilespmem:$0x10080] =	vst v63  }
0x74: {  	_ =	swait.ge [sflag:s19], $0x8000  }
0x75: {  	[sflag:s19] =	ssyncset.done $0x0  }
0x76: {  	[sflag:s19] =	ssyncadd.s32 $0xFFFF8000  }
0x77: {  	v3 =	vld [tilespmem:$0x40];
	_ =	sdelay $0x4  }
0x78: {  	v60 =	vshll.u32 v3, $0x3  }
0x79: {  	v3 =	vand.u32 $0x7, v3;
	v4 =	vand.u32 $0xFFFFFFC0, v60  }
0x7a: {  	v3 =	vor.u32 v3, v4  }
0x7b: {  	v4 =	vperm.xlane v3, v0;
	_ =	sdelay $0x1  }
0x7c: {  	v4 =	vadd.s32 v1, v4;
	_ =	sdelay $0x4  }
0x7d: {  	[tilespmem:s25], [sflag:$0x1] =	stream.indirect_vreg.gather [hbm4b:s3+s2], $0x80, v4, vm0, $0xb8;
	[tilespmem:$0x10080] =	vst v63  }
0x7e: {  	v3 =	vperm.xlane v3, v2  }
0x7f: {  	[tilespmem:s23], [sflag:$0x1] =	stream.indirect_vreg.gather [hbm4b:s4+s2], $0x80, v4, vm0, $0xb8;
	[tilespmem:$0x10080] =	vst v63  }
0x80: {  	v3 =	vadd.s32 v1, v3  }
0x81: {  	[tilespmem:s24], [sflag:$0x1] =	stream.indirect_vreg.gather [hbm4b:s5+s2], $0x80, v4, vm0, $0xb8;
	[tilespmem:$0x10080] =	vst v63  }
0x82: {  	_ = 	snop  }
0x83: {  	[tilespmem:s26], [sflag:$0x1] =	stream.indirect_vreg.gather [hbm4b:s6+s2], $0x80, v4, vm0, $0xb8;
	[tilespmem:$0x10080] =	vst v63  }
0x84: {  	_ = 	snop  }
0x85: {  	[tilespmem:s28], [sflag:$0x1] =	stream.indirect_vreg.gather [hbm4b:s3+s2], $0x80, v3, vm0, $0xb8;
	[tilespmem:$0x10080] =	vst v63  }
0x86: {  	_ = 	snop  }
0x87: {  	[tilespmem:s29], [sflag:$0x1] =	stream.indirect_vreg.gather [hbm4b:s4+s2], $0x80, v3, vm0, $0xb8;
	[tilespmem:$0x10080] =	vst v63  }
0x88: {  	_ = 	snop  }
0x89: {  	[tilespmem:s30], [sflag:$0x1] =	stream.indirect_vreg.gather [hbm4b:s5+s2], $0x80, v3, vm0, $0xb8;
	[tilespmem:$0x10080] =	vst v63  }
0x8a: {  	_ = 	snop  }
0x8b: {  	[tilespmem:s31], [sflag:$0x1] =	stream.indirect_vreg.gather [hbm4b:s6+s2], $0x80, v3, vm0, $0xb8;
	[tilespmem:$0x10080] =	vst v63  }
0x8c: {  	v3 =	vld [tilespmem:$0x50];
	_ =	sdelay $0x4  }
0x8d: {  	v61 =	vshll.u32 v3, $0x3  }
0x8e: {  	v3 =	vand.u32 $0x7, v3;
	v4 =	vand.u32 $0xFFFFFFC0, v61  }
0x8f: {  	v3 =	vor.u32 v3, v4  }
0x90: {  	v4 =	vperm.xlane v3, v0;
	_ =	sdelay $0x1  }
0x91: {  	v4 =	vadd.s32 v1, v4;
	_ =	sdelay $0x4  }
0x92: {  	[tilespmem:s0], [sflag:$0x1] =	stream.indirect_vreg.gather [hbm4b:s3+s2], $0x80, v4, vm0, $0xb8;
	[tilespmem:$0x10080] =	vst v63  }
0x93: {  	v3 =	vperm.xlane v3, v2  }
0x94: {  	[tilespmem:s1], [sflag:$0x1] =	stream.indirect_vreg.gather [hbm4b:s4+s2], $0x80, v4, vm0, $0xb8;
	[tilespmem:$0x10080] =	vst v63  }
0x95: {  	v3 =	vadd.s32 v1, v3  }
0x96: {  	[tilespmem:s10], [sflag:$0x1] =	stream.indirect_vreg.gather [hbm4b:s5+s2], $0x80, v4, vm0, $0xb8;
	[tilespmem:$0x10080] =	vst v63  }
0x97: {  	_ = 	snop  }
0x98: {  	[tilespmem:s11], [sflag:$0x1] =	stream.indirect_vreg.gather [hbm4b:s6+s2], $0x80, v4, vm0, $0xb8;
	[tilespmem:$0x10080] =	vst v63  }
0x99: {  	_ = 	snop  }
0x9a: {  	[tilespmem:s12], [sflag:$0x1] =	stream.indirect_vreg.gather [hbm4b:s3+s2], $0x80, v3, vm0, $0xb8;
	[tilespmem:$0x10080] =	vst v63  }
0x9b: {  	_ = 	snop  }
0x9c: {  	[tilespmem:s13], [sflag:$0x1] =	stream.indirect_vreg.gather [hbm4b:s4+s2], $0x80, v3, vm0, $0xb8;
	[tilespmem:$0x10080] =	vst v63  }
0x9d: {  	_ = 	snop  }
0x9e: {  	[tilespmem:s14], [sflag:$0x1] =	stream.indirect_vreg.gather [hbm4b:s5+s2], $0x80, v3, vm0, $0xb8;
	[tilespmem:$0x10080] =	vst v63  }
0x9f: {  	_ = 	snop  }
0xa0: {  	[tilespmem:s15], [sflag:$0x1] =	stream.indirect_vreg.gather [hbm4b:s6+s2], $0x80, v3, vm0, $0xb8;
	[tilespmem:$0x10080] =	vst v63  }
0xa1: {  	_ =	swait.ge [sflag:s20], $0x8000  }
0xa2: {  	[sflag:s20] =	ssyncset.done $0x0  }
0xa3: {  	s0 =	rddreg [dreg:$0x5];
	[sflag:s20] =	ssyncadd.s32 $0xFFFF8000  }
0xa4: {  	[hbm4b:s0+s2] =	stream.linear.scatter [tilespmem:s18], [sflag:$0x4], $0x8000, $0x38;
	[tilespmem:$0x10080] =	vst v63  }
0xa5: {  	_ =	swait.ge [sflag:s21], $0x8000  }
0xa6: {  	[sflag:s21] =	ssyncset.done $0x0  }
0xa7: {  	[sflag:s21] =	ssyncadd.s32 $0xFFFF8000  }
0xa8: {  	v3 =	vld [tilespmem:$0x60];
	_ =	sdelay $0x4  }
0xa9: {  	v62 =	vshll.u32 v3, $0x3  }
0xaa: {  	v3 =	vand.u32 $0x7, v3;
	v4 =	vand.u32 $0xFFFFFFC0, v62  }
0xab: {  	v3 =	vor.u32 v3, v4  }
0xac: {  	v4 =	vperm.xlane v3, v0;
	_ =	sdelay $0x1  }
0xad: {  	v4 =	vadd.s32 v1, v4;
	_ =	sdelay $0x4  }
0xae: {  	[tilespmem:s18], [sflag:$0x2] =	stream.indirect_vreg.gather [hbm4b:s3+s2], $0x80, v4, vm0, $0xb8;
	[tilespmem:$0x10080] =	vst v63  }
0xaf: {  	v3 =	vperm.xlane v3, v2  }
0xb0: {  	[tilespmem:s16], [sflag:$0x2] =	stream.indirect_vreg.gather [hbm4b:s4+s2], $0x80, v4, vm0, $0xb8;
	[tilespmem:$0x10080] =	vst v63  }
0xb1: {  	v3 =	vadd.s32 v1, v3  }
0xb2: {  	[tilespmem:s17], [sflag:$0x2] =	stream.indirect_vreg.gather [hbm4b:s5+s2], $0x80, v4, vm0, $0xb8;
	[tilespmem:$0x10080] =	vst v63  }
0xb3: {  	s22 =	simm.s32 $0x9880  }
0xb4: {  	[tilespmem:s22], [sflag:$0x2] =	stream.indirect_vreg.gather [hbm4b:s6+s2], $0x80, v4, vm0, $0xb8;
	[tilespmem:$0x10080] =	vst v63  }
0xb5: {  	_ = 	snop  }
0xb6: {  	[tilespmem:s9], [sflag:$0x2] =	stream.indirect_vreg.gather [hbm4b:s3+s2], $0x80, v3, vm0, $0xb8;
	[tilespmem:$0x10080] =	vst v63  }
0xb7: {  	s22 =	simm.s32 $0xA880  }
0xb8: {  	[tilespmem:s22], [sflag:$0x2] =	stream.indirect_vreg.gather [hbm4b:s4+s2], $0x80, v3, vm0, $0xb8;
	[tilespmem:$0x10080] =	vst v63  }
0xb9: {  	s9 =	simm.s32 $0xB080  }
0xba: {  	[tilespmem:s9], [sflag:$0x2] =	stream.indirect_vreg.gather [hbm4b:s5+s2], $0x80, v3, vm0, $0xb8;
	[tilespmem:$0x10080] =	vst v63  }
0xbb: {  	s22 =	simm.s32 $0xB880  }
0xbc: {  	[tilespmem:s22], [sflag:$0x2] =	stream.indirect_vreg.gather [hbm4b:s6+s2], $0x80, v3, vm0, $0xb8;
	[tilespmem:$0x10080] =	vst v63  }
0xbd: {  	v3 =	vld [tilespmem:$0x70];
	_ =	sdelay $0x4  }
0xbe: {  	v63 =	vshll.u32 v3, $0x3  }
0xbf: {  	v3 =	vand.u32 $0x7, v3;
	v4 =	vand.u32 $0xFFFFFFC0, v63  }
0xc0: {  	v3 =	vor.u32 v3, v4  }
0xc1: {  	v4 =	vperm.xlane v3, v0;
	_ =	sdelay $0x1  }
0xc2: {  	v4 =	vadd.s32 v1, v4;
	_ =	sdelay $0x3  }
0xc3: {  	s9 =	simm.s32 $0xC080  }
0xc4: {  	[tilespmem:s9], [sflag:$0x2] =	stream.indirect_vreg.gather [hbm4b:s3+s2], $0x80, v4, vm0, $0xb8;
	[tilespmem:$0x10080] =	vst v63  }
0xc5: {  	s22 =	simm.s32 $0xC880;
	v3 =	vperm.xlane v3, v2  }
0xc6: {  	[tilespmem:s22], [sflag:$0x2] =	stream.indirect_vreg.gather [hbm4b:s4+s2], $0x80, v4, vm0, $0xb8;
	[tilespmem:$0x10080] =	vst v63  }
0xc7: {  	v3 =	vadd.s32 v1, v3;
	s9 =	simm.s32 $0xD080  }
0xc8: {  	[tilespmem:s9], [sflag:$0x2] =	stream.indirect_vreg.gather [hbm4b:s5+s2], $0x80, v4, vm0, $0xb8;
	[tilespmem:$0x10080] =	vst v63  }
0xc9: {  	s22 =	simm.s32 $0xD880  }
0xca: {  	[tilespmem:s22], [sflag:$0x2] =	stream.indirect_vreg.gather [hbm4b:s6+s2], $0x80, v4, vm0, $0xb8;
	[tilespmem:$0x10080] =	vst v63  }
0xcb: {  	s9 =	simm.s32 $0xE080  }
0xcc: {  	[tilespmem:s9], [sflag:$0x2] =	stream.indirect_vreg.gather [hbm4b:s3+s2], $0x80, v3, vm0, $0xb8;
	[tilespmem:$0x10080] =	vst v63  }
0xcd: {  	s22 =	simm.s32 $0xE880  }
0xce: {  	[tilespmem:s22], [sflag:$0x2] =	stream.indirect_vreg.gather [hbm4b:s4+s2], $0x80, v3, vm0, $0xb8;
	[tilespmem:$0x10080] =	vst v63  }
0xcf: {  	s9 =	simm.s32 $0xF080  }
0xd0: {  	[tilespmem:s9], [sflag:$0x2] =	stream.indirect_vreg.gather [hbm4b:s5+s2], $0x80, v3, vm0, $0xb8;
	[tilespmem:$0x10080] =	vst v63  }
0xd1: {  	s22 =	simm.s32 $0xF880  }
0xd2: {  	[tilespmem:s22], [sflag:$0x2] =	stream.indirect_vreg.gather [hbm4b:s6+s2], $0x80, v3, vm0, $0xb8;
	[tilespmem:$0x10080] =	vst v63  }
0xd3: {  	_ =	swait.ge [sflag:s8], $0x8000  }
0xd4: {  	[sflag:s8] =	ssyncset.done $0x0  }
0xd5: {  	s0 =	rddreg [dreg:$0x6];
	[sflag:s8] =	ssyncadd.s32 $0xFFFF8000  }
0xd6: {  	[hbm4b:s0+s2] =	stream.linear.scatter [tilespmem:s25], [sflag:$0x3], $0x8000, $0x38;
	[tilespmem:$0x10080] =	vst v63  }
0xd7: {  	_ =	swait.ge [sflag:s20], $0x8000  }
0xd8: {  	[sflag:s20] =	ssyncset.done $0x0  }
0xd9: {  	s9 =	rddreg [dreg:$0x7];
	[sflag:s20] =	ssyncadd.s32 $0xFFFF8000  }
0xda: {  	[hbm4b:s9+s2] =	stream.linear.scatter [tilespmem:s18], [sflag:$0x4], $0x8000, $0x38;
	[tilespmem:$0x10080] =	vst v63  }
0xdb: {  	p0 =	sne.s32 s7, $0x1;
	_ =	swait.ge [sflag:s19], $0x8000  }
.Ltmp0:
0xdc: {  	[sflag:s19] =	ssyncset.done $0x0;
	(pc) =	sbr.rel @p0 .LBB2_1-.Ltmp0, $4  }
0xdd: {  	[sflag:s19] =	ssyncadd.s32 $0xFFFF8000  }
0xde: {  	_ =	swait.ge [sflag:s21], $0x8000  }
0xdf: {  	[sflag:s21] =	ssyncset.done $0x0  }
0xe0: {  	s7 =	sadd.s32 $0xFFFFFFFF, s7;
	[sflag:s21] =	ssyncadd.s32 $0xFFFF8000  }
0xe1: {  	_ =	sfence.sel $0x180000  }
0xe2: {  	[bflag:$0x0] =	sbarrier.arrive $0xFFFF  }
0xe3: {  	_ =	strace $0x9000004A  }
0xe4: {  	s0 =	stileid.u32;
	[bflag:$0x2] =	sbarrier.arrive $0xFFFF  }
0xe5: {  	p0 =	sne.s32 s0, $0x0;
	s0 =	rddreg [dreg:$0x2]  }
0xe6: {  	s0 =	sadd.s32 @!p0 $0x100000, s0  }
0xe7: {  	[sflag:s0] =	ssyncadd.tile.s32 @!p0 $0x1;
	_ =	shalt  }
.Lfunc_end2:
_tile_overlayer_lowered:
.L_overlay_start_2:
0xe8: {  	(tag) =	ssettag $0x2  }
0xe9: {  	s0 =	rddreg [dreg:$0x0];
	s2 =	stileid.u32  }
0xea: {  	s1 =	rddreg [dreg:$0x1];
	p0 =	sne.s32 s2, $0x0  }
0xeb: {  	s3 =	rddreg [dreg:$0x2];
	[bflag:$0x3] =	sbarrier.arrive $0xFFFF;
	s2 =	simm.s32 @!p0 $0x1C05  }
0xec: {  	[timem:s3], [sflag:s2] =	dma.local @!p0 [hbm:s0], s1  }
0xed: {  	s0 =	simm.s32 @!p0 $0x5  }
0xee: {  	_ =	swait.ge @!p0 [sflag:s0], s1  }
0xef: {  	s1 =	ssub.s32 @!p0 $0x0, s1;
	[sflag:s0] =	ssyncset.done @!p0 $0x0  }
0xf0: {  	[sflag:s0] =	ssyncadd.s32 @!p0 s1  }
0xf1: {  	[bflag:$0x3] =	sbarrier.arrive $0xFFFF  }
0xf2: {  	_ =	shalt  }

// kernel: kernel.17.cloned.1.call-start
scs
__scs_entry_jumppad:
0x0: {  	(pc) =	sbr.rel $0x88, $3  }
0x1: {  	(tag) =	ssettag $0x0;
	lr =	simm.s32 $0x1  }
0x2: {  	[smem:$0x3F9B] =	sst lr;
	_ =	strace $0xD0000000  }
0x3: {  	_ = 	snop  }
0x4: {  	_ = 	snop  }
0x5: {  	_ = 	snop  }
0x6: {  	_ = 	snop  }
0x7: {  	_ = 	snop  }
__scs_overlays_trampoline_lowered:
0x8: {  	[smem:$0x3FAA] =	sst s0  }
0x9: {  	[smem:$0x3FAB] =	sst s1  }
0xa: {  	[smem:$0x3FAC] =	sst s2  }
0xb: {  	[smem:$0x3FAD] =	sst s3  }
0xc: {  	[smem:$0x3FAE] =	sst s4  }
0xd: {  	[smem:$0x3FAF] =	sst s5  }
0xe: {  	[smem:$0x3FB0] =	sst s6  }
0xf: {  	[smem:$0x3FB1] =	sst s7  }
0x10: {  	[smem:$0x3FB2] =	sst s8  }
0x11: {  	[smem:$0x3FB3] =	sst s9;
	s0 =	simm.s32 @!p0 $0x0  }
0x12: {  	s1 =	sld [smem:$0x3F99];
	s0 =	simm.s32 @p0 $0x1  }
0x13: {  	[smem:$0x3FB4] =	sst s0;
	s0 =	simm.s32 @!p1 $0x0  }
0x14: {  	s2 =	sld [smem:$0x3F98];
	s0 =	simm.s32 @p1 $0x1  }
0x15: {  	[smem:$0x3FB5] =	sst s0;
	s0 =	simm.s32 @!p2 $0x0  }
0x16: {  	s3 =	sld [smem:$0x3FDB];
	s0 =	simm.s32 @p2 $0x1  }
0x17: {  	s4 =	simm.s32 $0x1BF5;
	[smem:$0x3FB7] =	sst s0  }
0x18: {  	s0 =	sld [smem:$0x3F9A];
	_ =	swait.ge [sflag:s4], $0x0  }
0x19: {  	s7 =	sld [smem:$0x3F9B]  }
0x1a: {  	s8 =	sadd.s32 $0xFFFFE003, lr  }
0x1b: {  	s9 =	sadd.s32 $0xFFFFFEF7, lr;
	s5 =	simm.s32 $0xFFFFFFFF;
	p2 =	slt.u32 s8, $0xFFFFF086  }
0x1c: {  	p1 =	slt.u32 s9, $0xF7A;
	s5 =	simm.s32 @!p2 $0x0  }
0x1d: {  	s5 =	simm.s32 @p1 $0x1;
	p0 =	seq.s32 s7, s2  }
0x1e: {  	s7 =	smul.u32 @!p0 $0xF7A, s2;
	p2 =	seq.s32 @!p0 s5, $0x0  }
0x1f: {  	s9 =	smul.u32 $0xF7A, s1;
	s8 =	simm.s32 @!p0 $0x1BF5;
	p2 =	por !p2, p0  }
0x20: {  	[sflag:s8] =	ssyncset.s32 @!p0 $0xFFFFF086;
	s6 =	sadd.s32 @!p0 s3, s7;
	s7 =	simm.s32 @!p0 $0x108  }
0x21: {  	s3 =	sadd.s32 s3, s9;
	s6 =	sadd.s32 @!p0 $0x88, s6;
	s7 =	simm.s32 @p2 $0x1082  }
0x22: {  	[simem:s7], [sflag:s8] =	dma.local @!p0 [hbm:s6], $0xF7A  }
0x23: {  	s9 =	sor.u32 $0xD0000000, s2;
	s6 =	simm.s32 $0x108;
	_ =	swait.ge @!p0 [sflag:s8], $0x0  }
0x24: {  	s3 =	sadd.s32 $0x88, s3;
	s6 =	simm.s32 @!p1 $0x1082;
	[sflag:s4] =	ssyncset.s32 $0xFFFFF086  }
0x25: {  	[simem:s6], [sflag:s4] =	dma.local [hbm:s3], $0xF7A  }
0x26: {  	[smem:$0x3F9B] =	sst s1;
	(tag) =	ssettag s2;
	_ =	strace s9  }
0x27: {  	s1 =	sld [smem:$0x3FAB]  }
0x28: {  	s2 =	sld [smem:$0x3FAC]  }
0x29: {  	s4 =	sld [smem:$0x3FAE]  }
0x2a: {  	p0 =	seq.s32 s5, $0x0;
	s5 =	sld [smem:$0x3FAF]  }
0x2b: {  	s6 =	sld [smem:$0x3FB0]  }
0x2c: {  	s7 =	sld [smem:$0x3FB1]  }
0x2d: {  	s3 =	simm.s32 $0x108;
	s8 =	sld [smem:$0x3FB2]  }
0x2e: {  	s3 =	simm.s32 @!p0 $0x1082;
	s9 =	sld [smem:$0x3FB3]  }
0x2f: {  	lr =	sadd.s32 s0, s3;
	s0 =	sld [smem:$0x3FAA]  }
0x30: {  	s3 =	sld [smem:$0x3FAD]  }
0x31: {  	[smem:$0x3FB6] =	sst s10  }
0x32: {  	s10 =	sld [smem:$0x3FB4];
	_ =	sdelay $0x3  }
0x33: {  	p0 =	seq.s32 s10, $0x1;
	s10 =	sld [smem:$0x3FB6];
	_ =	sdelay $0x3  }
0x34: {  	[smem:$0x3FB6] =	sst s10  }
0x35: {  	s10 =	sld [smem:$0x3FB5];
	_ =	sdelay $0x3  }
0x36: {  	p1 =	seq.s32 s10, $0x1;
	s10 =	sld [smem:$0x3FB6];
	_ =	sdelay $0x3  }
0x37: {  	[smem:$0x3FB6] =	sst s10  }
0x38: {  	s10 =	sld [smem:$0x3FB7]  }
0x39: {  	_ = 	snop;
	(pc) =	sbr.ind lr, $3  }
0x3a: {  	_ = 	snop  }
0x3b: {  	_ = 	snop  }
0x3c: {  	p2 =	seq.s32 s10, $0x1;
	s10 =	sld [smem:$0x3FB6]  }
0x3d: {  	_ =	shalt  }
0x3e: {  	_ =	shalt  }
0x3f: {  	_ =	shalt  }
0x40: {  	_ =	shalt  }
0x41: {  	_ =	shalt  }
0x42: {  	_ =	shalt  }
0x43: {  	_ =	shalt  }
0x44: {  	_ =	shalt  }
0x45: {  	_ =	shalt  }
0x46: {  	_ =	shalt  }
0x47: {  	_ =	shalt  }
0x48: {  	_ =	shalt  }
0x49: {  	_ =	shalt  }
0x4a: {  	_ =	shalt  }
0x4b: {  	_ =	shalt  }
0x4c: {  	_ =	shalt  }
0x4d: {  	_ =	shalt  }
0x4e: {  	_ =	shalt  }
0x4f: {  	_ =	shalt  }
0x50: {  	_ =	shalt  }
0x51: {  	_ =	shalt  }
0x52: {  	_ =	shalt  }
0x53: {  	_ =	shalt  }
0x54: {  	_ =	shalt  }
0x55: {  	_ =	shalt  }
0x56: {  	_ =	shalt  }
0x57: {  	_ =	shalt  }
0x58: {  	_ =	shalt  }
0x59: {  	_ =	shalt  }
0x5a: {  	_ =	shalt  }
0x5b: {  	_ =	shalt  }
0x5c: {  	_ =	shalt  }
0x5d: {  	_ =	shalt  }
0x5e: {  	_ =	shalt  }
0x5f: {  	_ =	shalt  }
0x60: {  	_ =	shalt  }
0x61: {  	_ =	shalt  }
0x62: {  	_ =	shalt  }
0x63: {  	_ =	shalt  }
0x64: {  	_ =	shalt  }
0x65: {  	_ =	shalt  }
0x66: {  	_ =	shalt  }
0x67: {  	_ =	shalt  }
0x68: {  	_ =	shalt  }
0x69: {  	_ =	shalt  }
0x6a: {  	_ =	shalt  }
0x6b: {  	_ =	shalt  }
0x6c: {  	_ =	shalt  }
0x6d: {  	_ =	shalt  }
0x6e: {  	_ =	shalt  }
0x6f: {  	_ =	shalt  }
0x70: {  	_ =	shalt  }
0x71: {  	_ =	shalt  }
0x72: {  	_ =	shalt  }
0x73: {  	_ =	shalt  }
0x74: {  	_ =	shalt  }
0x75: {  	_ =	shalt  }
0x76: {  	_ =	shalt  }
0x77: {  	_ =	shalt  }
0x78: {  	_ =	shalt  }
0x79: {  	_ =	shalt  }
0x7a: {  	_ =	shalt  }
0x7b: {  	_ =	shalt  }
0x7c: {  	_ =	shalt  }
0x7d: {  	_ =	shalt  }
0x7e: {  	_ =	shalt  }
0x7f: {  	_ =	shalt  }
0x80: {  	_ =	shalt  }
0x81: {  	_ =	shalt  }
0x82: {  	_ =	shalt  }
0x83: {  	_ =	shalt  }
0x84: {  	_ =	shalt  }
0x85: {  	_ =	shalt  }
0x86: {  	_ =	shalt  }
0x87: {  	_ =	shalt  }
.Lfunc_end0:
.L_simem_size_0:
called_computation.2_lowered:
.L_overlay_start_0:
0x88: {  	s2 =	sld [smem:$0x3FD9]  }
0x89: {  	s3 =	sld [smem:$0x3FFE];
	_ =	sdelay $0x1  }
0x8a: {  	s1 =	srdreg.scid  }
0x8b: {  	s0 =	sand.u32 $0x1, s1  }
0x8c: {  	s17 =	sshll.u32 s0, $0xA;
	s2 =	sadd.s32 s3, s2  }
0x8d: {  	s2 =	sadd.s32 s2, s17  }
0x8e: {  	[smem:$0x3FC2] =	sst s2  }
0x8f: {  	_ = 	snop  }
0x90: {  	s2 =	sld [smem:$0x3FD0];
	(tm) =	ssettm $0x1  }
0x91: {  	s18 =	sld [smem:$0x3FFB];
	_ =	sdelay $0x3  }
0x92: {  	_ =	strace s18  }
0x93: {  	s3 =	sld [smem:$0x3FFC];
	_ =	sdelay $0x3  }
0x94: {  	_ =	strace s3  }
0x95: {  	s3 =	sld [smem:$0x3FFD];
	_ =	sdelay $0x3  }
0x96: {  	_ =	strace s3  }
0x97: {  	_ =	strace $0x8FFFFFFF  }
0x98: {  	s19 =	sld [smem:$0x3FDB];
	_ =	sdelay $0x1  }
0x99: {  	s4 =	simm.s32 $_scs_section_size  }
0x9a: {  	s5 =	simm.s32 $_size__tile_overlayer_lowered;
	s6 =	simm.s32 $_tile_overlayer_lowered  }
0x9b: {  	s22 =	simm.s32 $0x1BFF;
	s21 =	sshll.u32 s6, $0x1;
	s3 =	sadd.s32 s4, s19  }
0x9c: {  	s7 =	simm.s32 $0x0;
	s20 =	sshll.u32 s5, $0x1;
	s5 =	sadd.s32 s21, s3  }
0x9d: {  	[timem:s7], [sflag:s22] =	dma.local [hbm:s5], s20  }
0x9e: {  	_ =	swait.ge [sflag:s22], s20  }
0x9f: {  	s4 =	ssub.s32 $0x0, s20;
	[sflag:s22] =	ssyncset.done $0x0  }
0xa0: {  	[sflag:s22] =	ssyncadd.s32 s4;
	_ =	sdelay $0x1  }
0xa1: {  	s23 =	simm.s32 $0x1B8B  }
0xa2: {  	_ =	swait.ge [sflag:s23], $0x1  }
0xa3: {  	[sflag:s23] =	ssyncset.done $0x0  }
0xa4: {  	s25 =	simm.s32 $0x1B8E;
	s24 =	sld [smem:$0x3FFE];
	[sflag:s23] =	ssyncadd.s32 $0xFFFFFFFF  }
0xa5: {  	s26 =	simm.s32 $execute0_lowered;
	[smem:$0x3FD2] =	sst s25  }
0xa6: {  	s5 =	sshll.u32 s26, $0x1;
	_ =	strace $0x8000004C;
	[dreg:$0x1] =	wrdreg $0xFFFFFFFF  }
0xa7: {  	s28 =	simm.s32 $_size_execute0_lowered;
	s3 =	sadd.s32 s3, s5;
	[dreg:$0x0] =	wrdreg $0x0  }
0xa8: {  	s5 =	sshll.u32 s28, $0x1;
	[dreg:$0x2] =	wrdreg s3  }
0xa9: {  	[dreg:$0x3] =	wrdreg s5  }
0xaa: {  	[dreg:$0x4] =	wrdreg $0xC0  }
0xab: {  	_ =	task [dreg:s7], $0x5FFFF  }
0xac: {  	[dreg:$0x1] =	wrdreg $0xFFFFFFFF  }
0xad: {  	[dreg:$0x0] =	wrdreg $0x60  }
0xae: {  	[dreg:$0x2] =	wrdreg s24  }
0xaf: {  	[dreg:$0x3] =	wrdreg s2  }
0xb0: {  	[dreg:$0x4] =	wrdreg $0x9  }
0xb1: {  	_ =	task.clear_ibuf [dreg:s7], $0x5FFFF;
	_ =	strace $0x9000004C  }
0xb2: {  	s29 =	simm.s32 $0x9;
	_ =	strace $0x8000004E  }
0xb3: {  	_ =	swait.ge [sflag:s29], $0x1  }
0xb4: {  	[sflag:s29] =	ssyncadd.s32 $0xFFFFFFFF  }
0xb5: {  	_ =	strace $0x9000004E  }
0xb6: {  	_ =	sfence  }
0xb7: {  	s30 =	sld [smem:$0x0];
	_ =	sdelay $0x2  }
0xb8: {  	s31 =	sshll.u32 s1, $0xD;
	s1 =	sshrl.u32 s1, $0x2  }
0xb9: {  	s3 =	sand.u32 $0x4000, s31;
	s1 =	sadd.s32 s1, s30  }
0xba: {  	s0 =	sor.u32 s3, s0;
	s1 =	sshll.u32 s1, $0x11  }
0xbb: {  	s0 =	sor.u32 s1, s0  }
0xbc: {  	s0 =	sadd.s32 $0x8F2B, s0  }
0xbd: {  	[sflag:s0] =	ssyncadd.remote.s32 $0x1  }
0xbe: {  	_ =	sfence.sel $0xFFFF  }
0xbf: {  	[dreg:$0x0] =	wrdreg $0xFFFFFFFF;
	(pc) =	sbr.abs _section_cstart, $3  }
0xc0: {  	[dreg:$0x1] =	wrdreg $0xFFFFFFFF  }
0xc1: {  	_ =	task.clear_ibuf [dreg:s7], $0x2FFFF;
	_ =	strace $0x9FFFFFFF  }
0xc2: {  	(tm) =	ssettm $0x7FFFFFFF  }
0xc3: {  	_ =	shalt  }
tec
execute0_lowered:
.L_overlay_start_1:
0x0: {  	(tag) =	ssettag $0x1  }
0x1: {  	s0 =	rddreg [dreg:$0x0]  }
0x2: {  	s1 =	rddreg [dreg:$0x1]  }
0x3: {  	s2 =	srdreg.scid;
	s3 =	stileid.u32  }
0x4: {  	s19 =	simm.s32 $0x3;
	s20 =	simm.s32 $0x2;
	s21 =	simm.s32 $0x4  }
0x5: {  	s23 =	simm.s32 $0x880;
	s24 =	simm.s32 $0x1080;
	s28 =	simm.s32 $0x2080  }
0x6: {  	s29 =	simm.s32 $0x2880;
	s30 =	simm.s32 $0x3080;
	s31 =	simm.s32 $0x3880  }
0x7: {  	s10 =	simm.s32 $0x5080;
	s11 =	simm.s32 $0x5880;
	s12 =	simm.s32 $0x6080  }
0x8: {  	s13 =	simm.s32 $0x6880;
	s14 =	simm.s32 $0x7080;
	s15 =	simm.s32 $0x7880  }
0x9: {  	s18 =	simm.s32 $0x8080;
	s16 =	simm.s32 $0x8880;
	s4 =	sand.u32 $0x1, s2  }
0xa: {  	s2 =	simm.s32 $0x0;
	s3 =	sshll.u32 s3, $0x8;
	s5 =	sshll.u32 s4, $0x7  }
0xb: {  	s17 =	simm.s32 $0x9080;
	[smem:$0x7FF] =	sst s2;
	s5 =	sor.u32 s5, s3  }
0xc: {  	s4 =	ssub.s32 $0x2, s4;
	_ =	strace $0x8000004D;
	s6 =	sshrl.u32 s5, $0x3  }
0xd: {  	s3 =	sadd.s32 $0x2400, s0;
	s5 =	sshll.u32 s5, $0x7;
	s6 =	sadd.s32 s6, s0  }
0xe: {  	s7 =	sshrl.u32 s4, $0x1;
	s1 =	sadd.s32 s5, s1;
	s6 =	sadd.s32 $0x22400, s6  }
0xf: {  	s7 =	ssub.s32 s4, s7;
	s5 =	sadd.s32 $0x100000, s1;
	[dreg:$0x3] =	wrdreg s6  }
0x10: {  	s4 =	sadd.s32 $0x2500, s0;
	s25 =	sadd.s32 $0x101000, s1;
	[dreg:$0x4] =	wrdreg s5  }
0x11: {  	s7 =	smax.u32 s7, $0x1;
	s8 =	sadd.s32 $0x102000, s1;
	[dreg:$0x5] =	wrdreg s25  }
0x12: {  	v2 =	vlaneseq.u32;
	s26 =	sadd.s32 $0x103000, s1;
	s1 =	simm.s32 $0x4880;
	[dreg:$0x6] =	wrdreg s8  }
0x13: {  	vm0 =	vmmov $0xffff;
	v1 =	vshrl.u32 v2, $0x3;
	s5 =	sadd.s32 $0x2600, s0;
	s6 =	sadd.s32 $0x2700, s0;
	[dreg:$0x7] =	wrdreg s26  }
0x14: {  	v0 =	vand.u32 $0x7, v2;
	v2 =	vor.u32 $0x8, v2;
	v1 =	vmul.u32 $0x8, v1;
	s8 =	simm.s32 $0x1;
	s25 =	simm.s32 $0x80;
	s26 =	simm.s32 $0x1880  }
.LBB2_1:
0x15: {  	s22 =	rddreg [dreg:$0x3];
	s0 =	simm.s32 $0x5  }
0x16: {  	[tilespmem:s2], [sflag:$0x5] =	stream.linear.gather [hbm4b:s22+s2], $0x80, $0x38;
	[tilespmem:$0x10080] =	vst v63  }
0x17: {  	_ =	swait.ge [sflag:s0], $0x80  }
0x18: {  	[sflag:s0] =	ssyncset.done $0x0  }
0x19: {  	[sflag:s0] =	ssyncadd.s32 $0xFFFFFF80  }
0x1a: {  	v3 =	vld [tilespmem:$0x0];
	_ =	sdelay $0x4  }
0x1b: {  	v4 =	vshll.u32 v3, $0x3  }
0x1c: {  	v3 =	vand.u32 $0x7, v3;
	v4 =	vand.u32 $0xFFFFFFC0, v4  }
0x1d: {  	v3 =	vor.u32 v3, v4  }
0x1e: {  	v4 =	vperm.xlane v3, v0;
	_ =	sdelay $0x1  }
0x1f: {  	v4 =	vadd.s32 v1, v4;
	_ =	sdelay $0x4  }
0x20: {  	[tilespmem:s25], [sflag:$0x1] =	stream.indirect_vreg.gather [hbm4b:s3+s2], $0x80, v4, vm0, $0xb8;
	[tilespmem:$0x10080] =	vst v63  }
0x21: {  	v3 =	vperm.xlane v3, v2  }
0x22: {  	[tilespmem:s23], [sflag:$0x1] =	stream.indirect_vreg.gather [hbm4b:s4+s2], $0x80, v4, vm0, $0xb8;
	[tilespmem:$0x10080] =	vst v63  }
0x23: {  	v3 =	vadd.s32 v1, v3  }
0x24: {  	[tilespmem:s24], [sflag:$0x1] =	stream.indirect_vreg.gather [hbm4b:s5+s2], $0x80, v4, vm0, $0xb8;
	[tilespmem:$0x10080] =	vst v63  }
0x25: {  	_ = 	snop  }
0x26: {  	[tilespmem:s26], [sflag:$0x1] =	stream.indirect_vreg.gather [hbm4b:s6+s2], $0x80, v4, vm0, $0xb8;
	[tilespmem:$0x10080] =	vst v63  }
0x27: {  	_ = 	snop  }
0x28: {  	[tilespmem:s28], [sflag:$0x1] =	stream.indirect_vreg.gather [hbm4b:s3+s2], $0x80, v3, vm0, $0xb8;
	[tilespmem:$0x10080] =	vst v63  }
0x29: {  	_ = 	snop  }
0x2a: {  	[tilespmem:s29], [sflag:$0x1] =	stream.indirect_vreg.gather [hbm4b:s4+s2], $0x80, v3, vm0, $0xb8;
	[tilespmem:$0x10080] =	vst v63  }
0x2b: {  	_ = 	snop  }
0x2c: {  	[tilespmem:s30], [sflag:$0x1] =	stream.indirect_vreg.gather [hbm4b:s5+s2], $0x80, v3, vm0, $0xb8;
	[tilespmem:$0x10080] =	vst v63  }
0x2d: {  	_ = 	snop  }
0x2e: {  	[tilespmem:s31], [sflag:$0x1] =	stream.indirect_vreg.gather [hbm4b:s6+s2], $0x80, v3, vm0, $0xb8;
	[tilespmem:$0x10080] =	vst v63  }
0x2f: {  	v3 =	vld [tilespmem:$0x10];
	_ =	sdelay $0x4  }
0x30: {  	v57 =	vshll.u32 v3, $0x3  }
0x31: {  	v3 =	vand.u32 $0x7, v3;
	v4 =	vand.u32 $0xFFFFFFC0, v57  }
0x32: {  	v3 =	vor.u32 v3, v4  }
0x33: {  	v4 =	vperm.xlane v3, v0;
	_ =	sdelay $0x1  }
0x34: {  	v4 =	vadd.s32 v1, v4;
	_ =	sdelay $0x3  }
0x35: {  	s0 =	simm.s32 $0x4080  }
0x36: {  	[tilespmem:s0], [sflag:$0x1] =	stream.indirect_vreg.gather [hbm4b:s3+s2], $0x80, v4, vm0, $0xb8;
	[tilespmem:$0x10080] =	vst v63  }
0x37: {  	v3 =	vperm.xlane v3, v2  }
0x38: {  	[tilespmem:s1], [sflag:$0x1] =	stream.indirect_vreg.gather [hbm4b:s4+s2], $0x80, v4, vm0, $0xb8;
	[tilespmem:$0x10080] =	vst v63  }
0x39: {  	v3 =	vadd.s32 v1, v3  }
0x3a: {  	[tilespmem:s10], [sflag:$0x1] =	stream.indirect_vreg.gather [hbm4b:s5+s2], $0x80, v4, vm0, $0xb8;
	[tilespmem:$0x10080] =	vst v63  }
0x3b: {  	_ = 	snop  }
0x3c: {  	[tilespmem:s11], [sflag:$0x1] =	stream.indirect_vreg.gather [hbm4b:s6+s2], $0x80, v4, vm0, $0xb8;
	[tilespmem:$0x10080] =	vst v63  }
0x3d: {  	_ = 	snop  }
0x3e: {  	[tilespmem:s12], [sflag:$0x1] =	stream.indirect_vreg.gather [hbm4b:s3+s2], $0x80, v3, vm0, $0xb8;
	[tilespmem:$0x10080] =	vst v63  }
0x3f: {  	_ = 	snop  }
0x40: {  	[tilespmem:s13], [sflag:$0x1] =	stream.indirect_vreg.gather [hbm4b:s4+s2], $0x80, v3, vm0, $0xb8;
	[tilespmem:$0x10080] =	vst v63  }
0x41: {  	_ = 	snop  }
0x42: {  	[tilespmem:s14], [sflag:$0x1] =	stream.indirect_vreg.gather [hbm4b:s5+s2], $0x80, v3, vm0, $0xb8;
	[tilespmem:$0x10080] =	vst v63  }
0x43: {  	_ = 	snop  }
0x44: {  	[tilespmem:s15], [sflag:$0x1] =	stream.indirect_vreg.gather [hbm4b:s6+s2], $0x80, v3, vm0, $0xb8;
	[tilespmem:$0x10080] =	vst v63  }
0x45: {  	v3 =	vld [tilespmem:$0x20];
	_ =	sdelay $0x4  }
0x46: {  	v58 =	vshll.u32 v3, $0x3  }
0x47: {  	v3 =	vand.u32 $0x7, v3;
	v4 =	vand.u32 $0xFFFFFFC0, v58  }
0x48: {  	v3 =	vor.u32 v3, v4  }
0x49: {  	v4 =	vperm.xlane v3, v0;
	_ =	sdelay $0x1  }
0x4a: {  	v4 =	vadd.s32 v1, v4;
	_ =	sdelay $0x4  }
0x4b: {  	[tilespmem:s18], [sflag:$0x2] =	stream.indirect_vreg.gather [hbm4b:s3+s2], $0x80, v4, vm0, $0xb8;
	[tilespmem:$0x10080] =	vst v63  }
0x4c: {  	v3 =	vperm.xlane v3, v2  }
0x4d: {  	[tilespmem:s16], [sflag:$0x2] =	stream.indirect_vreg.gather [hbm4b:s4+s2], $0x80, v4, vm0, $0xb8;
	[tilespmem:$0x10080] =	vst v63  }
0x4e: {  	v3 =	vadd.s32 v1, v3  }
0x4f: {  	[tilespmem:s17], [sflag:$0x2] =	stream.indirect_vreg.gather [hbm4b:s5+s2], $0x80, v4, vm0, $0xb8;
	[tilespmem:$0x10080] =	vst v63  }
0x50: {  	s9 =	simm.s32 $0x9880  }
0x51: {  	[tilespmem:s9], [sflag:$0x2] =	stream.indirect_vreg.gather [hbm4b:s6+s2], $0x80, v4, vm0, $0xb8;
	[tilespmem:$0x10080] =	vst v63  }
0x52: {  	s9 =	simm.s32 $0xA080  }
0x53: {  	[tilespmem:s9], [sflag:$0x2] =	stream.indirect_vreg.gather [hbm4b:s3+s2], $0x80, v3, vm0, $0xb8;
	[tilespmem:$0x10080] =	vst v63  }
0x54: {  	s22 =	simm.s32 $0xA880  }
0x55: {  	[tilespmem:s22], [sflag:$0x2] =	stream.indirect_vreg.gather [hbm4b:s4+s2], $0x80, v3, vm0, $0xb8;
	[tilespmem:$0x10080] =	vst v63  }
0x56: {  	s22 =	simm.s32 $0xB080  }
0x57: {  	[tilespmem:s22], [sflag:$0x2] =	stream.indirect_vreg.gather [hbm4b:s5+s2], $0x80, v3, vm0, $0xb8;
	[tilespmem:$0x10080] =	vst v63  }
0x58: {  	s22 =	simm.s32 $0xB880  }
0x59: {  	[tilespmem:s22], [sflag:$0x2] =	stream.indirect_vreg.gather [hbm4b:s6+s2], $0x80, v3, vm0, $0xb8;
	[tilespmem:$0x10080] =	vst v63  }
0x5a: {  	v3 =	vld [tilespmem:$0x30];
	_ =	sdelay $0x4  }
0x5b: {  	v59 =	vshll.u32 v3, $0x3  }
0x5c: {  	v3 =	vand.u32 $0x7, v3;
	v4 =	vand.u32 $0xFFFFFFC0, v59  }
0x5d: {  	v3 =	vor.u32 v3, v4  }
0x5e: {  	v4 =	vperm.xlane v3, v0;
	_ =	sdelay $0x1  }
0x5f: {  	v4 =	vadd.s32 v1, v4;
	_ =	sdelay $0x3  }
0x60: {  	s22 =	simm.s32 $0xC080  }
0x61: {  	[tilespmem:s22], [sflag:$0x2] =	stream.indirect_vreg.gather [hbm4b:s3+s2], $0x80, v4, vm0, $0xb8;
	[tilespmem:$0x10080] =	vst v63  }
0x62: {  	v3 =	vperm.xlane v3, v2;
	s22 =	simm.s32 $0xC880  }
0x63: {  	[tilespmem:s22], [sflag:$0x2] =	stream.indirect_vreg.gather [hbm4b:s4+s2], $0x80, v4, vm0, $0xb8;
	[tilespmem:$0x10080] =	vst v63  }
0x64: {  	v3 =	vadd.s32 v1, v3;
	s22 =	simm.s32 $0xD080  }
0x65: {  	[tilespmem:s22], [sflag:$0x2] =	stream.indirect_vreg.gather [hbm4b:s5+s2], $0x80, v4, vm0, $0xb8;
	[tilespmem:$0x10080] =	vst v63  }
0x66: {  	s22 =	simm.s32 $0xD880  }
0x67: {  	[tilespmem:s22], [sflag:$0x2] =	stream.indirect_vreg.gather [hbm4b:s6+s2], $0x80, v4, vm0, $0xb8;
	[tilespmem:$0x10080] =	vst v63  }
0x68: {  	s22 =	simm.s32 $0xE080  }
0x69: {  	[tilespmem:s22], [sflag:$0x2] =	stream.indirect_vreg.gather [hbm4b:s3+s2], $0x80, v3, vm0, $0xb8;
	[tilespmem:$0x10080] =	vst v63  }
0x6a: {  	s22 =	simm.s32 $0xE880  }
0x6b: {  	[tilespmem:s22], [sflag:$0x2] =	stream.indirect_vreg.gather [hbm4b:s4+s2], $0x80, v3, vm0, $0xb8;
	[tilespmem:$0x10080] =	vst v63  }
0x6c: {  	s22 =	simm.s32 $0xF080  }
0x6d: {  	[tilespmem:s22], [sflag:$0x2] =	stream.indirect_vreg.gather [hbm4b:s5+s2], $0x80, v3, vm0, $0xb8;
	[tilespmem:$0x10080] =	vst v63  }
0x6e: {  	s22 =	simm.s32 $0xF880  }
0x6f: {  	[tilespmem:s22], [sflag:$0x2] =	stream.indirect_vreg.gather [hbm4b:s6+s2], $0x80, v3, vm0, $0xb8;
	[tilespmem:$0x10080] =	vst v63  }
0x70: {  	_ =	swait.ge [sflag:s8], $0x8000  }
0x71: {  	[sflag:s8] =	ssyncset.done $0x0  }
0x72: {  	s22 =	rddreg [dreg:$0x4];
	[sflag:s8] =	ssyncadd.s32 $0xFFFF8000  }
0x73: {  	[hbm4b:s22+s2] =	stream.linear.scatter [tilespmem:s25], [sflag:$0x3], $0x8000, $0x38;
	[tilespmem:$0x10080] =	vst v63  }
0x74: {  	_ =	swait.ge [sflag:s19], $0x8000  }
0x75: {  	[sflag:s19] =	ssyncset.done $0x0  }
0x76: {  	[sflag:s19] =	ssyncadd.s32 $0xFFFF8000  }
0x77: {  	v3 =	vld [tilespmem:$0x40];
	_ =	sdelay $0x4  }
0x78: {  	v60 =	vshll.u32 v3, $0x3  }
0x79: {  	v3 =	vand.u32 $0x7, v3;
	v4 =	vand.u32 $0xFFFFFFC0, v60  }
0x7a: {  	v3 =	vor.u32 v3, v4  }
0x7b: {  	v4 =	vperm.xlane v3, v0;
	_ =	sdelay $0x1  }
0x7c: {  	v4 =	vadd.s32 v1, v4;
	_ =	sdelay $0x4  }
0x7d: {  	[tilespmem:s25], [sflag:$0x1] =	stream.indirect_vreg.gather [hbm4b:s3+s2], $0x80, v4, vm0, $0xb8;
	[tilespmem:$0x10080] =	vst v63  }
0x7e: {  	v3 =	vperm.xlane v3, v2  }
0x7f: {  	[tilespmem:s23], [sflag:$0x1] =	stream.indirect_vreg.gather [hbm4b:s4+s2], $0x80, v4, vm0, $0xb8;
	[tilespmem:$0x10080] =	vst v63  }
0x80: {  	v3 =	vadd.s32 v1, v3  }
0x81: {  	[tilespmem:s24], [sflag:$0x1] =	stream.indirect_vreg.gather [hbm4b:s5+s2], $0x80, v4, vm0, $0xb8;
	[tilespmem:$0x10080] =	vst v63  }
0x82: {  	_ = 	snop  }
0x83: {  	[tilespmem:s26], [sflag:$0x1] =	stream.indirect_vreg.gather [hbm4b:s6+s2], $0x80, v4, vm0, $0xb8;
	[tilespmem:$0x10080] =	vst v63  }
0x84: {  	_ = 	snop  }
0x85: {  	[tilespmem:s28], [sflag:$0x1] =	stream.indirect_vreg.gather [hbm4b:s3+s2], $0x80, v3, vm0, $0xb8;
	[tilespmem:$0x10080] =	vst v63  }
0x86: {  	_ = 	snop  }
0x87: {  	[tilespmem:s29], [sflag:$0x1] =	stream.indirect_vreg.gather [hbm4b:s4+s2], $0x80, v3, vm0, $0xb8;
	[tilespmem:$0x10080] =	vst v63  }
0x88: {  	_ = 	snop  }
0x89: {  	[tilespmem:s30], [sflag:$0x1] =	stream.indirect_vreg.gather [hbm4b:s5+s2], $0x80, v3, vm0, $0xb8;
	[tilespmem:$0x10080] =	vst v63  }
0x8a: {  	_ = 	snop  }
0x8b: {  	[tilespmem:s31], [sflag:$0x1] =	stream.indirect_vreg.gather [hbm4b:s6+s2], $0x80, v3, vm0, $0xb8;
	[tilespmem:$0x10080] =	vst v63  }
0x8c: {  	v3 =	vld [tilespmem:$0x50];
	_ =	sdelay $0x4  }
0x8d: {  	v61 =	vshll.u32 v3, $0x3  }
0x8e: {  	v3 =	vand.u32 $0x7, v3;
	v4 =	vand.u32 $0xFFFFFFC0, v61  }
0x8f: {  	v3 =	vor.u32 v3, v4  }
0x90: {  	v4 =	vperm.xlane v3, v0;
	_ =	sdelay $0x1  }
0x91: {  	v4 =	vadd.s32 v1, v4;
	_ =	sdelay $0x4  }
0x92: {  	[tilespmem:s0], [sflag:$0x1] =	stream.indirect_vreg.gather [hbm4b:s3+s2], $0x80, v4, vm0, $0xb8;
	[tilespmem:$0x10080] =	vst v63  }
0x93: {  	v3 =	vperm.xlane v3, v2  }
0x94: {  	[tilespmem:s1], [sflag:$0x1] =	stream.indirect_vreg.gather [hbm4b:s4+s2], $0x80, v4, vm0, $0xb8;
	[tilespmem:$0x10080] =	vst v63  }
0x95: {  	v3 =	vadd.s32 v1, v3  }
0x96: {  	[tilespmem:s10], [sflag:$0x1] =	stream.indirect_vreg.gather [hbm4b:s5+s2], $0x80, v4, vm0, $0xb8;
	[tilespmem:$0x10080] =	vst v63  }
0x97: {  	_ = 	snop  }
0x98: {  	[tilespmem:s11], [sflag:$0x1] =	stream.indirect_vreg.gather [hbm4b:s6+s2], $0x80, v4, vm0, $0xb8;
	[tilespmem:$0x10080] =	vst v63  }
0x99: {  	_ = 	snop  }
0x9a: {  	[tilespmem:s12], [sflag:$0x1] =	stream.indirect_vreg.gather [hbm4b:s3+s2], $0x80, v3, vm0, $0xb8;
	[tilespmem:$0x10080] =	vst v63  }
0x9b: {  	_ = 	snop  }
0x9c: {  	[tilespmem:s13], [sflag:$0x1] =	stream.indirect_vreg.gather [hbm4b:s4+s2], $0x80, v3, vm0, $0xb8;
	[tilespmem:$0x10080] =	vst v63  }
0x9d: {  	_ = 	snop  }
0x9e: {  	[tilespmem:s14], [sflag:$0x1] =	stream.indirect_vreg.gather [hbm4b:s5+s2], $0x80, v3, vm0, $0xb8;
	[tilespmem:$0x10080] =	vst v63  }
0x9f: {  	_ = 	snop  }
0xa0: {  	[tilespmem:s15], [sflag:$0x1] =	stream.indirect_vreg.gather [hbm4b:s6+s2], $0x80, v3, vm0, $0xb8;
	[tilespmem:$0x10080] =	vst v63  }
0xa1: {  	_ =	swait.ge [sflag:s20], $0x8000  }
0xa2: {  	[sflag:s20] =	ssyncset.done $0x0  }
0xa3: {  	s0 =	rddreg [dreg:$0x5];
	[sflag:s20] =	ssyncadd.s32 $0xFFFF8000  }
0xa4: {  	[hbm4b:s0+s2] =	stream.linear.scatter [tilespmem:s18], [sflag:$0x4], $0x8000, $0x38;
	[tilespmem:$0x10080] =	vst v63  }
0xa5: {  	_ =	swait.ge [sflag:s21], $0x8000  }
0xa6: {  	[sflag:s21] =	ssyncset.done $0x0  }
0xa7: {  	[sflag:s21] =	ssyncadd.s32 $0xFFFF8000  }
0xa8: {  	v3 =	vld [tilespmem:$0x60];
	_ =	sdelay $0x4  }
0xa9: {  	v62 =	vshll.u32 v3, $0x3  }
0xaa: {  	v3 =	vand.u32 $0x7, v3;
	v4 =	vand.u32 $0xFFFFFFC0, v62  }
0xab: {  	v3 =	vor.u32 v3, v4  }
0xac: {  	v4 =	vperm.xlane v3, v0;
	_ =	sdelay $0x1  }
0xad: {  	v4 =	vadd.s32 v1, v4;
	_ =	sdelay $0x4  }
0xae: {  	[tilespmem:s18], [sflag:$0x2] =	stream.indirect_vreg.gather [hbm4b:s3+s2], $0x80, v4, vm0, $0xb8;
	[tilespmem:$0x10080] =	vst v63  }
0xaf: {  	v3 =	vperm.xlane v3, v2  }
0xb0: {  	[tilespmem:s16], [sflag:$0x2] =	stream.indirect_vreg.gather [hbm4b:s4+s2], $0x80, v4, vm0, $0xb8;
	[tilespmem:$0x10080] =	vst v63  }
0xb1: {  	v3 =	vadd.s32 v1, v3  }
0xb2: {  	[tilespmem:s17], [sflag:$0x2] =	stream.indirect_vreg.gather [hbm4b:s5+s2], $0x80, v4, vm0, $0xb8;
	[tilespmem:$0x10080] =	vst v63  }
0xb3: {  	s22 =	simm.s32 $0x9880  }
0xb4: {  	[tilespmem:s22], [sflag:$0x2] =	stream.indirect_vreg.gather [hbm4b:s6+s2], $0x80, v4, vm0, $0xb8;
	[tilespmem:$0x10080] =	vst v63  }
0xb5: {  	_ = 	snop  }
0xb6: {  	[tilespmem:s9], [sflag:$0x2] =	stream.indirect_vreg.gather [hbm4b:s3+s2], $0x80, v3, vm0, $0xb8;
	[tilespmem:$0x10080] =	vst v63  }
0xb7: {  	s22 =	simm.s32 $0xA880  }
0xb8: {  	[tilespmem:s22], [sflag:$0x2] =	stream.indirect_vreg.gather [hbm4b:s4+s2], $0x80, v3, vm0, $0xb8;
	[tilespmem:$0x10080] =	vst v63  }
0xb9: {  	s9 =	simm.s32 $0xB080  }
0xba: {  	[tilespmem:s9], [sflag:$0x2] =	stream.indirect_vreg.gather [hbm4b:s5+s2], $0x80, v3, vm0, $0xb8;
	[tilespmem:$0x10080] =	vst v63  }
0xbb: {  	s22 =	simm.s32 $0xB880  }
0xbc: {  	[tilespmem:s22], [sflag:$0x2] =	stream.indirect_vreg.gather [hbm4b:s6+s2], $0x80, v3, vm0, $0xb8;
	[tilespmem:$0x10080] =	vst v63  }
0xbd: {  	v3 =	vld [tilespmem:$0x70];
	_ =	sdelay $0x4  }
0xbe: {  	v63 =	vshll.u32 v3, $0x3  }
0xbf: {  	v3 =	vand.u32 $0x7, v3;
	v4 =	vand.u32 $0xFFFFFFC0, v63  }
0xc0: {  	v3 =	vor.u32 v3, v4  }
0xc1: {  	v4 =	vperm.xlane v3, v0;
	_ =	sdelay $0x1  }
0xc2: {  	v4 =	vadd.s32 v1, v4;
	_ =	sdelay $0x3  }
0xc3: {  	s9 =	simm.s32 $0xC080  }
0xc4: {  	[tilespmem:s9], [sflag:$0x2] =	stream.indirect_vreg.gather [hbm4b:s3+s2], $0x80, v4, vm0, $0xb8;
	[tilespmem:$0x10080] =	vst v63  }
0xc5: {  	s22 =	simm.s32 $0xC880;
	v3 =	vperm.xlane v3, v2  }
0xc6: {  	[tilespmem:s22], [sflag:$0x2] =	stream.indirect_vreg.gather [hbm4b:s4+s2], $0x80, v4, vm0, $0xb8;
	[tilespmem:$0x10080] =	vst v63  }
0xc7: {  	v3 =	vadd.s32 v1, v3;
	s9 =	simm.s32 $0xD080  }
0xc8: {  	[tilespmem:s9], [sflag:$0x2] =	stream.indirect_vreg.gather [hbm4b:s5+s2], $0x80, v4, vm0, $0xb8;
	[tilespmem:$0x10080] =	vst v63  }
0xc9: {  	s22 =	simm.s32 $0xD880  }
0xca: {  	[tilespmem:s22], [sflag:$0x2] =	stream.indirect_vreg.gather [hbm4b:s6+s2], $0x80, v4, vm0, $0xb8;
	[tilespmem:$0x10080] =	vst v63  }
0xcb: {  	s9 =	simm.s32 $0xE080  }
0xcc: {  	[tilespmem:s9], [sflag:$0x2] =	stream.indirect_vreg.gather [hbm4b:s3+s2], $0x80, v3, vm0, $0xb8;
	[tilespmem:$0x10080] =	vst v63  }
0xcd: {  	s22 =	simm.s32 $0xE880  }
0xce: {  	[tilespmem:s22], [sflag:$0x2] =	stream.indirect_vreg.gather [hbm4b:s4+s2], $0x80, v3, vm0, $0xb8;
	[tilespmem:$0x10080] =	vst v63  }
0xcf: {  	s9 =	simm.s32 $0xF080  }
0xd0: {  	[tilespmem:s9], [sflag:$0x2] =	stream.indirect_vreg.gather [hbm4b:s5+s2], $0x80, v3, vm0, $0xb8;
	[tilespmem:$0x10080] =	vst v63  }
0xd1: {  	s22 =	simm.s32 $0xF880  }
0xd2: {  	[tilespmem:s22], [sflag:$0x2] =	stream.indirect_vreg.gather [hbm4b:s6+s2], $0x80, v3, vm0, $0xb8;
	[tilespmem:$0x10080] =	vst v63  }
0xd3: {  	_ =	swait.ge [sflag:s8], $0x8000  }
0xd4: {  	[sflag:s8] =	ssyncset.done $0x0  }
0xd5: {  	s0 =	rddreg [dreg:$0x6];
	[sflag:s8] =	ssyncadd.s32 $0xFFFF8000  }
0xd6: {  	[hbm4b:s0+s2] =	stream.linear.scatter [tilespmem:s25], [sflag:$0x3], $0x8000, $0x38;
	[tilespmem:$0x10080] =	vst v63  }
0xd7: {  	_ =	swait.ge [sflag:s20], $0x8000  }
0xd8: {  	[sflag:s20] =	ssyncset.done $0x0  }
0xd9: {  	s9 =	rddreg [dreg:$0x7];
	[sflag:s20] =	ssyncadd.s32 $0xFFFF8000  }
0xda: {  	[hbm4b:s9+s2] =	stream.linear.scatter [tilespmem:s18], [sflag:$0x4], $0x8000, $0x38;
	[tilespmem:$0x10080] =	vst v63  }
0xdb: {  	p0 =	sne.s32 s7, $0x1;
	_ =	swait.ge [sflag:s19], $0x8000  }
.Ltmp0:
0xdc: {  	[sflag:s19] =	ssyncset.done $0x0;
	(pc) =	sbr.rel @p0 .LBB2_1-.Ltmp0, $4  }
0xdd: {  	[sflag:s19] =	ssyncadd.s32 $0xFFFF8000  }
0xde: {  	_ =	swait.ge [sflag:s21], $0x8000  }
0xdf: {  	[sflag:s21] =	ssyncset.done $0x0  }
0xe0: {  	s7 =	sadd.s32 $0xFFFFFFFF, s7;
	[sflag:s21] =	ssyncadd.s32 $0xFFFF8000  }
0xe1: {  	_ =	sfence.sel $0x180000  }
0xe2: {  	[bflag:$0x0] =	sbarrier.arrive $0xFFFF  }
0xe3: {  	_ =	strace $0x9000004D  }
0xe4: {  	s0 =	stileid.u32;
	[bflag:$0x2] =	sbarrier.arrive $0xFFFF  }
0xe5: {  	p0 =	sne.s32 s0, $0x0;
	s0 =	rddreg [dreg:$0x2]  }
0xe6: {  	s0 =	sadd.s32 @!p0 $0x100000, s0  }
0xe7: {  	[sflag:s0] =	ssyncadd.tile.s32 @!p0 $0x1;
	_ =	shalt  }
.Lfunc_end2:
_tile_overlayer_lowered:
.L_overlay_start_2:
0xe8: {  	(tag) =	ssettag $0x2  }
0xe9: {  	s0 =	rddreg [dreg:$0x0];
	s2 =	stileid.u32  }
0xea: {  	s1 =	rddreg [dreg:$0x1];
	p0 =	sne.s32 s2, $0x0  }
0xeb: {  	s3 =	rddreg [dreg:$0x2];
	[bflag:$0x3] =	sbarrier.arrive $0xFFFF;
	s2 =	simm.s32 @!p0 $0x1C05  }
0xec: {  	[timem:s3], [sflag:s2] =	dma.local @!p0 [hbm:s0], s1  }
0xed: {  	s0 =	simm.s32 @!p0 $0x5  }
0xee: {  	_ =	swait.ge @!p0 [sflag:s0], s1  }
0xef: {  	s1 =	ssub.s32 @!p0 $0x0, s1;
	[sflag:s0] =	ssyncset.done @!p0 $0x0  }
0xf0: {  	[sflag:s0] =	ssyncadd.s32 @!p0 s1  }
0xf1: {  	[bflag:$0x3] =	sbarrier.arrive $0xFFFF  }
0xf2: {  	_ =	shalt  }

// kernel: kernel.20.cloned.1.call-start
scs
__scs_entry_jumppad:
0x0: {  	(pc) =	sbr.rel $0x88, $3  }
0x1: {  	(tag) =	ssettag $0x0;
	lr =	simm.s32 $0x1  }
0x2: {  	[smem:$0x3F9B] =	sst lr;
	_ =	strace $0xD0000000  }
0x3: {  	_ = 	snop  }
0x4: {  	_ = 	snop  }
0x5: {  	_ = 	snop  }
0x6: {  	_ = 	snop  }
0x7: {  	_ = 	snop  }
__scs_overlays_trampoline_lowered:
0x8: {  	[smem:$0x3FAA] =	sst s0  }
0x9: {  	[smem:$0x3FAB] =	sst s1  }
0xa: {  	[smem:$0x3FAC] =	sst s2  }
0xb: {  	[smem:$0x3FAD] =	sst s3  }
0xc: {  	[smem:$0x3FAE] =	sst s4  }
0xd: {  	[smem:$0x3FAF] =	sst s5  }
0xe: {  	[smem:$0x3FB0] =	sst s6  }
0xf: {  	[smem:$0x3FB1] =	sst s7  }
0x10: {  	[smem:$0x3FB2] =	sst s8  }
0x11: {  	[smem:$0x3FB3] =	sst s9;
	s0 =	simm.s32 @!p0 $0x0  }
0x12: {  	s1 =	sld [smem:$0x3F99];
	s0 =	simm.s32 @p0 $0x1  }
0x13: {  	[smem:$0x3FB4] =	sst s0;
	s0 =	simm.s32 @!p1 $0x0  }
0x14: {  	s2 =	sld [smem:$0x3F98];
	s0 =	simm.s32 @p1 $0x1  }
0x15: {  	[smem:$0x3FB5] =	sst s0;
	s0 =	simm.s32 @!p2 $0x0  }
0x16: {  	s3 =	sld [smem:$0x3FDB];
	s0 =	simm.s32 @p2 $0x1  }
0x17: {  	s4 =	simm.s32 $0x1BF5;
	[smem:$0x3FB7] =	sst s0  }
0x18: {  	s0 =	sld [smem:$0x3F9A];
	_ =	swait.ge [sflag:s4], $0x0  }
0x19: {  	s7 =	sld [smem:$0x3F9B]  }
0x1a: {  	s8 =	sadd.s32 $0xFFFFE003, lr  }
0x1b: {  	s9 =	sadd.s32 $0xFFFFFEF7, lr;
	s5 =	simm.s32 $0xFFFFFFFF;
	p2 =	slt.u32 s8, $0xFFFFF086  }
0x1c: {  	p1 =	slt.u32 s9, $0xF7A;
	s5 =	simm.s32 @!p2 $0x0  }
0x1d: {  	s5 =	simm.s32 @p1 $0x1;
	p0 =	seq.s32 s7, s2  }
0x1e: {  	s7 =	smul.u32 @!p0 $0xF7A, s2;
	p2 =	seq.s32 @!p0 s5, $0x0  }
0x1f: {  	s9 =	smul.u32 $0xF7A, s1;
	s8 =	simm.s32 @!p0 $0x1BF5;
	p2 =	por !p2, p0  }
0x20: {  	[sflag:s8] =	ssyncset.s32 @!p0 $0xFFFFF086;
	s6 =	sadd.s32 @!p0 s3, s7;
	s7 =	simm.s32 @!p0 $0x108  }
0x21: {  	s3 =	sadd.s32 s3, s9;
	s6 =	sadd.s32 @!p0 $0x88, s6;
	s7 =	simm.s32 @p2 $0x1082  }
0x22: {  	[simem:s7], [sflag:s8] =	dma.local @!p0 [hbm:s6], $0xF7A  }
0x23: {  	s9 =	sor.u32 $0xD0000000, s2;
	s6 =	simm.s32 $0x108;
	_ =	swait.ge @!p0 [sflag:s8], $0x0  }
0x24: {  	s3 =	sadd.s32 $0x88, s3;
	s6 =	simm.s32 @!p1 $0x1082;
	[sflag:s4] =	ssyncset.s32 $0xFFFFF086  }
0x25: {  	[simem:s6], [sflag:s4] =	dma.local [hbm:s3], $0xF7A  }
0x26: {  	[smem:$0x3F9B] =	sst s1;
	(tag) =	ssettag s2;
	_ =	strace s9  }
0x27: {  	s1 =	sld [smem:$0x3FAB]  }
0x28: {  	s2 =	sld [smem:$0x3FAC]  }
0x29: {  	s4 =	sld [smem:$0x3FAE]  }
0x2a: {  	p0 =	seq.s32 s5, $0x0;
	s5 =	sld [smem:$0x3FAF]  }
0x2b: {  	s6 =	sld [smem:$0x3FB0]  }
0x2c: {  	s7 =	sld [smem:$0x3FB1]  }
0x2d: {  	s3 =	simm.s32 $0x108;
	s8 =	sld [smem:$0x3FB2]  }
0x2e: {  	s3 =	simm.s32 @!p0 $0x1082;
	s9 =	sld [smem:$0x3FB3]  }
0x2f: {  	lr =	sadd.s32 s0, s3;
	s0 =	sld [smem:$0x3FAA]  }
0x30: {  	s3 =	sld [smem:$0x3FAD]  }
0x31: {  	[smem:$0x3FB6] =	sst s10  }
0x32: {  	s10 =	sld [smem:$0x3FB4];
	_ =	sdelay $0x3  }
0x33: {  	p0 =	seq.s32 s10, $0x1;
	s10 =	sld [smem:$0x3FB6];
	_ =	sdelay $0x3  }
0x34: {  	[smem:$0x3FB6] =	sst s10  }
0x35: {  	s10 =	sld [smem:$0x3FB5];
	_ =	sdelay $0x3  }
0x36: {  	p1 =	seq.s32 s10, $0x1;
	s10 =	sld [smem:$0x3FB6];
	_ =	sdelay $0x3  }
0x37: {  	[smem:$0x3FB6] =	sst s10  }
0x38: {  	s10 =	sld [smem:$0x3FB7]  }
0x39: {  	_ = 	snop;
	(pc) =	sbr.ind lr, $3  }
0x3a: {  	_ = 	snop  }
0x3b: {  	_ = 	snop  }
0x3c: {  	p2 =	seq.s32 s10, $0x1;
	s10 =	sld [smem:$0x3FB6]  }
0x3d: {  	_ =	shalt  }
0x3e: {  	_ =	shalt  }
0x3f: {  	_ =	shalt  }
0x40: {  	_ =	shalt  }
0x41: {  	_ =	shalt  }
0x42: {  	_ =	shalt  }
0x43: {  	_ =	shalt  }
0x44: {  	_ =	shalt  }
0x45: {  	_ =	shalt  }
0x46: {  	_ =	shalt  }
0x47: {  	_ =	shalt  }
0x48: {  	_ =	shalt  }
0x49: {  	_ =	shalt  }
0x4a: {  	_ =	shalt  }
0x4b: {  	_ =	shalt  }
0x4c: {  	_ =	shalt  }
0x4d: {  	_ =	shalt  }
0x4e: {  	_ =	shalt  }
0x4f: {  	_ =	shalt  }
0x50: {  	_ =	shalt  }
0x51: {  	_ =	shalt  }
0x52: {  	_ =	shalt  }
0x53: {  	_ =	shalt  }
0x54: {  	_ =	shalt  }
0x55: {  	_ =	shalt  }
0x56: {  	_ =	shalt  }
0x57: {  	_ =	shalt  }
0x58: {  	_ =	shalt  }
0x59: {  	_ =	shalt  }
0x5a: {  	_ =	shalt  }
0x5b: {  	_ =	shalt  }
0x5c: {  	_ =	shalt  }
0x5d: {  	_ =	shalt  }
0x5e: {  	_ =	shalt  }
0x5f: {  	_ =	shalt  }
0x60: {  	_ =	shalt  }
0x61: {  	_ =	shalt  }
0x62: {  	_ =	shalt  }
0x63: {  	_ =	shalt  }
0x64: {  	_ =	shalt  }
0x65: {  	_ =	shalt  }
0x66: {  	_ =	shalt  }
0x67: {  	_ =	shalt  }
0x68: {  	_ =	shalt  }
0x69: {  	_ =	shalt  }
0x6a: {  	_ =	shalt  }
0x6b: {  	_ =	shalt  }
0x6c: {  	_ =	shalt  }
0x6d: {  	_ =	shalt  }
0x6e: {  	_ =	shalt  }
0x6f: {  	_ =	shalt  }
0x70: {  	_ =	shalt  }
0x71: {  	_ =	shalt  }
0x72: {  	_ =	shalt  }
0x73: {  	_ =	shalt  }
0x74: {  	_ =	shalt  }
0x75: {  	_ =	shalt  }
0x76: {  	_ =	shalt  }
0x77: {  	_ =	shalt  }
0x78: {  	_ =	shalt  }
0x79: {  	_ =	shalt  }
0x7a: {  	_ =	shalt  }
0x7b: {  	_ =	shalt  }
0x7c: {  	_ =	shalt  }
0x7d: {  	_ =	shalt  }
0x7e: {  	_ =	shalt  }
0x7f: {  	_ =	shalt  }
0x80: {  	_ =	shalt  }
0x81: {  	_ =	shalt  }
0x82: {  	_ =	shalt  }
0x83: {  	_ =	shalt  }
0x84: {  	_ =	shalt  }
0x85: {  	_ =	shalt  }
0x86: {  	_ =	shalt  }
0x87: {  	_ =	shalt  }
.Lfunc_end0:
.L_simem_size_0:
called_computation.3_lowered:
.L_overlay_start_0:
0x88: {  	s2 =	sld [smem:$0x3FD9]  }
0x89: {  	s3 =	sld [smem:$0x3FFE];
	_ =	sdelay $0x1  }
0x8a: {  	s1 =	srdreg.scid  }
0x8b: {  	s0 =	sand.u32 $0x1, s1  }
0x8c: {  	s17 =	sshll.u32 s0, $0xA;
	s2 =	sadd.s32 s3, s2  }
0x8d: {  	s2 =	sadd.s32 s2, s17  }
0x8e: {  	[smem:$0x3FC2] =	sst s2  }
0x8f: {  	_ = 	snop  }
0x90: {  	s2 =	sld [smem:$0x3FD0];
	(tm) =	ssettm $0x1  }
0x91: {  	s18 =	sld [smem:$0x3FFB];
	_ =	sdelay $0x3  }
0x92: {  	_ =	strace s18  }
0x93: {  	s3 =	sld [smem:$0x3FFC];
	_ =	sdelay $0x3  }
0x94: {  	_ =	strace s3  }
0x95: {  	s3 =	sld [smem:$0x3FFD];
	_ =	sdelay $0x3  }
0x96: {  	_ =	strace s3  }
0x97: {  	_ =	strace $0x8FFFFFFF  }
0x98: {  	s19 =	sld [smem:$0x3FDB];
	_ =	sdelay $0x1  }
0x99: {  	s4 =	simm.s32 $_scs_section_size  }
0x9a: {  	s5 =	simm.s32 $_size__tile_overlayer_lowered;
	s6 =	simm.s32 $_tile_overlayer_lowered  }
0x9b: {  	s22 =	simm.s32 $0x1BFF;
	s21 =	sshll.u32 s6, $0x1;
	s3 =	sadd.s32 s4, s19  }
0x9c: {  	s7 =	simm.s32 $0x0;
	s20 =	sshll.u32 s5, $0x1;
	s5 =	sadd.s32 s21, s3  }
0x9d: {  	[timem:s7], [sflag:s22] =	dma.local [hbm:s5], s20  }
0x9e: {  	_ =	swait.ge [sflag:s22], s20  }
0x9f: {  	s4 =	ssub.s32 $0x0, s20;
	[sflag:s22] =	ssyncset.done $0x0  }
0xa0: {  	[sflag:s22] =	ssyncadd.s32 s4;
	_ =	sdelay $0x1  }
0xa1: {  	s23 =	simm.s32 $0x1B8B  }
0xa2: {  	_ =	swait.ge [sflag:s23], $0x1  }
0xa3: {  	[sflag:s23] =	ssyncset.done $0x0  }
0xa4: {  	s25 =	simm.s32 $0x1B8E;
	s24 =	sld [smem:$0x3FFE];
	[sflag:s23] =	ssyncadd.s32 $0xFFFFFFFF  }
0xa5: {  	s26 =	simm.s32 $execute0_lowered;
	[smem:$0x3FD2] =	sst s25  }
0xa6: {  	s5 =	sshll.u32 s26, $0x1;
	_ =	strace $0x8000004F;
	[dreg:$0x1] =	wrdreg $0xFFFFFFFF  }
0xa7: {  	s28 =	simm.s32 $_size_execute0_lowered;
	s3 =	sadd.s32 s3, s5;
	[dreg:$0x0] =	wrdreg $0x0  }
0xa8: {  	s5 =	sshll.u32 s28, $0x1;
	[dreg:$0x2] =	wrdreg s3  }
0xa9: {  	[dreg:$0x3] =	wrdreg s5  }
0xaa: {  	[dreg:$0x4] =	wrdreg $0xC0  }
0xab: {  	_ =	task [dreg:s7], $0x5FFFF  }
0xac: {  	[dreg:$0x1] =	wrdreg $0xFFFFFFFF  }
0xad: {  	[dreg:$0x0] =	wrdreg $0x60  }
0xae: {  	[dreg:$0x2] =	wrdreg s24  }
0xaf: {  	[dreg:$0x3] =	wrdreg s2  }
0xb0: {  	[dreg:$0x4] =	wrdreg $0x9  }
0xb1: {  	_ =	task.clear_ibuf [dreg:s7], $0x5FFFF;
	_ =	strace $0x9000004F  }
0xb2: {  	s29 =	simm.s32 $0x9;
	_ =	strace $0x80000051  }
0xb3: {  	_ =	swait.ge [sflag:s29], $0x1  }
0xb4: {  	[sflag:s29] =	ssyncadd.s32 $0xFFFFFFFF  }
0xb5: {  	_ =	strace $0x90000051  }
0xb6: {  	_ =	sfence  }
0xb7: {  	s30 =	sld [smem:$0x0];
	_ =	sdelay $0x2  }
0xb8: {  	s31 =	sshll.u32 s1, $0xD;
	s1 =	sshrl.u32 s1, $0x2  }
0xb9: {  	s3 =	sand.u32 $0x4000, s31;
	s1 =	sadd.s32 s1, s30  }
0xba: {  	s0 =	sor.u32 s3, s0;
	s1 =	sshll.u32 s1, $0x11  }
0xbb: {  	s0 =	sor.u32 s1, s0  }
0xbc: {  	s0 =	sadd.s32 $0x8F2B, s0  }
0xbd: {  	[sflag:s0] =	ssyncadd.remote.s32 $0x1  }
0xbe: {  	_ =	sfence.sel $0xFFFF  }
0xbf: {  	[dreg:$0x0] =	wrdreg $0xFFFFFFFF;
	(pc) =	sbr.abs _section_cstart, $3  }
0xc0: {  	[dreg:$0x1] =	wrdreg $0xFFFFFFFF  }
0xc1: {  	_ =	task.clear_ibuf [dreg:s7], $0x2FFFF;
	_ =	strace $0x9FFFFFFF  }
0xc2: {  	(tm) =	ssettm $0x7FFFFFFF  }
0xc3: {  	_ =	shalt  }
tec
execute0_lowered:
.L_overlay_start_1:
0x0: {  	(tag) =	ssettag $0x1  }
0x1: {  	s0 =	rddreg [dreg:$0x0]  }
0x2: {  	s1 =	rddreg [dreg:$0x1]  }
0x3: {  	s2 =	srdreg.scid;
	s3 =	stileid.u32  }
0x4: {  	s19 =	simm.s32 $0x3;
	s20 =	simm.s32 $0x2;
	s21 =	simm.s32 $0x4  }
0x5: {  	s23 =	simm.s32 $0x880;
	s24 =	simm.s32 $0x1080;
	s28 =	simm.s32 $0x2080  }
0x6: {  	s29 =	simm.s32 $0x2880;
	s30 =	simm.s32 $0x3080;
	s31 =	simm.s32 $0x3880  }
0x7: {  	s10 =	simm.s32 $0x5080;
	s11 =	simm.s32 $0x5880;
	s12 =	simm.s32 $0x6080  }
0x8: {  	s13 =	simm.s32 $0x6880;
	s14 =	simm.s32 $0x7080;
	s15 =	simm.s32 $0x7880  }
0x9: {  	s18 =	simm.s32 $0x8080;
	s16 =	simm.s32 $0x8880;
	s4 =	sand.u32 $0x1, s2  }
0xa: {  	s2 =	simm.s32 $0x0;
	s3 =	sshll.u32 s3, $0x8;
	s5 =	sshll.u32 s4, $0x7  }
0xb: {  	s17 =	simm.s32 $0x9080;
	[smem:$0x7FF] =	sst s2;
	s5 =	sor.u32 s5, s3  }
0xc: {  	s4 =	ssub.s32 $0x2, s4;
	_ =	strace $0x80000050;
	s6 =	sshrl.u32 s5, $0x3  }
0xd: {  	s3 =	sadd.s32 $0x2400, s0;
	s5 =	sshll.u32 s5, $0x7;
	s6 =	sadd.s32 s6, s0  }
0xe: {  	s7 =	sshrl.u32 s4, $0x1;
	s1 =	sadd.s32 s5, s1;
	s6 =	sadd.s32 $0x22600, s6  }
0xf: {  	s7 =	ssub.s32 s4, s7;
	s5 =	sadd.s32 $0x180000, s1;
	[dreg:$0x3] =	wrdreg s6  }
0x10: {  	s4 =	sadd.s32 $0x2500, s0;
	s25 =	sadd.s32 $0x181000, s1;
	[dreg:$0x4] =	wrdreg s5  }
0x11: {  	s7 =	smax.u32 s7, $0x1;
	s8 =	sadd.s32 $0x182000, s1;
	[dreg:$0x5] =	wrdreg s25  }
0x12: {  	v2 =	vlaneseq.u32;
	s26 =	sadd.s32 $0x183000, s1;
	s1 =	simm.s32 $0x4880;
	[dreg:$0x6] =	wrdreg s8  }
0x13: {  	vm0 =	vmmov $0xffff;
	v1 =	vshrl.u32 v2, $0x3;
	s5 =	sadd.s32 $0x2600, s0;
	s6 =	sadd.s32 $0x2700, s0;
	[dreg:$0x7] =	wrdreg s26  }
0x14: {  	v0 =	vand.u32 $0x7, v2;
	v2 =	vor.u32 $0x8, v2;
	v1 =	vmul.u32 $0x8, v1;
	s8 =	simm.s32 $0x1;
	s25 =	simm.s32 $0x80;
	s26 =	simm.s32 $0x1880  }
.LBB2_1:
0x15: {  	s22 =	rddreg [dreg:$0x3];
	s0 =	simm.s32 $0x5  }
0x16: {  	[tilespmem:s2], [sflag:$0x5] =	stream.linear.gather [hbm4b:s22+s2], $0x80, $0x38;
	[tilespmem:$0x10080] =	vst v63  }
0x17: {  	_ =	swait.ge [sflag:s0], $0x80  }
0x18: {  	[sflag:s0] =	ssyncset.done $0x0  }
0x19: {  	[sflag:s0] =	ssyncadd.s32 $0xFFFFFF80  }
0x1a: {  	v3 =	vld [tilespmem:$0x0];
	_ =	sdelay $0x4  }
0x1b: {  	v4 =	vshll.u32 v3, $0x3  }
0x1c: {  	v3 =	vand.u32 $0x7, v3;
	v4 =	vand.u32 $0xFFFFFFC0, v4  }
0x1d: {  	v3 =	vor.u32 v3, v4  }
0x1e: {  	v4 =	vperm.xlane v3, v0;
	_ =	sdelay $0x1  }
0x1f: {  	v4 =	vadd.s32 v1, v4;
	_ =	sdelay $0x4  }
0x20: {  	[tilespmem:s25], [sflag:$0x1] =	stream.indirect_vreg.gather [hbm4b:s3+s2], $0x80, v4, vm0, $0xb8;
	[tilespmem:$0x10080] =	vst v63  }
0x21: {  	v3 =	vperm.xlane v3, v2  }
0x22: {  	[tilespmem:s23], [sflag:$0x1] =	stream.indirect_vreg.gather [hbm4b:s4+s2], $0x80, v4, vm0, $0xb8;
	[tilespmem:$0x10080] =	vst v63  }
0x23: {  	v3 =	vadd.s32 v1, v3  }
0x24: {  	[tilespmem:s24], [sflag:$0x1] =	stream.indirect_vreg.gather [hbm4b:s5+s2], $0x80, v4, vm0, $0xb8;
	[tilespmem:$0x10080] =	vst v63  }
0x25: {  	_ = 	snop  }
0x26: {  	[tilespmem:s26], [sflag:$0x1] =	stream.indirect_vreg.gather [hbm4b:s6+s2], $0x80, v4, vm0, $0xb8;
	[tilespmem:$0x10080] =	vst v63  }
0x27: {  	_ = 	snop  }
0x28: {  	[tilespmem:s28], [sflag:$0x1] =	stream.indirect_vreg.gather [hbm4b:s3+s2], $0x80, v3, vm0, $0xb8;
	[tilespmem:$0x10080] =	vst v63  }
0x29: {  	_ = 	snop  }
0x2a: {  	[tilespmem:s29], [sflag:$0x1] =	stream.indirect_vreg.gather [hbm4b:s4+s2], $0x80, v3, vm0, $0xb8;
	[tilespmem:$0x10080] =	vst v63  }
0x2b: {  	_ = 	snop  }
0x2c: {  	[tilespmem:s30], [sflag:$0x1] =	stream.indirect_vreg.gather [hbm4b:s5+s2], $0x80, v3, vm0, $0xb8;
	[tilespmem:$0x10080] =	vst v63  }
0x2d: {  	_ = 	snop  }
0x2e: {  	[tilespmem:s31], [sflag:$0x1] =	stream.indirect_vreg.gather [hbm4b:s6+s2], $0x80, v3, vm0, $0xb8;
	[tilespmem:$0x10080] =	vst v63  }
0x2f: {  	v3 =	vld [tilespmem:$0x10];
	_ =	sdelay $0x4  }
0x30: {  	v57 =	vshll.u32 v3, $0x3  }
0x31: {  	v3 =	vand.u32 $0x7, v3;
	v4 =	vand.u32 $0xFFFFFFC0, v57  }
0x32: {  	v3 =	vor.u32 v3, v4  }
0x33: {  	v4 =	vperm.xlane v3, v0;
	_ =	sdelay $0x1  }
0x34: {  	v4 =	vadd.s32 v1, v4;
	_ =	sdelay $0x3  }
0x35: {  	s0 =	simm.s32 $0x4080  }
0x36: {  	[tilespmem:s0], [sflag:$0x1] =	stream.indirect_vreg.gather [hbm4b:s3+s2], $0x80, v4, vm0, $0xb8;
	[tilespmem:$0x10080] =	vst v63  }
0x37: {  	v3 =	vperm.xlane v3, v2  }
0x38: {  	[tilespmem:s1], [sflag:$0x1] =	stream.indirect_vreg.gather [hbm4b:s4+s2], $0x80, v4, vm0, $0xb8;
	[tilespmem:$0x10080] =	vst v63  }
0x39: {  	v3 =	vadd.s32 v1, v3  }
0x3a: {  	[tilespmem:s10], [sflag:$0x1] =	stream.indirect_vreg.gather [hbm4b:s5+s2], $0x80, v4, vm0, $0xb8;
	[tilespmem:$0x10080] =	vst v63  }
0x3b: {  	_ = 	snop  }
0x3c: {  	[tilespmem:s11], [sflag:$0x1] =	stream.indirect_vreg.gather [hbm4b:s6+s2], $0x80, v4, vm0, $0xb8;
	[tilespmem:$0x10080] =	vst v63  }
0x3d: {  	_ = 	snop  }
0x3e: {  	[tilespmem:s12], [sflag:$0x1] =	stream.indirect_vreg.gather [hbm4b:s3+s2], $0x80, v3, vm0, $0xb8;
	[tilespmem:$0x10080] =	vst v63  }
0x3f: {  	_ = 	snop  }
0x40: {  	[tilespmem:s13], [sflag:$0x1] =	stream.indirect_vreg.gather [hbm4b:s4+s2], $0x80, v3, vm0, $0xb8;
	[tilespmem:$0x10080] =	vst v63  }
0x41: {  	_ = 	snop  }
0x42: {  	[tilespmem:s14], [sflag:$0x1] =	stream.indirect_vreg.gather [hbm4b:s5+s2], $0x80, v3, vm0, $0xb8;
	[tilespmem:$0x10080] =	vst v63  }
0x43: {  	_ = 	snop  }
0x44: {  	[tilespmem:s15], [sflag:$0x1] =	stream.indirect_vreg.gather [hbm4b:s6+s2], $0x80, v3, vm0, $0xb8;
	[tilespmem:$0x10080] =	vst v63  }
0x45: {  	v3 =	vld [tilespmem:$0x20];
	_ =	sdelay $0x4  }
0x46: {  	v58 =	vshll.u32 v3, $0x3  }
0x47: {  	v3 =	vand.u32 $0x7, v3;
	v4 =	vand.u32 $0xFFFFFFC0, v58  }
0x48: {  	v3 =	vor.u32 v3, v4  }
0x49: {  	v4 =	vperm.xlane v3, v0;
	_ =	sdelay $0x1  }
0x4a: {  	v4 =	vadd.s32 v1, v4;
	_ =	sdelay $0x4  }
0x4b: {  	[tilespmem:s18], [sflag:$0x2] =	stream.indirect_vreg.gather [hbm4b:s3+s2], $0x80, v4, vm0, $0xb8;
	[tilespmem:$0x10080] =	vst v63  }
0x4c: {  	v3 =	vperm.xlane v3, v2  }
0x4d: {  	[tilespmem:s16], [sflag:$0x2] =	stream.indirect_vreg.gather [hbm4b:s4+s2], $0x80, v4, vm0, $0xb8;
	[tilespmem:$0x10080] =	vst v63  }
0x4e: {  	v3 =	vadd.s32 v1, v3  }
0x4f: {  	[tilespmem:s17], [sflag:$0x2] =	stream.indirect_vreg.gather [hbm4b:s5+s2], $0x80, v4, vm0, $0xb8;
	[tilespmem:$0x10080] =	vst v63  }
0x50: {  	s9 =	simm.s32 $0x9880  }
0x51: {  	[tilespmem:s9], [sflag:$0x2] =	stream.indirect_vreg.gather [hbm4b:s6+s2], $0x80, v4, vm0, $0xb8;
	[tilespmem:$0x10080] =	vst v63  }
0x52: {  	s9 =	simm.s32 $0xA080  }
0x53: {  	[tilespmem:s9], [sflag:$0x2] =	stream.indirect_vreg.gather [hbm4b:s3+s2], $0x80, v3, vm0, $0xb8;
	[tilespmem:$0x10080] =	vst v63  }
0x54: {  	s22 =	simm.s32 $0xA880  }
0x55: {  	[tilespmem:s22], [sflag:$0x2] =	stream.indirect_vreg.gather [hbm4b:s4+s2], $0x80, v3, vm0, $0xb8;
	[tilespmem:$0x10080] =	vst v63  }
0x56: {  	s22 =	simm.s32 $0xB080  }
0x57: {  	[tilespmem:s22], [sflag:$0x2] =	stream.indirect_vreg.gather [hbm4b:s5+s2], $0x80, v3, vm0, $0xb8;
	[tilespmem:$0x10080] =	vst v63  }
0x58: {  	s22 =	simm.s32 $0xB880  }
0x59: {  	[tilespmem:s22], [sflag:$0x2] =	stream.indirect_vreg.gather [hbm4b:s6+s2], $0x80, v3, vm0, $0xb8;
	[tilespmem:$0x10080] =	vst v63  }
0x5a: {  	v3 =	vld [tilespmem:$0x30];
	_ =	sdelay $0x4  }
0x5b: {  	v59 =	vshll.u32 v3, $0x3  }
0x5c: {  	v3 =	vand.u32 $0x7, v3;
	v4 =	vand.u32 $0xFFFFFFC0, v59  }
0x5d: {  	v3 =	vor.u32 v3, v4  }
0x5e: {  	v4 =	vperm.xlane v3, v0;
	_ =	sdelay $0x1  }
0x5f: {  	v4 =	vadd.s32 v1, v4;
	_ =	sdelay $0x3  }
0x60: {  	s22 =	simm.s32 $0xC080  }
0x61: {  	[tilespmem:s22], [sflag:$0x2] =	stream.indirect_vreg.gather [hbm4b:s3+s2], $0x80, v4, vm0, $0xb8;
	[tilespmem:$0x10080] =	vst v63  }
0x62: {  	v3 =	vperm.xlane v3, v2;
	s22 =	simm.s32 $0xC880  }
0x63: {  	[tilespmem:s22], [sflag:$0x2] =	stream.indirect_vreg.gather [hbm4b:s4+s2], $0x80, v4, vm0, $0xb8;
	[tilespmem:$0x10080] =	vst v63  }
0x64: {  	v3 =	vadd.s32 v1, v3;
	s22 =	simm.s32 $0xD080  }
0x65: {  	[tilespmem:s22], [sflag:$0x2] =	stream.indirect_vreg.gather [hbm4b:s5+s2], $0x80, v4, vm0, $0xb8;
	[tilespmem:$0x10080] =	vst v63  }
0x66: {  	s22 =	simm.s32 $0xD880  }
0x67: {  	[tilespmem:s22], [sflag:$0x2] =	stream.indirect_vreg.gather [hbm4b:s6+s2], $0x80, v4, vm0, $0xb8;
	[tilespmem:$0x10080] =	vst v63  }
0x68: {  	s22 =	simm.s32 $0xE080  }
0x69: {  	[tilespmem:s22], [sflag:$0x2] =	stream.indirect_vreg.gather [hbm4b:s3+s2], $0x80, v3, vm0, $0xb8;
	[tilespmem:$0x10080] =	vst v63  }
0x6a: {  	s22 =	simm.s32 $0xE880  }
0x6b: {  	[tilespmem:s22], [sflag:$0x2] =	stream.indirect_vreg.gather [hbm4b:s4+s2], $0x80, v3, vm0, $0xb8;
	[tilespmem:$0x10080] =	vst v63  }
0x6c: {  	s22 =	simm.s32 $0xF080  }
0x6d: {  	[tilespmem:s22], [sflag:$0x2] =	stream.indirect_vreg.gather [hbm4b:s5+s2], $0x80, v3, vm0, $0xb8;
	[tilespmem:$0x10080] =	vst v63  }
0x6e: {  	s22 =	simm.s32 $0xF880  }
0x6f: {  	[tilespmem:s22], [sflag:$0x2] =	stream.indirect_vreg.gather [hbm4b:s6+s2], $0x80, v3, vm0, $0xb8;
	[tilespmem:$0x10080] =	vst v63  }
0x70: {  	_ =	swait.ge [sflag:s8], $0x8000  }
0x71: {  	[sflag:s8] =	ssyncset.done $0x0  }
0x72: {  	s22 =	rddreg [dreg:$0x4];
	[sflag:s8] =	ssyncadd.s32 $0xFFFF8000  }
0x73: {  	[hbm4b:s22+s2] =	stream.linear.scatter [tilespmem:s25], [sflag:$0x3], $0x8000, $0x38;
	[tilespmem:$0x10080] =	vst v63  }
0x74: {  	_ =	swait.ge [sflag:s19], $0x8000  }
0x75: {  	[sflag:s19] =	ssyncset.done $0x0  }
0x76: {  	[sflag:s19] =	ssyncadd.s32 $0xFFFF8000  }
0x77: {  	v3 =	vld [tilespmem:$0x40];
	_ =	sdelay $0x4  }
0x78: {  	v60 =	vshll.u32 v3, $0x3  }
0x79: {  	v3 =	vand.u32 $0x7, v3;
	v4 =	vand.u32 $0xFFFFFFC0, v60  }
0x7a: {  	v3 =	vor.u32 v3, v4  }
0x7b: {  	v4 =	vperm.xlane v3, v0;
	_ =	sdelay $0x1  }
0x7c: {  	v4 =	vadd.s32 v1, v4;
	_ =	sdelay $0x4  }
0x7d: {  	[tilespmem:s25], [sflag:$0x1] =	stream.indirect_vreg.gather [hbm4b:s3+s2], $0x80, v4, vm0, $0xb8;
	[tilespmem:$0x10080] =	vst v63  }
0x7e: {  	v3 =	vperm.xlane v3, v2  }
0x7f: {  	[tilespmem:s23], [sflag:$0x1] =	stream.indirect_vreg.gather [hbm4b:s4+s2], $0x80, v4, vm0, $0xb8;
	[tilespmem:$0x10080] =	vst v63  }
0x80: {  	v3 =	vadd.s32 v1, v3  }
0x81: {  	[tilespmem:s24], [sflag:$0x1] =	stream.indirect_vreg.gather [hbm4b:s5+s2], $0x80, v4, vm0, $0xb8;
	[tilespmem:$0x10080] =	vst v63  }
0x82: {  	_ = 	snop  }
0x83: {  	[tilespmem:s26], [sflag:$0x1] =	stream.indirect_vreg.gather [hbm4b:s6+s2], $0x80, v4, vm0, $0xb8;
	[tilespmem:$0x10080] =	vst v63  }
0x84: {  	_ = 	snop  }
0x85: {  	[tilespmem:s28], [sflag:$0x1] =	stream.indirect_vreg.gather [hbm4b:s3+s2], $0x80, v3, vm0, $0xb8;
	[tilespmem:$0x10080] =	vst v63  }
0x86: {  	_ = 	snop  }
0x87: {  	[tilespmem:s29], [sflag:$0x1] =	stream.indirect_vreg.gather [hbm4b:s4+s2], $0x80, v3, vm0, $0xb8;
	[tilespmem:$0x10080] =	vst v63  }
0x88: {  	_ = 	snop  }
0x89: {  	[tilespmem:s30], [sflag:$0x1] =	stream.indirect_vreg.gather [hbm4b:s5+s2], $0x80, v3, vm0, $0xb8;
	[tilespmem:$0x10080] =	vst v63  }
0x8a: {  	_ = 	snop  }
0x8b: {  	[tilespmem:s31], [sflag:$0x1] =	stream.indirect_vreg.gather [hbm4b:s6+s2], $0x80, v3, vm0, $0xb8;
	[tilespmem:$0x10080] =	vst v63  }
0x8c: {  	v3 =	vld [tilespmem:$0x50];
	_ =	sdelay $0x4  }
0x8d: {  	v61 =	vshll.u32 v3, $0x3  }
0x8e: {  	v3 =	vand.u32 $0x7, v3;
	v4 =	vand.u32 $0xFFFFFFC0, v61  }
0x8f: {  	v3 =	vor.u32 v3, v4  }
0x90: {  	v4 =	vperm.xlane v3, v0;
	_ =	sdelay $0x1  }
0x91: {  	v4 =	vadd.s32 v1, v4;
	_ =	sdelay $0x4  }
0x92: {  	[tilespmem:s0], [sflag:$0x1] =	stream.indirect_vreg.gather [hbm4b:s3+s2], $0x80, v4, vm0, $0xb8;
	[tilespmem:$0x10080] =	vst v63  }
0x93: {  	v3 =	vperm.xlane v3, v2  }
0x94: {  	[tilespmem:s1], [sflag:$0x1] =	stream.indirect_vreg.gather [hbm4b:s4+s2], $0x80, v4, vm0, $0xb8;
	[tilespmem:$0x10080] =	vst v63  }
0x95: {  	v3 =	vadd.s32 v1, v3  }
0x96: {  	[tilespmem:s10], [sflag:$0x1] =	stream.indirect_vreg.gather [hbm4b:s5+s2], $0x80, v4, vm0, $0xb8;
	[tilespmem:$0x10080] =	vst v63  }
0x97: {  	_ = 	snop  }
0x98: {  	[tilespmem:s11], [sflag:$0x1] =	stream.indirect_vreg.gather [hbm4b:s6+s2], $0x80, v4, vm0, $0xb8;
	[tilespmem:$0x10080] =	vst v63  }
0x99: {  	_ = 	snop  }
0x9a: {  	[tilespmem:s12], [sflag:$0x1] =	stream.indirect_vreg.gather [hbm4b:s3+s2], $0x80, v3, vm0, $0xb8;
	[tilespmem:$0x10080] =	vst v63  }
0x9b: {  	_ = 	snop  }
0x9c: {  	[tilespmem:s13], [sflag:$0x1] =	stream.indirect_vreg.gather [hbm4b:s4+s2], $0x80, v3, vm0, $0xb8;
	[tilespmem:$0x10080] =	vst v63  }
0x9d: {  	_ = 	snop  }
0x9e: {  	[tilespmem:s14], [sflag:$0x1] =	stream.indirect_vreg.gather [hbm4b:s5+s2], $0x80, v3, vm0, $0xb8;
	[tilespmem:$0x10080] =	vst v63  }
0x9f: {  	_ = 	snop  }
0xa0: {  	[tilespmem:s15], [sflag:$0x1] =	stream.indirect_vreg.gather [hbm4b:s6+s2], $0x80, v3, vm0, $0xb8;
	[tilespmem:$0x10080] =	vst v63  }
0xa1: {  	_ =	swait.ge [sflag:s20], $0x8000  }
0xa2: {  	[sflag:s20] =	ssyncset.done $0x0  }
0xa3: {  	s0 =	rddreg [dreg:$0x5];
	[sflag:s20] =	ssyncadd.s32 $0xFFFF8000  }
0xa4: {  	[hbm4b:s0+s2] =	stream.linear.scatter [tilespmem:s18], [sflag:$0x4], $0x8000, $0x38;
	[tilespmem:$0x10080] =	vst v63  }
0xa5: {  	_ =	swait.ge [sflag:s21], $0x8000  }
0xa6: {  	[sflag:s21] =	ssyncset.done $0x0  }
0xa7: {  	[sflag:s21] =	ssyncadd.s32 $0xFFFF8000  }
0xa8: {  	v3 =	vld [tilespmem:$0x60];
	_ =	sdelay $0x4  }
0xa9: {  	v62 =	vshll.u32 v3, $0x3  }
0xaa: {  	v3 =	vand.u32 $0x7, v3;
	v4 =	vand.u32 $0xFFFFFFC0, v62  }
0xab: {  	v3 =	vor.u32 v3, v4  }
0xac: {  	v4 =	vperm.xlane v3, v0;
	_ =	sdelay $0x1  }
0xad: {  	v4 =	vadd.s32 v1, v4;
	_ =	sdelay $0x4  }
0xae: {  	[tilespmem:s18], [sflag:$0x2] =	stream.indirect_vreg.gather [hbm4b:s3+s2], $0x80, v4, vm0, $0xb8;
	[tilespmem:$0x10080] =	vst v63  }
0xaf: {  	v3 =	vperm.xlane v3, v2  }
0xb0: {  	[tilespmem:s16], [sflag:$0x2] =	stream.indirect_vreg.gather [hbm4b:s4+s2], $0x80, v4, vm0, $0xb8;
	[tilespmem:$0x10080] =	vst v63  }
0xb1: {  	v3 =	vadd.s32 v1, v3  }
0xb2: {  	[tilespmem:s17], [sflag:$0x2] =	stream.indirect_vreg.gather [hbm4b:s5+s2], $0x80, v4, vm0, $0xb8;
	[tilespmem:$0x10080] =	vst v63  }
0xb3: {  	s22 =	simm.s32 $0x9880  }
0xb4: {  	[tilespmem:s22], [sflag:$0x2] =	stream.indirect_vreg.gather [hbm4b:s6+s2], $0x80, v4, vm0, $0xb8;
	[tilespmem:$0x10080] =	vst v63  }
0xb5: {  	_ = 	snop  }
0xb6: {  	[tilespmem:s9], [sflag:$0x2] =	stream.indirect_vreg.gather [hbm4b:s3+s2], $0x80, v3, vm0, $0xb8;
	[tilespmem:$0x10080] =	vst v63  }
0xb7: {  	s22 =	simm.s32 $0xA880  }
0xb8: {  	[tilespmem:s22], [sflag:$0x2] =	stream.indirect_vreg.gather [hbm4b:s4+s2], $0x80, v3, vm0, $0xb8;
	[tilespmem:$0x10080] =	vst v63  }
0xb9: {  	s9 =	simm.s32 $0xB080  }
0xba: {  	[tilespmem:s9], [sflag:$0x2] =	stream.indirect_vreg.gather [hbm4b:s5+s2], $0x80, v3, vm0, $0xb8;
	[tilespmem:$0x10080] =	vst v63  }
0xbb: {  	s22 =	simm.s32 $0xB880  }
0xbc: {  	[tilespmem:s22], [sflag:$0x2] =	stream.indirect_vreg.gather [hbm4b:s6+s2], $0x80, v3, vm0, $0xb8;
	[tilespmem:$0x10080] =	vst v63  }
0xbd: {  	v3 =	vld [tilespmem:$0x70];
	_ =	sdelay $0x4  }
0xbe: {  	v63 =	vshll.u32 v3, $0x3  }
0xbf: {  	v3 =	vand.u32 $0x7, v3;
	v4 =	vand.u32 $0xFFFFFFC0, v63  }
0xc0: {  	v3 =	vor.u32 v3, v4  }
0xc1: {  	v4 =	vperm.xlane v3, v0;
	_ =	sdelay $0x1  }
0xc2: {  	v4 =	vadd.s32 v1, v4;
	_ =	sdelay $0x3  }
0xc3: {  	s9 =	simm.s32 $0xC080  }
0xc4: {  	[tilespmem:s9], [sflag:$0x2] =	stream.indirect_vreg.gather [hbm4b:s3+s2], $0x80, v4, vm0, $0xb8;
	[tilespmem:$0x10080] =	vst v63  }
0xc5: {  	s22 =	simm.s32 $0xC880;
	v3 =	vperm.xlane v3, v2  }
0xc6: {  	[tilespmem:s22], [sflag:$0x2] =	stream.indirect_vreg.gather [hbm4b:s4+s2], $0x80, v4, vm0, $0xb8;
	[tilespmem:$0x10080] =	vst v63  }
0xc7: {  	v3 =	vadd.s32 v1, v3;
	s9 =	simm.s32 $0xD080  }
0xc8: {  	[tilespmem:s9], [sflag:$0x2] =	stream.indirect_vreg.gather [hbm4b:s5+s2], $0x80, v4, vm0, $0xb8;
	[tilespmem:$0x10080] =	vst v63  }
0xc9: {  	s22 =	simm.s32 $0xD880  }
0xca: {  	[tilespmem:s22], [sflag:$0x2] =	stream.indirect_vreg.gather [hbm4b:s6+s2], $0x80, v4, vm0, $0xb8;
	[tilespmem:$0x10080] =	vst v63  }
0xcb: {  	s9 =	simm.s32 $0xE080  }
0xcc: {  	[tilespmem:s9], [sflag:$0x2] =	stream.indirect_vreg.gather [hbm4b:s3+s2], $0x80, v3, vm0, $0xb8;
	[tilespmem:$0x10080] =	vst v63  }
0xcd: {  	s22 =	simm.s32 $0xE880  }
0xce: {  	[tilespmem:s22], [sflag:$0x2] =	stream.indirect_vreg.gather [hbm4b:s4+s2], $0x80, v3, vm0, $0xb8;
	[tilespmem:$0x10080] =	vst v63  }
0xcf: {  	s9 =	simm.s32 $0xF080  }
0xd0: {  	[tilespmem:s9], [sflag:$0x2] =	stream.indirect_vreg.gather [hbm4b:s5+s2], $0x80, v3, vm0, $0xb8;
	[tilespmem:$0x10080] =	vst v63  }
0xd1: {  	s22 =	simm.s32 $0xF880  }
0xd2: {  	[tilespmem:s22], [sflag:$0x2] =	stream.indirect_vreg.gather [hbm4b:s6+s2], $0x80, v3, vm0, $0xb8;
	[tilespmem:$0x10080] =	vst v63  }
0xd3: {  	_ =	swait.ge [sflag:s8], $0x8000  }
0xd4: {  	[sflag:s8] =	ssyncset.done $0x0  }
0xd5: {  	s0 =	rddreg [dreg:$0x6];
	[sflag:s8] =	ssyncadd.s32 $0xFFFF8000  }
0xd6: {  	[hbm4b:s0+s2] =	stream.linear.scatter [tilespmem:s25], [sflag:$0x3], $0x8000, $0x38;
	[tilespmem:$0x10080] =	vst v63  }
0xd7: {  	_ =	swait.ge [sflag:s20], $0x8000  }
0xd8: {  	[sflag:s20] =	ssyncset.done $0x0  }
0xd9: {  	s9 =	rddreg [dreg:$0x7];
	[sflag:s20] =	ssyncadd.s32 $0xFFFF8000  }
0xda: {  	[hbm4b:s9+s2] =	stream.linear.scatter [tilespmem:s18], [sflag:$0x4], $0x8000, $0x38;
	[tilespmem:$0x10080] =	vst v63  }
0xdb: {  	p0 =	sne.s32 s7, $0x1;
	_ =	swait.ge [sflag:s19], $0x8000  }
.Ltmp0:
0xdc: {  	[sflag:s19] =	ssyncset.done $0x0;
	(pc) =	sbr.rel @p0 .LBB2_1-.Ltmp0, $4  }
0xdd: {  	[sflag:s19] =	ssyncadd.s32 $0xFFFF8000  }
0xde: {  	_ =	swait.ge [sflag:s21], $0x8000  }
0xdf: {  	[sflag:s21] =	ssyncset.done $0x0  }
0xe0: {  	s7 =	sadd.s32 $0xFFFFFFFF, s7;
	[sflag:s21] =	ssyncadd.s32 $0xFFFF8000  }
0xe1: {  	_ =	sfence.sel $0x180000  }
0xe2: {  	[bflag:$0x0] =	sbarrier.arrive $0xFFFF  }
0xe3: {  	_ =	strace $0x90000050  }
0xe4: {  	s0 =	stileid.u32;
	[bflag:$0x2] =	sbarrier.arrive $0xFFFF  }
0xe5: {  	p0 =	sne.s32 s0, $0x0;
	s0 =	rddreg [dreg:$0x2]  }
0xe6: {  	s0 =	sadd.s32 @!p0 $0x100000, s0  }
0xe7: {  	[sflag:s0] =	ssyncadd.tile.s32 @!p0 $0x1;
	_ =	shalt  }
.Lfunc_end2:
_tile_overlayer_lowered:
.L_overlay_start_2:
0xe8: {  	(tag) =	ssettag $0x2  }
0xe9: {  	s0 =	rddreg [dreg:$0x0];
	s2 =	stileid.u32  }
0xea: {  	s1 =	rddreg [dreg:$0x1];
	p0 =	sne.s32 s2, $0x0  }
0xeb: {  	s3 =	rddreg [dreg:$0x2];
	[bflag:$0x3] =	sbarrier.arrive $0xFFFF;
	s2 =	simm.s32 @!p0 $0x1C05  }
0xec: {  	[timem:s3], [sflag:s2] =	dma.local @!p0 [hbm:s0], s1  }
0xed: {  	s0 =	simm.s32 @!p0 $0x5  }
0xee: {  	_ =	swait.ge @!p0 [sflag:s0], s1  }
0xef: {  	s1 =	ssub.s32 @!p0 $0x0, s1;
	[sflag:s0] =	ssyncset.done @!p0 $0x0  }
0xf0: {  	[sflag:s0] =	ssyncadd.s32 @!p0 s1  }
0xf1: {  	[bflag:$0x3] =	sbarrier.arrive $0xFFFF  }
0xf2: {  	_ =	shalt  }

</sc_bundles>
